<compile_context>
chip_gen: v7x
topology: tpu7x:2x2x1
jax: 0.10.2.dev20260603
libtpu: 0.0.44.dev20260713+nightly
codegen_flags: <defaults>
</compile_context>

<pallas_src>
import functools

import jax
import jax.numpy as jnp
from jax import lax
from jax.experimental import pallas as pl
from jax.experimental.pallas import tpu as pltpu
from jax.experimental.pallas import tpu_sc as plsc

N = 10000
D = 128
K = 32
H1 = 128
H2 = 64
C = 10
NP = 10240
NPK = NP * K

SC_NC = 2
SC_NS = 16
SC_NW = SC_NC * SC_NS
CH = 128


def _gate_body(x_ref, wg_ref, bg_ref, xg_ref, asum_ref):
    i = pl.program_id(0)
    att = jax.nn.sigmoid(
        jnp.dot(x_ref[...], wg_ref[...], preferred_element_type=jnp.float32)
        + bg_ref[...]
    )
    xg_ref[...] = x_ref[...] * att

    @pl.when(i == 0)
    def _():
        asum_ref[0, 0] = 0.0

    asum_ref[0, 0] += jnp.sum(jnp.abs(att))


def _gate(x, wg, bg):
    brg = 400
    return pl.pallas_call(
        _gate_body,
        grid=(N // brg,),
        in_specs=[
            pl.BlockSpec((brg, D), lambda i: (i, 0)),
            pl.BlockSpec((D, D), lambda i: (0, 0)),
            pl.BlockSpec((1, D), lambda i: (0, 0)),
        ],
        out_specs=[
            pl.BlockSpec((brg, D), lambda i: (i, 0)),
            pl.BlockSpec(memory_space=pltpu.SMEM),
        ],
        out_shape=[
            jax.ShapeDtypeStruct((N, D), jnp.float32),
            jax.ShapeDtypeStruct((1, 1), jnp.float32),
        ],
    )(x, wg, bg)


KG = NP // 128
KR = 6
FS = 512


def _knn_body(xg3_ref, xgt_ref, nbr_ref, d3_ref, *, br):
    i = pl.program_id(0)
    xgr_t = xgt_ref[...]
    sq_r = jnp.sum(xgr_t * xgr_t, axis=0, keepdims=True)
    rows = lax.broadcasted_iota(jnp.int32, (FS, br), 1) + i * br
    lcol = lax.broadcasted_iota(jnp.int32, (FS, br), 0)
    gper = FS // 128

    def fill(g, _):
        slab = xg3_ref[g]
        sq_c = jnp.sum(slab * slab, axis=1, keepdims=True)
        dot = jnp.dot(slab, xgr_t, preferred_element_type=jnp.float32)
        dist = (sq_r + sq_c) - 2.0 * dot
        cols = lcol + g * FS
        dist = jnp.where((cols == rows) | (cols >= N), jnp.inf, dist)
        d3_ref[pl.ds(g * gper, gper)] = jnp.reshape(dist, (gper, 128, br))
        return 0

    lax.fori_loop(0, NP // FS, fill, 0)

    col3 = (lax.broadcasted_iota(jnp.int32, (KG, 128, br), 0) * 128
            + lax.broadcasted_iota(jnp.int32, (KG, 128, br), 1))
    big = jnp.int32(1 << 20)
    r_iota = lax.broadcasted_iota(jnp.int32, (KG, KR, br), 1)

    def rnd(r, carry):
        cv, ci = carry
        dd = d3_ref[...]
        gv = jnp.min(dd, axis=1, keepdims=True)
        m = dd == gv
        gc = jnp.min(jnp.where(m, col3, big), axis=1, keepdims=True)
        d3_ref[...] = jnp.where(m, jnp.inf, dd)
        rsel = r_iota == r
        cv = jnp.where(rsel, gv, cv)
        ci = jnp.where(rsel, gc, ci)
        return cv, ci

    cv, ci = lax.fori_loop(
        0, KR, rnd,
        (jnp.full((KG, KR, br), jnp.inf, jnp.float32),
         jnp.zeros((KG, KR, br), jnp.int32)),
    )

    kkk = lax.broadcasted_iota(jnp.int32, (K, br), 0)

    def sel(k, carry):
        cvv, acc = carry
        v = jnp.min(jnp.min(cvv, axis=1, keepdims=True), axis=0, keepdims=True)
        si = jnp.min(jnp.min(jnp.where(cvv == v, ci, big),
                             axis=1, keepdims=True), axis=0, keepdims=True)
        cvv = jnp.where(ci == si, jnp.inf, cvv)
        acc = acc + jnp.reshape(si, (1, br)) * (kkk == k).astype(jnp.int32)
        return cvv, acc

    _, acc = lax.fori_loop(0, K, sel, (cv, jnp.zeros((K, br), jnp.int32)))
    nbr_ref[...] = acc


def _knn(xg3, xgt):
    br = 256
    return pl.pallas_call(
        functools.partial(_knn_body, br=br),
        grid=(NP // br,),
        in_specs=[
            pl.BlockSpec((NP // FS, FS, D), lambda i: (0, 0, 0)),
            pl.BlockSpec((D, br), lambda i: (0, i)),
        ],
        out_specs=pl.BlockSpec((K, br), lambda i: (0, i)),
        out_shape=jax.ShapeDtypeStruct((K, NP), jnp.int32),
        scratch_shapes=[
            pltpu.VMEM((KG, 128, br), jnp.float32),
        ],
    )(xg3, xgt)


def _pre_body(hin_ref, w_ref, ad_ref, h_ref, hd_ref, *, act):
    hin = hin_ref[...]
    if act == "elu":
        hin = jnp.where(hin > 0, hin, jnp.exp(hin) - 1.0)
    h = jnp.dot(hin, w_ref[...], preferred_element_type=jnp.float32)
    h_ref[...] = h
    hd_ref[...] = jnp.dot(h, ad_ref[...], preferred_element_type=jnp.float32)


def _pre(hin, w, a_d, act):
    brp = 512
    din, dout = w.shape
    return pl.pallas_call(
        functools.partial(_pre_body, act=act),
        grid=(NP // brp,),
        in_specs=[
            pl.BlockSpec((brp, din), lambda i: (i, 0)),
            pl.BlockSpec((din, dout), lambda i: (0, 0)),
            pl.BlockSpec((dout, 1), lambda i: (0, 0)),
        ],
        out_specs=[
            pl.BlockSpec((brp, dout), lambda i: (i, 0)),
            pl.BlockSpec((brp, 1), lambda i: (i, 0)),
        ],
        out_shape=[
            jax.ShapeDtypeStruct((NP, dout), jnp.float32),
            jax.ShapeDtypeStruct((NP, 1), jnp.float32),
        ],
    )(hin, w, a_d)


def _gather_sc(h, src, hdim):
    b_per_w = NPK // SC_NW
    n_chunks = b_per_w // CH
    mesh = plsc.VectorSubcoreMesh(core_axis_name="c", subcore_axis_name="s")

    @functools.partial(
        pl.kernel,
        mesh=mesh,
        out_type=jax.ShapeDtypeStruct((NPK, hdim), jnp.float32),
        scratch_types=[
            pltpu.VMEM((CH,), jnp.int32),
            pltpu.VMEM((CH,), jnp.int32),
            pltpu.VMEM((CH, hdim), jnp.float32),
            pltpu.VMEM((CH, hdim), jnp.float32),
            pltpu.SemaphoreType.DMA,
            pltpu.SemaphoreType.DMA,
            pltpu.SemaphoreType.DMA,
            pltpu.SemaphoreType.DMA,
        ],
    )
    def gk(h_hbm, src_hbm, rows_out, idx0, idx1, rows0, rows1, s0, s1, s2, s3):
        wid = lax.axis_index("s") * SC_NC + lax.axis_index("c")
        base = wid * b_per_w

        def chunk2(co, _):
            off0 = base + (2 * co) * CH
            off1 = off0 + CH
            pltpu.sync_copy(src_hbm.at[pl.ds(off0, CH)], idx0)
            g0 = pltpu.async_copy(h_hbm.at[idx0], rows0, s0)
            pltpu.sync_copy(src_hbm.at[pl.ds(off1, CH)], idx1)
            g1 = pltpu.async_copy(h_hbm.at[idx1], rows1, s1)
            g0.wait()
            w0 = pltpu.async_copy(rows0, rows_out.at[pl.ds(off0, CH)], s2)
            g1.wait()
            w1 = pltpu.async_copy(rows1, rows_out.at[pl.ds(off1, CH)], s3)
            w0.wait()
            w1.wait()
            return 0

        lax.fori_loop(0, n_chunks // 2, chunk2, 0)

    return gk(h, src)


def _gatt_body(rows_ref, as_ref, hd_ref, out_ref):
    hd = hd_ref[...]
    e3 = jnp.sum(rows_ref[...] * as_ref[...], axis=2, keepdims=True)
    e = []
    for k in range(K):
        ek = e3[:, k, :] + hd
        e.append(jnp.where(ek > 0, ek, 0.2 * ek))
    m = e[0]
    for k in range(1, K):
        m = jnp.maximum(m, e[k])
    ex = [jnp.exp(e[k] - m) for k in range(K)]
    s = ex[0]
    for k in range(1, K):
        s = s + ex[k]
    inv = 1.0 / (s + 1e-16)
    acc = (ex[0] * inv) * rows_ref[:, 0, :]
    for k in range(1, K):
        acc += (ex[k] * inv) * rows_ref[:, k, :]
    out_ref[...] = acc[:, : out_ref.shape[1]]


def _gatt(rows3, a_s_row, hd, hdim, out_dim):
    bn = 128
    return pl.pallas_call(
        functools.partial(_gatt_body),
        grid=(NP // bn,),
        in_specs=[
            pl.BlockSpec((bn, K, hdim), lambda i: (i, 0, 0)),
            pl.BlockSpec((1, 1, hdim), lambda i: (0, 0, 0)),
            pl.BlockSpec((bn, 1), lambda i: (i, 0)),
        ],
        out_specs=pl.BlockSpec((bn, out_dim), lambda i: (i, 0)),
        out_shape=jax.ShapeDtypeStruct((NP, out_dim), jnp.float32),
    )(rows3, a_s_row, hd)


def _loss_body(rep_ref, y_ref, wc_ref, bc_ref, asum_ref, loss_ref, *, nblk):
    i = pl.program_id(0)
    logits = (
        jnp.dot(rep_ref[...], wc_ref[...], preferred_element_type=jnp.float32)
        + bc_ref[...]
    )
    m = jnp.max(logits, axis=1, keepdims=True)
    sh = logits - m
    lse = jnp.log(jnp.sum(jnp.exp(sh), axis=1, keepdims=True))
    logp = sh - lse
    cid = lax.broadcasted_iota(jnp.int32, logp.shape, 1)
    picked = jnp.sum(jnp.where(cid == y_ref[...], logp, 0.0))

    @pl.when(i == 0)
    def _():
        loss_ref[0, 0] = 0.0

    loss_ref[0, 0] += picked

    @pl.when(i == nblk - 1)
    def _():
        loss_ref[0, 0] = -loss_ref[0, 0] / N + 1e-6 * asum_ref[0, 0]


def _loss(rep, y2, wc, bc, asum):
    blk = 400
    nblk = N // blk
    return pl.pallas_call(
        functools.partial(_loss_body, nblk=nblk),
        grid=(nblk,),
        in_specs=[
            pl.BlockSpec((blk, H2), lambda i: (i, 0)),
            pl.BlockSpec((blk, 1), lambda i: (i, 0)),
            pl.BlockSpec((H2, C), lambda i: (0, 0)),
            pl.BlockSpec((1, C), lambda i: (0, 0)),
            pl.BlockSpec(memory_space=pltpu.SMEM),
        ],
        out_specs=pl.BlockSpec(memory_space=pltpu.SMEM),
        out_shape=jax.ShapeDtypeStruct((1, 1), jnp.float32),
    )(rep, y2, wc, bc, asum)


def kernel(x, y, W_gate, b_gate, W1, a_src1, a_dst1, W2, a_src2, a_dst2, Wc, bc):
    xg, asum = _gate(x, W_gate, b_gate.reshape(1, D))
    xg_pad = jnp.concatenate([xg, jnp.zeros((NP - N, D), jnp.float32)], axis=0)
    nbr = _knn(xg_pad.reshape(NP // FS, FS, D), xg_pad.T).T
    src = nbr.reshape(-1)

    h1, hd1 = _pre(xg_pad, W1, a_dst1.reshape(H1, 1), act=None)
    rows1 = _gather_sc(h1, src, H1)
    o1 = _gatt(rows1.reshape(NP, K, H1), a_src1.reshape(1, 1, H1), hd1, H1, H1)

    w2p = jnp.concatenate([W2, jnp.zeros((H1, H1 - H2), jnp.float32)], axis=1)
    ad2p = jnp.concatenate([a_dst2, jnp.zeros((H1 - H2,), jnp.float32)])
    as2p = jnp.concatenate([a_src2, jnp.zeros((H1 - H2,), jnp.float32)])
    h2, hd2 = _pre(o1, w2p, ad2p.reshape(H1, 1), act="elu")
    rows2 = _gather_sc(h2, src, H1)
    o2 = _gatt(rows2.reshape(NP, K, H1), as2p.reshape(1, 1, H1), hd2, H1, H2)

    rep = o2[:N]
    loss = _loss(rep, y.reshape(N, 1), Wc, bc.reshape(1, C), asum)
    return rep, loss[0, 0]

# --- scband reference (transcript-rebuilt; emitter-appended) ---
"""Pipeline reference for scband-dynamical-graph-learning-82016695485298 (READ-ONLY COPY).

The authoritative reference and input builder live on the scoring server;
editing this copy changes nothing except your own understanding.
"""

import jax, jax.numpy as jnp
import numpy as np

N = 10000
D = 128
K = 32
H1 = 128
H2 = 64
C = 10

def setup_inputs(seed: int = 0):
    key = jax.random.key(seed)
    ks = jax.random.split(key, 12)
    def w(k, shape, scale=0.05):
        return jax.random.normal(k, shape, jnp.float32) * scale
    return {
        "x": jax.random.normal(ks[0], (N, D), jnp.float32),
        "y": jax.random.randint(ks[1], (N,), 0, C, jnp.int32),
        "W_gate": w(ks[2], (D, D)),
        "b_gate": jnp.zeros((D,), jnp.float32),
        "W1": w(ks[3], (D, H1)),
        "a_src1": w(ks[4], (H1,)),
        "a_dst1": w(ks[5], (H1,)),
        "W2": w(ks[6], (H1, H2)),
        "a_src2": w(ks[7], (H2,)),
        "a_dst2": w(ks[8], (H2,)),
        "Wc": w(ks[9], (H2, C)),
        "bc": jnp.zeros((C,), jnp.float32),
    }

def _gat_layer(h_in, src, dst, W, a_s, a_d, n_nodes):
    h = h_in @ W
    e = (h @ a_s)[src] + (h @ a_d)[dst]
    e = jax.nn.leaky_relu(e, 0.2)
    m = jax.ops.segment_max(e, dst, num_segments=n_nodes)
    m = jnp.where(jnp.isfinite(m), m, 0.0)
    ex = jnp.exp(e - m[dst])
    s = jax.ops.segment_sum(ex, dst, num_segments=n_nodes)
    alpha = ex / (s[dst] + 1e-16)
    out = jnp.zeros((n_nodes, h.shape[1]), h.dtype).at[dst].add(alpha[:, None] * h[src])
    return out

def _forward(x, W_gate, b_gate, W1, a_src1, a_dst1, W2, a_src2, a_dst2, Wc, bc, y):
    # GateSelect: per-feature attention gate
    att = jax.nn.sigmoid(x @ W_gate + b_gate)
    xg = x * att
    # utlis.get_adj: kNN graph on gated features (euclidean)
    sq = jnp.sum(xg * xg, axis=1)
    dist = sq[:, None] + sq[None, :] - 2.0 * (xg @ xg.T)
    dist = dist.at[jnp.arange(N), jnp.arange(N)].set(jnp.inf)
    _, nbr = jax.lax.top_k(-dist, K)
    src = nbr.reshape(-1)
    dst = jnp.repeat(jnp.arange(N), K)
    # EncoderGAT: 2-layer GAT encoder
    h1 = jax.nn.elu(_gat_layer(xg, src, dst, W1, a_src1, a_dst1, N))
    rep = _gat_layer(h1, src, dst, W2, a_src2, a_dst2, N)
    # classifier head + loss
    logits = rep @ Wc + bc
    logp = jax.nn.log_softmax(logits, axis=-1)
    loss_pre = -jnp.mean(logp[jnp.arange(N), y])
    loss_fc = jnp.sum(jnp.abs(att))
    loss = 1.0 * loss_pre + 1e-06 * loss_fc
    return rep, loss

def reference(x, y, W_gate, b_gate, W1, a_src1, a_dst1, W2, a_src2, a_dst2, Wc, bc):
    return _forward(x, W_gate, b_gate, W1, a_src1, a_dst1, W2, a_src2, a_dst2, Wc, bc, y)

if __name__ == "__main__":
    import jax
    _d = setup_inputs()
    print(jax.jit(kernel)(*tuple(_d.values())))

</pallas_src>

<mosaic_0001>
#map = affine_map<(d0, d1) -> (0, 0)>
#map1 = affine_map<(d0, d1) -> (0)>
module attributes {stable_mosaic.version = 14 : i64} {
  func.func @gk(%arg0: i32, %arg1: i32, %arg2: memref<10240x128xf32, #tpu.memory_space<hbm>>, %arg3: memref<327680xi32, #tpu.memory_space<hbm>>, %arg4: memref<327680x128xf32, #tpu.memory_space<hbm>>, %arg5: memref<128xi32, #tpu.memory_space<vmem>>, %arg6: memref<128xi32, #tpu.memory_space<vmem>>, %arg7: memref<128x128xf32, #tpu.memory_space<vmem>>, %arg8: memref<128x128xf32, #tpu.memory_space<vmem>>, %arg9: memref<!tpu.dma_semaphore, #tpu.memory_space<semaphore_mem>>, %arg10: memref<!tpu.dma_semaphore, #tpu.memory_space<semaphore_mem>>, %arg11: memref<!tpu.dma_semaphore, #tpu.memory_space<semaphore_mem>>, %arg12: memref<!tpu.dma_semaphore, #tpu.memory_space<semaphore_mem>>) attributes {dimension_semantics = [#tpu.dimension_semantics<core_parallel>, #tpu.dimension_semantics<subcore_parallel>], iteration_bounds = array<i64: 2, 16>, scalar_prefetch = 0 : i64, scratch_operands = 8 : i64, tpu.core_type = #tpu.core_type<sc_vector_subcore>, window_params = [{transform_indices = #map}, {transform_indices = #map1}, {transform_indices = #map}]} {
    %mul3A = arith.constant 2 : i32
    %mul3A_0 = arith.muli %arg1, %mul3A : i32
    %add3A = arith.addi %mul3A_0, %arg0 : i32
    %mul3A_1 = arith.constant 10240 : i32
    %mul3A_2 = arith.muli %add3A, %mul3A_1 : i32
    %scan3A = arith.constant 0 : i32
    %scan3A_3 = arith.constant 0 : i32
    %scan3A_4 = arith.constant 40 : i32
    %scan3A_5 = arith.addi %scan3A_3, %scan3A_4 : i32
    %scan3A_6 = arith.constant 1 : i32
    %scan3A_7 = scf.for %scan3A_9 = %scan3A_3 to %scan3A_5 step %scan3A_6 iter_args(%scan3A_10 = %scan3A) -> (i32)  : i32 {
      %mul3A_11 = arith.constant 2 : i32
      %mul3A_12 = arith.muli %mul3A_11, %scan3A_9 : i32
      %mul3A_13 = arith.constant 128 : i32
      %mul3A_14 = arith.muli %mul3A_12, %mul3A_13 : i32
      %add3A_15 = arith.addi %mul3A_2, %mul3A_14 : i32
      %add3A_16 = arith.constant 128 : i32
      %add3A_17 = arith.addi %add3A_15, %add3A_16 : i32
      "tpu.region"() ({
        %run_scoped3A = tpu.sem_alloc : memref<!tpu.dma_semaphore, #tpu.memory_space<semaphore_mem>>
        %dma_start3A_45 = tpu.memref_slice %arg3[%add3A_15] : memref<327680xi32, #tpu.memory_space<hbm>> -> memref<128xi32, #tpu.memory_space<hbm>>
        %dma_start3A_46 = tpu.memref_slice %arg3[%add3A_15] : memref<327680xi32, #tpu.memory_space<hbm>> -> memref<128xi32, #tpu.memory_space<hbm>>
        tpu.enqueue_dma source(%dma_start3A_46 : memref<128xi32, #tpu.memory_space<hbm>>) target(%arg5 : memref<128xi32, #tpu.memory_space<vmem>>) target_semaphore(%run_scoped3A : memref<!tpu.dma_semaphore, #tpu.memory_space<semaphore_mem>>)
        %dma_wait3A_47 = tpu.memref_slice %arg3[%add3A_15] : memref<327680xi32, #tpu.memory_space<hbm>> -> memref<128xi32, #tpu.memory_space<hbm>>
        %dma_wait3A_48 = tpu.memref_slice %arg3[%add3A_15] : memref<327680xi32, #tpu.memory_space<hbm>> -> memref<128xi32, #tpu.memory_space<hbm>>
        tpu.wait_dma2 semaphore(%run_scoped3A : memref<!tpu.dma_semaphore, #tpu.memory_space<semaphore_mem>>) src(%dma_wait3A_48 : memref<128xi32, #tpu.memory_space<hbm>>) dst(%arg5 : memref<128xi32, #tpu.memory_space<vmem>>)
        tpu.yield
      }) : () -> ()
      %dma_start3A = arith.constant 0 : i32
      %dma_start3A_18 = arith.constant 0 : i32
      %dma_start3A_19 = tpu.memref_slice %arg2[%dma_start3A, %dma_start3A_18] : memref<10240x128xf32, #tpu.memory_space<hbm>> -> memref<10240x128xf32, #tpu.memory_space<hbm>>
      tpu.enqueue_indirect_dma source(%dma_start3A_19 : memref<10240x128xf32, #tpu.memory_space<hbm>>) target(%arg7 : memref<128x128xf32, #tpu.memory_space<vmem>>) offsets(%arg5 : memref<128xi32, #tpu.memory_space<vmem>>) semaphore(%arg9 : memref<!tpu.dma_semaphore, #tpu.memory_space<semaphore_mem>>)
      "tpu.region"() ({
        %run_scoped3A = tpu.sem_alloc : memref<!tpu.dma_semaphore, #tpu.memory_space<semaphore_mem>>
        %dma_start3A_45 = tpu.memref_slice %arg3[%add3A_17] : memref<327680xi32, #tpu.memory_space<hbm>> -> memref<128xi32, #tpu.memory_space<hbm>>
        %dma_start3A_46 = tpu.memref_slice %arg3[%add3A_17] : memref<327680xi32, #tpu.memory_space<hbm>> -> memref<128xi32, #tpu.memory_space<hbm>>
        tpu.enqueue_dma source(%dma_start3A_46 : memref<128xi32, #tpu.memory_space<hbm>>) target(%arg6 : memref<128xi32, #tpu.memory_space<vmem>>) target_semaphore(%run_scoped3A : memref<!tpu.dma_semaphore, #tpu.memory_space<semaphore_mem>>)
        %dma_wait3A_47 = tpu.memref_slice %arg3[%add3A_17] : memref<327680xi32, #tpu.memory_space<hbm>> -> memref<128xi32, #tpu.memory_space<hbm>>
        %dma_wait3A_48 = tpu.memref_slice %arg3[%add3A_17] : memref<327680xi32, #tpu.memory_space<hbm>> -> memref<128xi32, #tpu.memory_space<hbm>>
        tpu.wait_dma2 semaphore(%run_scoped3A : memref<!tpu.dma_semaphore, #tpu.memory_space<semaphore_mem>>) src(%dma_wait3A_48 : memref<128xi32, #tpu.memory_space<hbm>>) dst(%arg6 : memref<128xi32, #tpu.memory_space<vmem>>)
        tpu.yield
      }) : () -> ()
      %dma_start3A_20 = arith.constant 0 : i32
      %dma_start3A_21 = arith.constant 0 : i32
      %dma_start3A_22 = tpu.memref_slice %arg2[%dma_start3A_20, %dma_start3A_21] : memref<10240x128xf32, #tpu.memory_space<hbm>> -> memref<10240x128xf32, #tpu.memory_space<hbm>>
      tpu.enqueue_indirect_dma source(%dma_start3A_22 : memref<10240x128xf32, #tpu.memory_space<hbm>>) target(%arg8 : memref<128x128xf32, #tpu.memory_space<vmem>>) offsets(%arg6 : memref<128xi32, #tpu.memory_space<vmem>>) semaphore(%arg10 : memref<!tpu.dma_semaphore, #tpu.memory_space<semaphore_mem>>)
      %dma_wait3A = arith.constant 0 : i32
      %dma_wait3A_23 = arith.constant 0 : i32
      %dma_wait3A_24 = tpu.memref_slice %arg2[%dma_wait3A, %dma_wait3A_23] : memref<10240x128xf32, #tpu.memory_space<hbm>> -> memref<10240x128xf32, #tpu.memory_space<hbm>>
      tpu.wait_indirect_dma semaphore(%arg9 : memref<!tpu.dma_semaphore, #tpu.memory_space<semaphore_mem>>) src(%dma_wait3A_24 : memref<10240x128xf32, #tpu.memory_space<hbm>>) dst(%arg7 : memref<128x128xf32, #tpu.memory_space<vmem>>)
      %dma_start3A_25 = arith.constant 0 : i32
      %dma_start3A_26 = tpu.memref_slice %arg4[%add3A_15, %dma_start3A_25] : memref<327680x128xf32, #tpu.memory_space<hbm>> -> memref<128x128xf32, #tpu.memory_space<hbm>>
      %dma_start3A_27 = arith.constant 0 : i32
      %dma_start3A_28 = tpu.memref_slice %arg4[%add3A_15, %dma_start3A_27] : memref<327680x128xf32, #tpu.memory_space<hbm>> -> memref<128x128xf32, #tpu.memory_space<hbm>>
      tpu.enqueue_dma source(%arg7 : memref<128x128xf32, #tpu.memory_space<vmem>>) target(%dma_start3A_28 : memref<128x128xf32, #tpu.memory_space<hbm>>) target_semaphore(%arg11 : memref<!tpu.dma_semaphore, #tpu.memory_space<semaphore_mem>>)
      %dma_wait3A_29 = arith.constant 0 : i32
      %dma_wait3A_30 = arith.constant 0 : i32
      %dma_wait3A_31 = tpu.memref_slice %arg2[%dma_wait3A_29, %dma_wait3A_30] : memref<10240x128xf32, #tpu.memory_space<hbm>> -> memref<10240x128xf32, #tpu.memory_space<hbm>>
      tpu.wait_indirect_dma semaphore(%arg10 : memref<!tpu.dma_semaphore, #tpu.memory_space<semaphore_mem>>) src(%dma_wait3A_31 : memref<10240x128xf32, #tpu.memory_space<hbm>>) dst(%arg8 : memref<128x128xf32, #tpu.memory_space<vmem>>)
      %dma_start3A_32 = arith.constant 0 : i32
      %dma_start3A_33 = tpu.memref_slice %arg4[%add3A_17, %dma_start3A_32] : memref<327680x128xf32, #tpu.memory_space<hbm>> -> memref<128x128xf32, #tpu.memory_space<hbm>>
      %dma_start3A_34 = arith.constant 0 : i32
      %dma_start3A_35 = tpu.memref_slice %arg4[%add3A_17, %dma_start3A_34] : memref<327680x128xf32, #tpu.memory_space<hbm>> -> memref<128x128xf32, #tpu.memory_space<hbm>>
      tpu.enqueue_dma source(%arg8 : memref<128x128xf32, #tpu.memory_space<vmem>>) target(%dma_start3A_35 : memref<128x128xf32, #tpu.memory_space<hbm>>) target_semaphore(%arg12 : memref<!tpu.dma_semaphore, #tpu.memory_space<semaphore_mem>>)
      %dma_wait3A_36 = arith.constant 0 : i32
      %dma_wait3A_37 = tpu.memref_slice %arg4[%add3A_15, %dma_wait3A_36] : memref<327680x128xf32, #tpu.memory_space<hbm>> -> memref<128x128xf32, #tpu.memory_space<hbm>>
      %dma_wait3A_38 = arith.constant 0 : i32
      %dma_wait3A_39 = tpu.memref_slice %arg4[%add3A_15, %dma_wait3A_38] : memref<327680x128xf32, #tpu.memory_space<hbm>> -> memref<128x128xf32, #tpu.memory_space<hbm>>
      tpu.wait_dma2 semaphore(%arg11 : memref<!tpu.dma_semaphore, #tpu.memory_space<semaphore_mem>>) src(%arg7 : memref<128x128xf32, #tpu.memory_space<vmem>>) dst(%dma_wait3A_39 : memref<128x128xf32, #tpu.memory_space<hbm>>)
      %dma_wait3A_40 = arith.constant 0 : i32
      %dma_wait3A_41 = tpu.memref_slice %arg4[%add3A_17, %dma_wait3A_40] : memref<327680x128xf32, #tpu.memory_space<hbm>> -> memref<128x128xf32, #tpu.memory_space<hbm>>
      %dma_wait3A_42 = arith.constant 0 : i32
      %dma_wait3A_43 = tpu.memref_slice %arg4[%add3A_17, %dma_wait3A_42] : memref<327680x128xf32, #tpu.memory_space<hbm>> -> memref<128x128xf32, #tpu.memory_space<hbm>>
      tpu.wait_dma2 semaphore(%arg12 : memref<!tpu.dma_semaphore, #tpu.memory_space<semaphore_mem>>) src(%arg8 : memref<128x128xf32, #tpu.memory_space<vmem>>) dst(%dma_wait3A_43 : memref<128x128xf32, #tpu.memory_space<hbm>>)
      %scan3A_44 = arith.constant 0 : i32
      scf.yield %scan3A_44 : i32
    }
    %scan3A_8 = arith.constant 40 : i32
    return
  }
}

#map = affine_map<(d0, d1) -> (0, 0)>
#map1 = affine_map<(d0, d1) -> (0)>
module attributes {stable_mosaic.version = 14 : i64} {
  func.func @gk(%arg0: i32, %arg1: i32, %arg2: memref<10240x128xf32, #tpu.memory_space<hbm>>, %arg3: memref<327680xi32, #tpu.memory_space<hbm>>, %arg4: memref<327680x128xf32, #tpu.memory_space<hbm>>, %arg5: memref<128xi32, #tpu.memory_space<vmem>>, %arg6: memref<128xi32, #tpu.memory_space<vmem>>, %arg7: memref<128x128xf32, #tpu.memory_space<vmem>>, %arg8: memref<128x128xf32, #tpu.memory_space<vmem>>, %arg9: memref<!tpu.dma_semaphore, #tpu.memory_space<semaphore_mem>>, %arg10: memref<!tpu.dma_semaphore, #tpu.memory_space<semaphore_mem>>, %arg11: memref<!tpu.dma_semaphore, #tpu.memory_space<semaphore_mem>>, %arg12: memref<!tpu.dma_semaphore, #tpu.memory_space<semaphore_mem>>) attributes {dimension_semantics = [#tpu.dimension_semantics<core_parallel>, #tpu.dimension_semantics<subcore_parallel>], iteration_bounds = array<i64: 2, 16>, scalar_prefetch = 0 : i64, scratch_operands = 8 : i64, tpu.core_type = #tpu.core_type<sc_vector_subcore>, window_params = [{transform_indices = #map}, {transform_indices = #map1}, {transform_indices = #map}]} {
    %mul3A = arith.constant 2 : i32
    %mul3A_0 = arith.muli %arg1, %mul3A : i32
    %add3A = arith.addi %mul3A_0, %arg0 : i32
    %mul3A_1 = arith.constant 10240 : i32
    %mul3A_2 = arith.muli %add3A, %mul3A_1 : i32
    %scan3A = arith.constant 0 : i32
    %scan3A_3 = arith.constant 0 : i32
    %scan3A_4 = arith.constant 40 : i32
    %scan3A_5 = arith.addi %scan3A_3, %scan3A_4 : i32
    %scan3A_6 = arith.constant 1 : i32
    %scan3A_7 = scf.for %scan3A_9 = %scan3A_3 to %scan3A_5 step %scan3A_6 iter_args(%scan3A_10 = %scan3A) -> (i32)  : i32 {
      %mul3A_11 = arith.constant 2 : i32
      %mul3A_12 = arith.muli %mul3A_11, %scan3A_9 : i32
      %mul3A_13 = arith.constant 128 : i32
      %mul3A_14 = arith.muli %mul3A_12, %mul3A_13 : i32
      %add3A_15 = arith.addi %mul3A_2, %mul3A_14 : i32
      %add3A_16 = arith.constant 128 : i32
      %add3A_17 = arith.addi %add3A_15, %add3A_16 : i32
      "tpu.region"() ({
        %run_scoped3A = tpu.sem_alloc : memref<!tpu.dma_semaphore, #tpu.memory_space<semaphore_mem>>
        %dma_start3A_45 = tpu.memref_slice %arg3[%add3A_15] : memref<327680xi32, #tpu.memory_space<hbm>> -> memref<128xi32, #tpu.memory_space<hbm>>
        %dma_start3A_46 = tpu.memref_slice %arg3[%add3A_15] : memref<327680xi32, #tpu.memory_space<hbm>> -> memref<128xi32, #tpu.memory_space<hbm>>
        tpu.enqueue_dma source(%dma_start3A_46 : memref<128xi32, #tpu.memory_space<hbm>>) target(%arg5 : memref<128xi32, #tpu.memory_space<vmem>>) target_semaphore(%run_scoped3A : memref<!tpu.dma_semaphore, #tpu.memory_space<semaphore_mem>>)
        %dma_wait3A_47 = tpu.memref_slice %arg3[%add3A_15] : memref<327680xi32, #tpu.memory_space<hbm>> -> memref<128xi32, #tpu.memory_space<hbm>>
        %dma_wait3A_48 = tpu.memref_slice %arg3[%add3A_15] : memref<327680xi32, #tpu.memory_space<hbm>> -> memref<128xi32, #tpu.memory_space<hbm>>
        tpu.wait_dma2 semaphore(%run_scoped3A : memref<!tpu.dma_semaphore, #tpu.memory_space<semaphore_mem>>) src(%dma_wait3A_48 : memref<128xi32, #tpu.memory_space<hbm>>) dst(%arg5 : memref<128xi32, #tpu.memory_space<vmem>>)
        tpu.yield
      }) : () -> ()
      %dma_start3A = arith.constant 0 : i32
      %dma_start3A_18 = arith.constant 0 : i32
      %dma_start3A_19 = tpu.memref_slice %arg2[%dma_start3A, %dma_start3A_18] : memref<10240x128xf32, #tpu.memory_space<hbm>> -> memref<10240x128xf32, #tpu.memory_space<hbm>>
      tpu.enqueue_indirect_dma source(%dma_start3A_19 : memref<10240x128xf32, #tpu.memory_space<hbm>>) target(%arg7 : memref<128x128xf32, #tpu.memory_space<vmem>>) offsets(%arg5 : memref<128xi32, #tpu.memory_space<vmem>>) semaphore(%arg9 : memref<!tpu.dma_semaphore, #tpu.memory_space<semaphore_mem>>)
      "tpu.region"() ({
        %run_scoped3A = tpu.sem_alloc : memref<!tpu.dma_semaphore, #tpu.memory_space<semaphore_mem>>
        %dma_start3A_45 = tpu.memref_slice %arg3[%add3A_17] : memref<327680xi32, #tpu.memory_space<hbm>> -> memref<128xi32, #tpu.memory_space<hbm>>
        %dma_start3A_46 = tpu.memref_slice %arg3[%add3A_17] : memref<327680xi32, #tpu.memory_space<hbm>> -> memref<128xi32, #tpu.memory_space<hbm>>
        tpu.enqueue_dma source(%dma_start3A_46 : memref<128xi32, #tpu.memory_space<hbm>>) target(%arg6 : memref<128xi32, #tpu.memory_space<vmem>>) target_semaphore(%run_scoped3A : memref<!tpu.dma_semaphore, #tpu.memory_space<semaphore_mem>>)
        %dma_wait3A_47 = tpu.memref_slice %arg3[%add3A_17] : memref<327680xi32, #tpu.memory_space<hbm>> -> memref<128xi32, #tpu.memory_space<hbm>>
        %dma_wait3A_48 = tpu.memref_slice %arg3[%add3A_17] : memref<327680xi32, #tpu.memory_space<hbm>> -> memref<128xi32, #tpu.memory_space<hbm>>
        tpu.wait_dma2 semaphore(%run_scoped3A : memref<!tpu.dma_semaphore, #tpu.memory_space<semaphore_mem>>) src(%dma_wait3A_48 : memref<128xi32, #tpu.memory_space<hbm>>) dst(%arg6 : memref<128xi32, #tpu.memory_space<vmem>>)
        tpu.yield
      }) : () -> ()
      %dma_start3A_20 = arith.constant 0 : i32
      %dma_start3A_21 = arith.constant 0 : i32
      %dma_start3A_22 = tpu.memref_slice %arg2[%dma_start3A_20, %dma_start3A_21] : memref<10240x128xf32, #tpu.memory_space<hbm>> -> memref<10240x128xf32, #tpu.memory_space<hbm>>
      tpu.enqueue_indirect_dma source(%dma_start3A_22 : memref<10240x128xf32, #tpu.memory_space<hbm>>) target(%arg8 : memref<128x128xf32, #tpu.memory_space<vmem>>) offsets(%arg6 : memref<128xi32, #tpu.memory_space<vmem>>) semaphore(%arg10 : memref<!tpu.dma_semaphore, #tpu.memory_space<semaphore_mem>>)
      %dma_wait3A = arith.constant 0 : i32
      %dma_wait3A_23 = arith.constant 0 : i32
      %dma_wait3A_24 = tpu.memref_slice %arg2[%dma_wait3A, %dma_wait3A_23] : memref<10240x128xf32, #tpu.memory_space<hbm>> -> memref<10240x128xf32, #tpu.memory_space<hbm>>
      tpu.wait_indirect_dma semaphore(%arg9 : memref<!tpu.dma_semaphore, #tpu.memory_space<semaphore_mem>>) src(%dma_wait3A_24 : memref<10240x128xf32, #tpu.memory_space<hbm>>) dst(%arg7 : memref<128x128xf32, #tpu.memory_space<vmem>>)
      %dma_start3A_25 = arith.constant 0 : i32
      %dma_start3A_26 = tpu.memref_slice %arg4[%add3A_15, %dma_start3A_25] : memref<327680x128xf32, #tpu.memory_space<hbm>> -> memref<128x128xf32, #tpu.memory_space<hbm>>
      %dma_start3A_27 = arith.constant 0 : i32
      %dma_start3A_28 = tpu.memref_slice %arg4[%add3A_15, %dma_start3A_27] : memref<327680x128xf32, #tpu.memory_space<hbm>> -> memref<128x128xf32, #tpu.memory_space<hbm>>
      tpu.enqueue_dma source(%arg7 : memref<128x128xf32, #tpu.memory_space<vmem>>) target(%dma_start3A_28 : memref<128x128xf32, #tpu.memory_space<hbm>>) target_semaphore(%arg11 : memref<!tpu.dma_semaphore, #tpu.memory_space<semaphore_mem>>)
      %dma_wait3A_29 = arith.constant 0 : i32
      %dma_wait3A_30 = arith.constant 0 : i32
      %dma_wait3A_31 = tpu.memref_slice %arg2[%dma_wait3A_29, %dma_wait3A_30] : memref<10240x128xf32, #tpu.memory_space<hbm>> -> memref<10240x128xf32, #tpu.memory_space<hbm>>
      tpu.wait_indirect_dma semaphore(%arg10 : memref<!tpu.dma_semaphore, #tpu.memory_space<semaphore_mem>>) src(%dma_wait3A_31 : memref<10240x128xf32, #tpu.memory_space<hbm>>) dst(%arg8 : memref<128x128xf32, #tpu.memory_space<vmem>>)
      %dma_start3A_32 = arith.constant 0 : i32
      %dma_start3A_33 = tpu.memref_slice %arg4[%add3A_17, %dma_start3A_32] : memref<327680x128xf32, #tpu.memory_space<hbm>> -> memref<128x128xf32, #tpu.memory_space<hbm>>
      %dma_start3A_34 = arith.constant 0 : i32
      %dma_start3A_35 = tpu.memref_slice %arg4[%add3A_17, %dma_start3A_34] : memref<327680x128xf32, #tpu.memory_space<hbm>> -> memref<128x128xf32, #tpu.memory_space<hbm>>
      tpu.enqueue_dma source(%arg8 : memref<128x128xf32, #tpu.memory_space<vmem>>) target(%dma_start3A_35 : memref<128x128xf32, #tpu.memory_space<hbm>>) target_semaphore(%arg12 : memref<!tpu.dma_semaphore, #tpu.memory_space<semaphore_mem>>)
      %dma_wait3A_36 = arith.constant 0 : i32
      %dma_wait3A_37 = tpu.memref_slice %arg4[%add3A_15, %dma_wait3A_36] : memref<327680x128xf32, #tpu.memory_space<hbm>> -> memref<128x128xf32, #tpu.memory_space<hbm>>
      %dma_wait3A_38 = arith.constant 0 : i32
      %dma_wait3A_39 = tpu.memref_slice %arg4[%add3A_15, %dma_wait3A_38] : memref<327680x128xf32, #tpu.memory_space<hbm>> -> memref<128x128xf32, #tpu.memory_space<hbm>>
      tpu.wait_dma2 semaphore(%arg11 : memref<!tpu.dma_semaphore, #tpu.memory_space<semaphore_mem>>) src(%arg7 : memref<128x128xf32, #tpu.memory_space<vmem>>) dst(%dma_wait3A_39 : memref<128x128xf32, #tpu.memory_space<hbm>>)
      %dma_wait3A_40 = arith.constant 0 : i32
      %dma_wait3A_41 = tpu.memref_slice %arg4[%add3A_17, %dma_wait3A_40] : memref<327680x128xf32, #tpu.memory_space<hbm>> -> memref<128x128xf32, #tpu.memory_space<hbm>>
      %dma_wait3A_42 = arith.constant 0 : i32
      %dma_wait3A_43 = tpu.memref_slice %arg4[%add3A_17, %dma_wait3A_42] : memref<327680x128xf32, #tpu.memory_space<hbm>> -> memref<128x128xf32, #tpu.memory_space<hbm>>
      tpu.wait_dma2 semaphore(%arg12 : memref<!tpu.dma_semaphore, #tpu.memory_space<semaphore_mem>>) src(%arg8 : memref<128x128xf32, #tpu.memory_space<vmem>>) dst(%dma_wait3A_43 : memref<128x128xf32, #tpu.memory_space<hbm>>)
      %scan3A_44 = arith.constant 0 : i32
      scf.yield %scan3A_44 : i32
    }
    %scan3A_8 = arith.constant 40 : i32
    return
  }
}

module attributes {stable_mosaic.version = 14 : i64} {
  func.func @_gate_body(%arg0: i32, %arg1: memref<400x128xf32, #tpu.memory_space<vmem>>, %arg2: memref<128x128xf32, #tpu.memory_space<vmem>>, %arg3: memref<1x128xf32, #tpu.memory_space<vmem>>, %arg4: memref<400x128xf32, #tpu.memory_space<vmem>>, %arg5: memref<1x1xf32, #tpu.memory_space<smem>>) attributes {dimension_semantics = [#tpu.dimension_semantics<arbitrary>], iteration_bounds = array<i64: 25>, scalar_prefetch = 0 : i64, scratch_operands = 0 : i64, tpu.core_type = #tpu.core_type<tc>, window_params = [{transform_indices = @transform_0, window_bounds = array<i64: 400, 128>}, {pipeline_mode = #tpu.pipeline_mode<synchronous>, transform_indices = @transform_1, window_bounds = array<i64: 128, 128>}, {pipeline_mode = #tpu.pipeline_mode<synchronous>, transform_indices = @transform_2, window_bounds = array<i64: 1, 128>}, {transform_indices = @transform_3, window_bounds = array<i64: 400, 128>}, {transform_indices = @transform_4, window_bounds = array<i64: 1, 1>}]} {
    %get3A = arith.constant 0 : index
    %get3A_0 = arith.constant 0 : index
    %get3A_1 = vector.load %arg1[%get3A, %get3A_0] : memref<400x128xf32, #tpu.memory_space<vmem>>, vector<400x128xf32>
    %get3A_2 = arith.constant 0 : index
    %get3A_3 = arith.constant 0 : index
    %get3A_4 = vector.load %arg2[%get3A_2, %get3A_3] : memref<128x128xf32, #tpu.memory_space<vmem>>, vector<128x128xf32>
    %dot_general3A = arith.constant dense<0.000000e+00> : vector<400x128xf32>
    %dot_general3A_5 = tpu.matmul %get3A_1, %get3A_4, %dot_general3A {dimension_numbers = #tpu.dot_dimension_numbers<[1], [0], [0], [1], [0, 0, 1, 1], [], []>, transpose_lhs_hint = false} : vector<400x128xf32>, vector<128x128xf32>, vector<400x128xf32> -> vector<400x128xf32>
    %get3A_6 = arith.constant 0 : index
    %get3A_7 = arith.constant 0 : index
    %get3A_8 = vector.load %arg3[%get3A_6, %get3A_7] : memref<1x128xf32, #tpu.memory_space<vmem>>, vector<1x128xf32>
    %add3A = vector.broadcast %get3A_8 : vector<1x128xf32> to vector<400x128xf32>
    %add3A_9 = arith.addf %dot_general3A_5, %add3A : vector<400x128xf32>
    %logistic3A = arith.negf %add3A_9 : vector<400x128xf32>
    %logistic3A_10 = math.exp %logistic3A : vector<400x128xf32>
    %logistic3A_11 = arith.constant 1.000000e+00 : f32
    %logistic3A_12 = vector.broadcast %logistic3A_11 : f32 to vector<400x128xf32>
    %logistic3A_13 = arith.addf %logistic3A_12, %logistic3A_10 : vector<400x128xf32>
    %logistic3A_14 = arith.divf %logistic3A_12, %logistic3A_13 : vector<400x128xf32>
    %get3A_15 = arith.constant 0 : index
    %get3A_16 = arith.constant 0 : index
    %get3A_17 = vector.load %arg1[%get3A_15, %get3A_16] : memref<400x128xf32, #tpu.memory_space<vmem>>, vector<400x128xf32>
    %mul3A = arith.mulf %get3A_17, %logistic3A_14 : vector<400x128xf32>
    %swap3A = arith.constant 0 : index
    %swap3A_18 = arith.constant 0 : index
    %swap3A_19 = vector.load %arg4[%swap3A, %swap3A_18] : memref<400x128xf32, #tpu.memory_space<vmem>>, vector<400x128xf32>
    tpu.vector_store %arg4[%swap3A, %swap3A_18], %mul3A {strides = array<i32>} : memref<400x128xf32, #tpu.memory_space<vmem>>, vector<400x128xf32>,
    %eq3A = arith.constant 0 : i32
    %eq3A_20 = arith.cmpi eq, %arg0, %eq3A : i32
    %convert_element_type3A = arith.extui %eq3A_20 : i1 to i32
    %cond3A = arith.constant 0 : i32
    %cond3A_21 = arith.cmpi ne, %convert_element_type3A, %cond3A : i32
    scf.if %cond3A_21 {
      %swap3A_33 = arith.constant 0.000000e+00 : f32
      %swap3A_34 = arith.constant 0 : index
      %swap3A_35 = arith.constant 0 : index
      %swap3A_36 = memref.load %arg5[%swap3A_34, %swap3A_35] : memref<1x1xf32, #tpu.memory_space<smem>>
      memref.store %swap3A_33, %arg5[%swap3A_34, %swap3A_35] : memref<1x1xf32, #tpu.memory_space<smem>>
    } else {
    }
    %get3A_22 = arith.constant 0 : index
    %get3A_23 = arith.constant 0 : index
    %get3A_24 = memref.load %arg5[%get3A_22, %get3A_23] : memref<1x1xf32, #tpu.memory_space<smem>>
    %abs3A = math.absf %logistic3A_14 : vector<400x128xf32>
    %reduce_sum3A = vector.shape_cast %abs3A : vector<400x128xf32> to vector<1x400x128xf32>
    %reduce_sum3A_25 = arith.constant dense<0.000000e+00> : vector<1xf32>
    %reduce_sum3A_26 = vector.multi_reduction <add>, %reduce_sum3A, %reduce_sum3A_25 [1, 2] : vector<1x400x128xf32> to vector<1xf32>
    %reduce_sum3A_27 = vector.shape_cast %reduce_sum3A_26 : vector<1xf32> to vector<1x1x1xf32>
    %reduce_sum3A_28 = vector.extract %reduce_sum3A_27[0, 0, 0] : f32 from vector<1x1x1xf32>
    %add3A_29 = arith.addf %get3A_24, %reduce_sum3A_28 : f32
    %swap3A_30 = arith.constant 0 : index
    %swap3A_31 = arith.constant 0 : index
    %swap3A_32 = memref.load %arg5[%swap3A_30, %swap3A_31] : memref<1x1xf32, #tpu.memory_space<smem>>
    memref.store %add3A_29, %arg5[%swap3A_30, %swap3A_31] : memref<1x1xf32, #tpu.memory_space<smem>>
    return
  }
  func.func @transform_0(%arg0: i32) -> (i32, i32) {
    %c0_i32 = arith.constant 0 : i32
    %c0_i32_0 = arith.constant 0 : i32
    return %arg0, %c0_i32 : i32, i32
  }
  func.func @transform_1(%arg0: i32) -> (i32, i32) {
    %c0_i32 = arith.constant 0 : i32
    %c0_i32_0 = arith.constant 0 : i32
    %c0_i32_1 = arith.constant 0 : i32
    return %c0_i32, %c0_i32_0 : i32, i32
  }
  func.func @transform_2(%arg0: i32) -> (i32, i32) {
    %c0_i32 = arith.constant 0 : i32
    %c0_i32_0 = arith.constant 0 : i32
    %c0_i32_1 = arith.constant 0 : i32
    return %c0_i32, %c0_i32_0 : i32, i32
  }
  func.func @transform_3(%arg0: i32) -> (i32, i32) {
    %c0_i32 = arith.constant 0 : i32
    %c0_i32_0 = arith.constant 0 : i32
    return %arg0, %c0_i32 : i32, i32
  }
  func.func @transform_4(%arg0: i32) -> (i32, i32) {
    %c0_i32 = arith.constant 0 : i32
    %c0_i32_0 = arith.constant 0 : i32
    %c0_i32_1 = arith.constant 0 : i32
    return %c0_i32, %c0_i32_0 : i32, i32
  }
}

module attributes {stable_mosaic.version = 14 : i64} {
  func.func @_knn_body(%arg0: i32, %arg1: memref<20x512x128xf32, #tpu.memory_space<vmem>>, %arg2: memref<128x256xf32, #tpu.memory_space<vmem>>, %arg3: memref<32x256xi32, #tpu.memory_space<vmem>>, %arg4: memref<80x128x256xf32, #tpu.memory_space<vmem>>) attributes {dimension_semantics = [#tpu.dimension_semantics<arbitrary>], iteration_bounds = array<i64: 40>, scalar_prefetch = 0 : i64, scratch_operands = 1 : i64, tpu.core_type = #tpu.core_type<tc>, window_params = [{pipeline_mode = #tpu.pipeline_mode<synchronous>, transform_indices = @transform_0, window_bounds = array<i64: 20, 512, 128>}, {transform_indices = @transform_1, window_bounds = array<i64: 128, 256>}, {transform_indices = @transform_2, window_bounds = array<i64: 32, 256>}]} {
    %get3A = arith.constant 0 : index
    %get3A_0 = arith.constant 0 : index
    %get3A_1 = vector.load %arg2[%get3A, %get3A_0] : memref<128x256xf32, #tpu.memory_space<vmem>>, vector<128x256xf32>
    %mul3A = arith.mulf %get3A_1, %get3A_1 : vector<128x256xf32>
    %reduce_sum3A = arith.constant dense<0.000000e+00> : vector<256xf32>
    %reduce_sum3A_2 = vector.multi_reduction <add>, %mul3A, %reduce_sum3A [0] : vector<128x256xf32> to vector<256xf32>
    %broadcast_in_dim3A = vector.shape_cast %reduce_sum3A_2 : vector<256xf32> to vector<1x256xf32>
    %iota3A = tpu.iota {dimensions = array<i32: 1>} : vector<512x256xi32>
    %mul3A_3 = arith.constant 256 : i32
    %mul3A_4 = arith.muli %arg0, %mul3A_3 : i32
    %add3A = vector.broadcast %mul3A_4 : i32 to vector<512x256xi32>
    %add3A_5 = arith.addi %iota3A, %add3A : vector<512x256xi32>
    %iota3A_6 = tpu.iota {dimensions = array<i32: 0>} : vector<512x256xi32>
    %scan3A = arith.constant 0 : i32
    %scan3A_7 = arith.constant 20 : i32
    %scan3A_8 = arith.addi %scan3A, %scan3A_7 : i32
    %scan3A_9 = arith.constant 1 : i32
    scf.for %scan3A_41 = %scan3A to %scan3A_8 step %scan3A_9  : i32 {
      %get3A_42 = arith.index_cast %scan3A_41 : i32 to index
      %get3A_43 = arith.constant 0 : index
      %get3A_44 = arith.constant 0 : index
      %get3A_45 = vector.load %arg1[%get3A_42, %get3A_43, %get3A_44] : memref<20x512x128xf32, #tpu.memory_space<vmem>>, vector<1x512x128xf32>
      %get3A_46 = vector.shape_cast %get3A_45 : vector<1x512x128xf32> to vector<512x128xf32>
      %mul3A_47 = arith.mulf %get3A_46, %get3A_46 : vector<512x128xf32>
      %reduce_sum3A_48 = arith.constant dense<0.000000e+00> : vector<512xf32>
      %reduce_sum3A_49 = vector.multi_reduction <add>, %mul3A_47, %reduce_sum3A_48 [1] : vector<512x128xf32> to vector<512xf32>
      %broadcast_in_dim3A_50 = vector.shape_cast %reduce_sum3A_49 : vector<512xf32> to vector<512x1xf32>
      %dot_general3A = arith.constant dense<0.000000e+00> : vector<512x256xf32>
      %dot_general3A_51 = tpu.matmul %get3A_46, %get3A_1, %dot_general3A {dimension_numbers = #tpu.dot_dimension_numbers<[1], [0], [0], [1], [0, 0, 1, 1], [], []>, transpose_lhs_hint = false} : vector<512x128xf32>, vector<128x256xf32>, vector<512x256xf32> -> vector<512x256xf32>
      %add3A_52 = vector.broadcast %broadcast_in_dim3A : vector<1x256xf32> to vector<512x256xf32>
      %add3A_53 = vector.broadcast %broadcast_in_dim3A_50 : vector<512x1xf32> to vector<512x256xf32>
      %add3A_54 = arith.addf %add3A_52, %add3A_53 : vector<512x256xf32>
      %mul3A_55 = arith.constant 2.000000e+00 : f32
      %mul3A_56 = vector.broadcast %mul3A_55 : f32 to vector<512x256xf32>
      %mul3A_57 = arith.mulf %mul3A_56, %dot_general3A_51 : vector<512x256xf32>
      %sub3A = arith.subf %add3A_54, %mul3A_57 : vector<512x256xf32>
      %mul3A_58 = arith.constant 512 : i32
      %mul3A_59 = arith.muli %scan3A_41, %mul3A_58 : i32
      %add3A_60 = vector.broadcast %mul3A_59 : i32 to vector<512x256xi32>
      %add3A_61 = arith.addi %iota3A_6, %add3A_60 : vector<512x256xi32>
      %eq3A = arith.cmpi eq, %add3A_61, %add3A_5 : vector<512x256xi32>
      %ge3A = arith.constant 10000 : i32
      %ge3A_62 = vector.broadcast %ge3A : i32 to vector<512x256xi32>
      %ge3A_63 = arith.cmpi sge, %add3A_61, %ge3A_62 : vector<512x256xi32>
      %or3A = arith.ori %eq3A, %ge3A_63 : vector<512x256xi1>
      %jit3A = arith.constant 0x7F800000 : f32
      %broadcast_in_dim3A_64 = vector.broadcast %jit3A : f32 to vector<512x256xf32>
      %select_n3A = arith.select %or3A, %broadcast_in_dim3A_64, %sub3A : vector<512x256xi1>, vector<512x256xf32>
      %reshape3A = vector.shape_cast %select_n3A : vector<512x256xf32> to vector<4x128x256xf32>
      %mul3A_65 = arith.constant 4 : i32
      %mul3A_66 = arith.muli %scan3A_41, %mul3A_65 : i32
      %swap3A_67 = arith.index_cast %mul3A_66 : i32 to index
      %swap3A_68 = arith.constant 0 : index
      %swap3A_69 = arith.constant 0 : index
      %swap3A_70 = vector.load %arg4[%swap3A_67, %swap3A_68, %swap3A_69] : memref<80x128x256xf32, #tpu.memory_space<vmem>>, vector<4x128x256xf32>
      tpu.vector_store %arg4[%swap3A_67, %swap3A_68, %swap3A_69], %reshape3A {strides = array<i32>} : memref<80x128x256xf32, #tpu.memory_space<vmem>>, vector<4x128x256xf32>,
    }
    %scan3A_10 = arith.constant 20 : i32
    %iota3A_11 = tpu.iota {dimensions = array<i32: 0>} : vector<80x128x256xi32>
    %mul3A_12 = arith.constant 128 : i32
    %mul3A_13 = vector.broadcast %mul3A_12 : i32 to vector<80x128x256xi32>
    %mul3A_14 = arith.muli %iota3A_11, %mul3A_13 : vector<80x128x256xi32>
    %iota3A_15 = tpu.iota {dimensions = array<i32: 1>} : vector<80x128x256xi32>
    %add3A_16 = arith.addi %mul3A_14, %iota3A_15 : vector<80x128x256xi32>
    %iota3A_17 = tpu.iota {dimensions = array<i32: 1>} : vector<80x6x256xi32>
    %broadcast_in_dim3A_18 = arith.constant 0x7F800000 : f32
    %broadcast_in_dim3A_19 = vector.broadcast %broadcast_in_dim3A_18 : f32 to vector<80x6x256xf32>
    %broadcast_in_dim3A_20 = arith.constant 0 : i32
    %broadcast_in_dim3A_21 = vector.broadcast %broadcast_in_dim3A_20 : i32 to vector<80x6x256xi32>
    %scan3A_22 = arith.constant 1048576 : i32
    %scan3A_23 = arith.constant 0 : i32
    %scan3A_24 = arith.constant 6 : i32
    %scan3A_25 = arith.addi %scan3A_23, %scan3A_24 : i32
    %scan3A_26 = arith.constant 1 : i32
    %scan3A_27:2 = scf.for %scan3A_41 = %scan3A_23 to %scan3A_25 step %scan3A_26 iter_args(%scan3A_42 = %broadcast_in_dim3A_19, %scan3A_43 = %broadcast_in_dim3A_21) -> (vector<80x6x256xf32>, vector<80x6x256xi32>)  : i32 {
      %get3A_44 = arith.constant 0 : index
      %get3A_45 = arith.constant 0 : index
      %get3A_46 = arith.constant 0 : index
      %get3A_47 = vector.load %arg4[%get3A_44, %get3A_45, %get3A_46] : memref<80x128x256xf32, #tpu.memory_space<vmem>>, vector<80x128x256xf32>
      %reduce_min3A = arith.constant dense<0x7F800000> : vector<80x256xf32>
      %reduce_min3A_48 = vector.multi_reduction <minimumf>, %get3A_47, %reduce_min3A [1] : vector<80x128x256xf32> to vector<80x256xf32>
      %broadcast_in_dim3A_49 = vector.shape_cast %reduce_min3A_48 : vector<80x256xf32> to vector<80x1x256xf32>
      %eq3A = vector.broadcast %broadcast_in_dim3A_49 : vector<80x1x256xf32> to vector<80x128x256xf32>
      %eq3A_50 = arith.cmpf oeq, %get3A_47, %eq3A : vector<80x128x256xf32>
      %broadcast_in_dim3A_51 = vector.broadcast %scan3A_22 : i32 to vector<80x128x256xi32>
      %select_n3A = arith.select %eq3A_50, %add3A_16, %broadcast_in_dim3A_51 : vector<80x128x256xi1>, vector<80x128x256xi32>
      %reduce_min3A_52 = arith.constant dense<2147483647> : vector<80x256xi32>
      %reduce_min3A_53 = vector.multi_reduction <minsi>, %select_n3A, %reduce_min3A_52 [1] : vector<80x128x256xi32> to vector<80x256xi32>
      %broadcast_in_dim3A_54 = vector.shape_cast %reduce_min3A_53 : vector<80x256xi32> to vector<80x1x256xi32>
      %jit3A = arith.constant 0x7F800000 : f32
      %broadcast_in_dim3A_55 = vector.broadcast %jit3A : f32 to vector<80x128x256xf32>
      %select_n3A_56 = arith.select %eq3A_50, %broadcast_in_dim3A_55, %get3A_47 : vector<80x128x256xi1>, vector<80x128x256xf32>
      %swap3A_57 = arith.constant 0 : index
      %swap3A_58 = arith.constant 0 : index
      %swap3A_59 = arith.constant 0 : index
      %swap3A_60 = vector.load %arg4[%swap3A_57, %swap3A_58, %swap3A_59] : memref<80x128x256xf32, #tpu.memory_space<vmem>>, vector<80x128x256xf32>
      tpu.vector_store %arg4[%swap3A_57, %swap3A_58, %swap3A_59], %select_n3A_56 {strides = array<i32>} : memref<80x128x256xf32, #tpu.memory_space<vmem>>, vector<80x128x256xf32>,
      %eq3A_61 = vector.broadcast %scan3A_41 : i32 to vector<80x6x256xi32>
      %eq3A_62 = arith.cmpi eq, %iota3A_17, %eq3A_61 : vector<80x6x256xi32>
      %broadcast_in_dim3A_63 = vector.shape_cast %broadcast_in_dim3A_49 : vector<80x1x256xf32> to vector<80x1x256xf32>
      %broadcast_in_dim3A_64 = vector.broadcast %broadcast_in_dim3A_63 : vector<80x1x256xf32> to vector<80x6x256xf32>
      %select_n3A_65 = arith.select %eq3A_62, %broadcast_in_dim3A_64, %scan3A_42 : vector<80x6x256xi1>, vector<80x6x256xf32>
      %broadcast_in_dim3A_66 = vector.shape_cast %broadcast_in_dim3A_54 : vector<80x1x256xi32> to vector<80x1x256xi32>
      %broadcast_in_dim3A_67 = vector.broadcast %broadcast_in_dim3A_66 : vector<80x1x256xi32> to vector<80x6x256xi32>
      %select_n3A_68 = arith.select %eq3A_62, %broadcast_in_dim3A_67, %scan3A_43 : vector<80x6x256xi1>, vector<80x6x256xi32>
      scf.yield %select_n3A_65, %select_n3A_68 : vector<80x6x256xf32>, vector<80x6x256xi32>
    }
    %scan3A_28 = arith.constant 6 : i32
    %iota3A_29 = tpu.iota {dimensions = array<i32: 0>} : vector<32x256xi32>
    %broadcast_in_dim3A_30 = arith.constant 0 : i32
    %broadcast_in_dim3A_31 = vector.broadcast %broadcast_in_dim3A_30 : i32 to vector<32x256xi32>
    %scan3A_32 = arith.constant 1048576 : i32
    %scan3A_33 = arith.constant 0 : i32
    %scan3A_34 = arith.constant 32 : i32
    %scan3A_35 = arith.addi %scan3A_33, %scan3A_34 : i32
    %scan3A_36 = arith.constant 1 : i32
    %scan3A_37:2 = scf.for %scan3A_41 = %scan3A_33 to %scan3A_35 step %scan3A_36 iter_args(%scan3A_42 = %scan3A_27#0, %scan3A_43 = %broadcast_in_dim3A_31) -> (vector<80x6x256xf32>, vector<32x256xi32>)  : i32 {
      %reduce_min3A = arith.constant dense<0x7F800000> : vector<80x256xf32>
      %reduce_min3A_44 = vector.multi_reduction <minimumf>, %scan3A_42, %reduce_min3A [1] : vector<80x6x256xf32> to vector<80x256xf32>
      %broadcast_in_dim3A_45 = vector.shape_cast %reduce_min3A_44 : vector<80x256xf32> to vector<80x1x256xf32>
      %reduce_min3A_46 = arith.constant dense<0x7F800000> : vector<1x256xf32>
      %reduce_min3A_47 = vector.multi_reduction <minimumf>, %broadcast_in_dim3A_45, %reduce_min3A_46 [0] : vector<80x1x256xf32> to vector<1x256xf32>
      %broadcast_in_dim3A_48 = vector.shape_cast %reduce_min3A_47 : vector<1x256xf32> to vector<1x1x256xf32>
      %eq3A = vector.broadcast %broadcast_in_dim3A_48 : vector<1x1x256xf32> to vector<80x6x256xf32>
      %eq3A_49 = arith.cmpf oeq, %scan3A_42, %eq3A : vector<80x6x256xf32>
      %broadcast_in_dim3A_50 = vector.broadcast %scan3A_32 : i32 to vector<80x6x256xi32>
      %select_n3A = arith.select %eq3A_49, %scan3A_27#1, %broadcast_in_dim3A_50 : vector<80x6x256xi1>, vector<80x6x256xi32>
      %reduce_min3A_51 = arith.constant dense<2147483647> : vector<80x256xi32>
      %reduce_min3A_52 = vector.multi_reduction <minsi>, %select_n3A, %reduce_min3A_51 [1] : vector<80x6x256xi32> to vector<80x256xi32>
      %broadcast_in_dim3A_53 = vector.shape_cast %reduce_min3A_52 : vector<80x256xi32> to vector<80x1x256xi32>
      %reduce_min3A_54 = arith.constant dense<2147483647> : vector<1x256xi32>
      %reduce_min3A_55 = vector.multi_reduction <minsi>, %broadcast_in_dim3A_53, %reduce_min3A_54 [0] : vector<80x1x256xi32> to vector<1x256xi32>
      %broadcast_in_dim3A_56 = vector.shape_cast %reduce_min3A_55 : vector<1x256xi32> to vector<1x1x256xi32>
      %eq3A_57 = vector.broadcast %broadcast_in_dim3A_56 : vector<1x1x256xi32> to vector<80x6x256xi32>
      %eq3A_58 = arith.cmpi eq, %scan3A_27#1, %eq3A_57 : vector<80x6x256xi32>
      %jit3A = arith.constant 0x7F800000 : f32
      %broadcast_in_dim3A_59 = vector.broadcast %jit3A : f32 to vector<80x6x256xf32>
      %select_n3A_60 = arith.select %eq3A_58, %broadcast_in_dim3A_59, %scan3A_42 : vector<80x6x256xi1>, vector<80x6x256xf32>
      %reshape3A = vector.shape_cast %broadcast_in_dim3A_56 : vector<1x1x256xi32> to vector<1x256xi32>
      %eq3A_61 = vector.broadcast %scan3A_41 : i32 to vector<32x256xi32>
      %eq3A_62 = arith.cmpi eq, %iota3A_29, %eq3A_61 : vector<32x256xi32>
      %convert_element_type3A = arith.extui %eq3A_62 : vector<32x256xi1> to vector<32x256xi32>
      %mul3A_63 = vector.broadcast %reshape3A : vector<1x256xi32> to vector<32x256xi32>
      %mul3A_64 = arith.muli %mul3A_63, %convert_element_type3A : vector<32x256xi32>
      %add3A_65 = arith.addi %scan3A_43, %mul3A_64 : vector<32x256xi32>
      scf.yield %select_n3A_60, %add3A_65 : vector<80x6x256xf32>, vector<32x256xi32>
    }
    %scan3A_38 = arith.constant 32 : i32
    %swap3A = arith.constant 0 : index
    %swap3A_39 = arith.constant 0 : index
    %swap3A_40 = vector.load %arg3[%swap3A, %swap3A_39] : memref<32x256xi32, #tpu.memory_space<vmem>>, vector<32x256xi32>
    tpu.vector_store %arg3[%swap3A, %swap3A_39], %scan3A_37#1 {strides = array<i32>} : memref<32x256xi32, #tpu.memory_space<vmem>>, vector<32x256xi32>,
    return
  }
  func.func @transform_0(%arg0: i32) -> (i32, i32, i32) {
    %c0_i32 = arith.constant 0 : i32
    %c0_i32_0 = arith.constant 0 : i32
    %c0_i32_1 = arith.constant 0 : i32
    %c0_i32_2 = arith.constant 0 : i32
    return %c0_i32, %c0_i32_0, %c0_i32_1 : i32, i32, i32
  }
  func.func @transform_1(%arg0: i32) -> (i32, i32) {
    %c0_i32 = arith.constant 0 : i32
    %c0_i32_0 = arith.constant 0 : i32
    return %c0_i32, %arg0 : i32, i32
  }
  func.func @transform_2(%arg0: i32) -> (i32, i32) {
    %c0_i32 = arith.constant 0 : i32
    %c0_i32_0 = arith.constant 0 : i32
    return %c0_i32, %arg0 : i32, i32
  }
}

module attributes {stable_mosaic.version = 14 : i64} {
  func.func @_pre_body(%arg0: i32, %arg1: memref<512x128xf32, #tpu.memory_space<vmem>>, %arg2: memref<128x128xf32, #tpu.memory_space<vmem>>, %arg3: memref<128x1xf32, #tpu.memory_space<vmem>>, %arg4: memref<512x128xf32, #tpu.memory_space<vmem>>, %arg5: memref<512x1xf32, #tpu.memory_space<vmem>>) attributes {dimension_semantics = [#tpu.dimension_semantics<arbitrary>], iteration_bounds = array<i64: 20>, scalar_prefetch = 0 : i64, scratch_operands = 0 : i64, tpu.core_type = #tpu.core_type<tc>, window_params = [{transform_indices = @transform_0, window_bounds = array<i64: 512, 128>}, {pipeline_mode = #tpu.pipeline_mode<synchronous>, transform_indices = @transform_1, window_bounds = array<i64: 128, 128>}, {pipeline_mode = #tpu.pipeline_mode<synchronous>, transform_indices = @transform_2, window_bounds = array<i64: 128, 1>}, {transform_indices = @transform_3, window_bounds = array<i64: 512, 128>}, {transform_indices = @transform_4, window_bounds = array<i64: 512, 1>}]} {
    %get3A = arith.constant 0 : index
    %get3A_0 = arith.constant 0 : index
    %get3A_1 = vector.load %arg1[%get3A, %get3A_0] : memref<512x128xf32, #tpu.memory_space<vmem>>, vector<512x128xf32>
    %get3A_2 = arith.constant 0 : index
    %get3A_3 = arith.constant 0 : index
    %get3A_4 = vector.load %arg2[%get3A_2, %get3A_3] : memref<128x128xf32, #tpu.memory_space<vmem>>, vector<128x128xf32>
    %dot_general3A = arith.constant dense<0.000000e+00> : vector<512x128xf32>
    %dot_general3A_5 = tpu.matmul %get3A_1, %get3A_4, %dot_general3A {dimension_numbers = #tpu.dot_dimension_numbers<[1], [0], [0], [1], [0, 0, 1, 1], [], []>, transpose_lhs_hint = false} : vector<512x128xf32>, vector<128x128xf32>, vector<512x128xf32> -> vector<512x128xf32>
    %swap3A = arith.constant 0 : index
    %swap3A_6 = arith.constant 0 : index
    %swap3A_7 = vector.load %arg4[%swap3A, %swap3A_6] : memref<512x128xf32, #tpu.memory_space<vmem>>, vector<512x128xf32>
    tpu.vector_store %arg4[%swap3A, %swap3A_6], %dot_general3A_5 {strides = array<i32>} : memref<512x128xf32, #tpu.memory_space<vmem>>, vector<512x128xf32>,
    %get3A_8 = arith.constant 0 : index
    %get3A_9 = arith.constant 0 : index
    %get3A_10 = vector.load %arg3[%get3A_8, %get3A_9] : memref<128x1xf32, #tpu.memory_space<vmem>>, vector<128x1xf32>
    %dot_general3A_11 = arith.constant dense<0.000000e+00> : vector<512x1xf32>
    %dot_general3A_12 = tpu.matmul %dot_general3A_5, %get3A_10, %dot_general3A_11 {dimension_numbers = #tpu.dot_dimension_numbers<[1], [0], [0], [1], [0, 0, 1, 1], [], []>, transpose_lhs_hint = false} : vector<512x128xf32>, vector<128x1xf32>, vector<512x1xf32> -> vector<512x1xf32>
    %swap3A_13 = arith.constant 0 : index
    %swap3A_14 = arith.constant 0 : index
    %swap3A_15 = vector.load %arg5[%swap3A_13, %swap3A_14] : memref<512x1xf32, #tpu.memory_space<vmem>>, vector<512x1xf32>
    tpu.vector_store %arg5[%swap3A_13, %swap3A_14], %dot_general3A_12 {strides = array<i32>} : memref<512x1xf32, #tpu.memory_space<vmem>>, vector<512x1xf32>,
    return
  }
  func.func @transform_0(%arg0: i32) -> (i32, i32) {
    %c0_i32 = arith.constant 0 : i32
    %c0_i32_0 = arith.constant 0 : i32
    return %arg0, %c0_i32 : i32, i32
  }
  func.func @transform_1(%arg0: i32) -> (i32, i32) {
    %c0_i32 = arith.constant 0 : i32
    %c0_i32_0 = arith.constant 0 : i32
    %c0_i32_1 = arith.constant 0 : i32
    return %c0_i32, %c0_i32_0 : i32, i32
  }
  func.func @transform_2(%arg0: i32) -> (i32, i32) {
    %c0_i32 = arith.constant 0 : i32
    %c0_i32_0 = arith.constant 0 : i32
    %c0_i32_1 = arith.constant 0 : i32
    return %c0_i32, %c0_i32_0 : i32, i32
  }
  func.func @transform_3(%arg0: i32) -> (i32, i32) {
    %c0_i32 = arith.constant 0 : i32
    %c0_i32_0 = arith.constant 0 : i32
    return %arg0, %c0_i32 : i32, i32
  }
  func.func @transform_4(%arg0: i32) -> (i32, i32) {
    %c0_i32 = arith.constant 0 : i32
    %c0_i32_0 = arith.constant 0 : i32
    return %arg0, %c0_i32 : i32, i32
  }
}

module attributes {stable_mosaic.version = 14 : i64} {
  func.func @_gatt_body(%arg0: i32, %arg1: memref<128x32x128xf32, #tpu.memory_space<vmem>>, %arg2: memref<1x1x128xf32, #tpu.memory_space<vmem>>, %arg3: memref<128x1xf32, #tpu.memory_space<vmem>>, %arg4: memref<128x128xf32, #tpu.memory_space<vmem>>) attributes {dimension_semantics = [#tpu.dimension_semantics<arbitrary>], iteration_bounds = array<i64: 80>, scalar_prefetch = 0 : i64, scratch_operands = 0 : i64, tpu.core_type = #tpu.core_type<tc>, window_params = [{transform_indices = @transform_0, window_bounds = array<i64: 128, 32, 128>}, {pipeline_mode = #tpu.pipeline_mode<synchronous>, transform_indices = @transform_1, window_bounds = array<i64: 1, 1, 128>}, {transform_indices = @transform_2, window_bounds = array<i64: 128, 1>}, {transform_indices = @transform_3, window_bounds = array<i64: 128, 128>}]} {
    %get3A = arith.constant 0 : index
    %get3A_0 = arith.constant 0 : index
    %get3A_1 = vector.load %arg3[%get3A, %get3A_0] : memref<128x1xf32, #tpu.memory_space<vmem>>, vector<128x1xf32>
    %get3A_2 = arith.constant 0 : index
    %get3A_3 = arith.constant 0 : index
    %get3A_4 = arith.constant 0 : index
    %get3A_5 = vector.load %arg1[%get3A_2, %get3A_3, %get3A_4] : memref<128x32x128xf32, #tpu.memory_space<vmem>>, vector<128x32x128xf32>
    %get3A_6 = arith.constant 0 : index
    %get3A_7 = arith.constant 0 : index
    %get3A_8 = arith.constant 0 : index
    %get3A_9 = vector.load %arg2[%get3A_6, %get3A_7, %get3A_8] : memref<1x1x128xf32, #tpu.memory_space<vmem>>, vector<1x1x128xf32>
    %mul3A = vector.broadcast %get3A_9 : vector<1x1x128xf32> to vector<128x32x128xf32>
    %mul3A_10 = arith.mulf %get3A_5, %mul3A : vector<128x32x128xf32>
    %reduce_sum3A = arith.constant dense<0.000000e+00> : vector<128x32xf32>
    %reduce_sum3A_11 = vector.multi_reduction <add>, %mul3A_10, %reduce_sum3A [2] : vector<128x32x128xf32> to vector<128x32xf32>
    %broadcast_in_dim3A = vector.shape_cast %reduce_sum3A_11 : vector<128x32xf32> to vector<128x32x1xf32>
    %slice3A = vector.extract_strided_slice %broadcast_in_dim3A {offsets = [0, 0, 0], sizes = [128, 1, 1], strides = [1, 1, 1]} : vector<128x32x1xf32> to vector<128x1x1xf32>
    %squeeze3A = vector.shape_cast %slice3A : vector<128x1x1xf32> to vector<128x1xf32>
    %add3A = arith.addf %squeeze3A, %get3A_1 : vector<128x1xf32>
    %gt3A = arith.constant 0.000000e+00 : f32
    %gt3A_12 = vector.broadcast %gt3A : f32 to vector<128x1xf32>
    %gt3A_13 = arith.cmpf ogt, %add3A, %gt3A_12 : vector<128x1xf32>
    %mul3A_14 = arith.constant 2.000000e-01 : f32
    %mul3A_15 = vector.broadcast %mul3A_14 : f32 to vector<128x1xf32>
    %mul3A_16 = arith.mulf %mul3A_15, %add3A : vector<128x1xf32>
    %select_n3A = arith.select %gt3A_13, %add3A, %mul3A_16 : vector<128x1xi1>, vector<128x1xf32>
    %slice3A_17 = vector.extract_strided_slice %broadcast_in_dim3A {offsets = [0, 1, 0], sizes = [128, 1, 1], strides = [1, 1, 1]} : vector<128x32x1xf32> to vector<128x1x1xf32>
    %squeeze3A_18 = vector.shape_cast %slice3A_17 : vector<128x1x1xf32> to vector<128x1xf32>
    %add3A_19 = arith.addf %squeeze3A_18, %get3A_1 : vector<128x1xf32>
    %gt3A_20 = arith.constant 0.000000e+00 : f32
    %gt3A_21 = vector.broadcast %gt3A_20 : f32 to vector<128x1xf32>
    %gt3A_22 = arith.cmpf ogt, %add3A_19, %gt3A_21 : vector<128x1xf32>
    %mul3A_23 = arith.constant 2.000000e-01 : f32
    %mul3A_24 = vector.broadcast %mul3A_23 : f32 to vector<128x1xf32>
    %mul3A_25 = arith.mulf %mul3A_24, %add3A_19 : vector<128x1xf32>
    %select_n3A_26 = arith.select %gt3A_22, %add3A_19, %mul3A_25 : vector<128x1xi1>, vector<128x1xf32>
    %slice3A_27 = vector.extract_strided_slice %broadcast_in_dim3A {offsets = [0, 2, 0], sizes = [128, 1, 1], strides = [1, 1, 1]} : vector<128x32x1xf32> to vector<128x1x1xf32>
    %squeeze3A_28 = vector.shape_cast %slice3A_27 : vector<128x1x1xf32> to vector<128x1xf32>
    %add3A_29 = arith.addf %squeeze3A_28, %get3A_1 : vector<128x1xf32>
    %gt3A_30 = arith.constant 0.000000e+00 : f32
    %gt3A_31 = vector.broadcast %gt3A_30 : f32 to vector<128x1xf32>
    %gt3A_32 = arith.cmpf ogt, %add3A_29, %gt3A_31 : vector<128x1xf32>
    %mul3A_33 = arith.constant 2.000000e-01 : f32
    %mul3A_34 = vector.broadcast %mul3A_33 : f32 to vector<128x1xf32>
    %mul3A_35 = arith.mulf %mul3A_34, %add3A_29 : vector<128x1xf32>
    %select_n3A_36 = arith.select %gt3A_32, %add3A_29, %mul3A_35 : vector<128x1xi1>, vector<128x1xf32>
    %slice3A_37 = vector.extract_strided_slice %broadcast_in_dim3A {offsets = [0, 3, 0], sizes = [128, 1, 1], strides = [1, 1, 1]} : vector<128x32x1xf32> to vector<128x1x1xf32>
    %squeeze3A_38 = vector.shape_cast %slice3A_37 : vector<128x1x1xf32> to vector<128x1xf32>
    %add3A_39 = arith.addf %squeeze3A_38, %get3A_1 : vector<128x1xf32>
    %gt3A_40 = arith.constant 0.000000e+00 : f32
    %gt3A_41 = vector.broadcast %gt3A_40 : f32 to vector<128x1xf32>
    %gt3A_42 = arith.cmpf ogt, %add3A_39, %gt3A_41 : vector<128x1xf32>
    %mul3A_43 = arith.constant 2.000000e-01 : f32
    %mul3A_44 = vector.broadcast %mul3A_43 : f32 to vector<128x1xf32>
    %mul3A_45 = arith.mulf %mul3A_44, %add3A_39 : vector<128x1xf32>
    %select_n3A_46 = arith.select %gt3A_42, %add3A_39, %mul3A_45 : vector<128x1xi1>, vector<128x1xf32>
    %slice3A_47 = vector.extract_strided_slice %broadcast_in_dim3A {offsets = [0, 4, 0], sizes = [128, 1, 1], strides = [1, 1, 1]} : vector<128x32x1xf32> to vector<128x1x1xf32>
    %squeeze3A_48 = vector.shape_cast %slice3A_47 : vector<128x1x1xf32> to vector<128x1xf32>
    %add3A_49 = arith.addf %squeeze3A_48, %get3A_1 : vector<128x1xf32>
    %gt3A_50 = arith.constant 0.000000e+00 : f32
    %gt3A_51 = vector.broadcast %gt3A_50 : f32 to vector<128x1xf32>
    %gt3A_52 = arith.cmpf ogt, %add3A_49, %gt3A_51 : vector<128x1xf32>
    %mul3A_53 = arith.constant 2.000000e-01 : f32
    %mul3A_54 = vector.broadcast %mul3A_53 : f32 to vector<128x1xf32>
    %mul3A_55 = arith.mulf %mul3A_54, %add3A_49 : vector<128x1xf32>
    %select_n3A_56 = arith.select %gt3A_52, %add3A_49, %mul3A_55 : vector<128x1xi1>, vector<128x1xf32>
    %slice3A_57 = vector.extract_strided_slice %broadcast_in_dim3A {offsets = [0, 5, 0], sizes = [128, 1, 1], strides = [1, 1, 1]} : vector<128x32x1xf32> to vector<128x1x1xf32>
    %squeeze3A_58 = vector.shape_cast %slice3A_57 : vector<128x1x1xf32> to vector<128x1xf32>
    %add3A_59 = arith.addf %squeeze3A_58, %get3A_1 : vector<128x1xf32>
    %gt3A_60 = arith.constant 0.000000e+00 : f32
    %gt3A_61 = vector.broadcast %gt3A_60 : f32 to vector<128x1xf32>
    %gt3A_62 = arith.cmpf ogt, %add3A_59, %gt3A_61 : vector<128x1xf32>
    %mul3A_63 = arith.constant 2.000000e-01 : f32
    %mul3A_64 = vector.broadcast %mul3A_63 : f32 to vector<128x1xf32>
    %mul3A_65 = arith.mulf %mul3A_64, %add3A_59 : vector<128x1xf32>
    %select_n3A_66 = arith.select %gt3A_62, %add3A_59, %mul3A_65 : vector<128x1xi1>, vector<128x1xf32>
    %slice3A_67 = vector.extract_strided_slice %broadcast_in_dim3A {offsets = [0, 6, 0], sizes = [128, 1, 1], strides = [1, 1, 1]} : vector<128x32x1xf32> to vector<128x1x1xf32>
    %squeeze3A_68 = vector.shape_cast %slice3A_67 : vector<128x1x1xf32> to vector<128x1xf32>
    %add3A_69 = arith.addf %squeeze3A_68, %get3A_1 : vector<128x1xf32>
    %gt3A_70 = arith.constant 0.000000e+00 : f32
    %gt3A_71 = vector.broadcast %gt3A_70 : f32 to vector<128x1xf32>
    %gt3A_72 = arith.cmpf ogt, %add3A_69, %gt3A_71 : vector<128x1xf32>
    %mul3A_73 = arith.constant 2.000000e-01 : f32
    %mul3A_74 = vector.broadcast %mul3A_73 : f32 to vector<128x1xf32>
    %mul3A_75 = arith.mulf %mul3A_74, %add3A_69 : vector<128x1xf32>
    %select_n3A_76 = arith.select %gt3A_72, %add3A_69, %mul3A_75 : vector<128x1xi1>, vector<128x1xf32>
    %slice3A_77 = vector.extract_strided_slice %broadcast_in_dim3A {offsets = [0, 7, 0], sizes = [128, 1, 1], strides = [1, 1, 1]} : vector<128x32x1xf32> to vector<128x1x1xf32>
    %squeeze3A_78 = vector.shape_cast %slice3A_77 : vector<128x1x1xf32> to vector<128x1xf32>
    %add3A_79 = arith.addf %squeeze3A_78, %get3A_1 : vector<128x1xf32>
    %gt3A_80 = arith.constant 0.000000e+00 : f32
    %gt3A_81 = vector.broadcast %gt3A_80 : f32 to vector<128x1xf32>
    %gt3A_82 = arith.cmpf ogt, %add3A_79, %gt3A_81 : vector<128x1xf32>
    %mul3A_83 = arith.constant 2.000000e-01 : f32
    %mul3A_84 = vector.broadcast %mul3A_83 : f32 to vector<128x1xf32>
    %mul3A_85 = arith.mulf %mul3A_84, %add3A_79 : vector<128x1xf32>
    %select_n3A_86 = arith.select %gt3A_82, %add3A_79, %mul3A_85 : vector<128x1xi1>, vector<128x1xf32>
    %slice3A_87 = vector.extract_strided_slice %broadcast_in_dim3A {offsets = [0, 8, 0], sizes = [128, 1, 1], strides = [1, 1, 1]} : vector<128x32x1xf32> to vector<128x1x1xf32>
    %squeeze3A_88 = vector.shape_cast %slice3A_87 : vector<128x1x1xf32> to vector<128x1xf32>
    %add3A_89 = arith.addf %squeeze3A_88, %get3A_1 : vector<128x1xf32>
    %gt3A_90 = arith.constant 0.000000e+00 : f32
    %gt3A_91 = vector.broadcast %gt3A_90 : f32 to vector<128x1xf32>
    %gt3A_92 = arith.cmpf ogt, %add3A_89, %gt3A_91 : vector<128x1xf32>
    %mul3A_93 = arith.constant 2.000000e-01 : f32
    %mul3A_94 = vector.broadcast %mul3A_93 : f32 to vector<128x1xf32>
    %mul3A_95 = arith.mulf %mul3A_94, %add3A_89 : vector<128x1xf32>
    %select_n3A_96 = arith.select %gt3A_92, %add3A_89, %mul3A_95 : vector<128x1xi1>, vector<128x1xf32>
    %slice3A_97 = vector.extract_strided_slice %broadcast_in_dim3A {offsets = [0, 9, 0], sizes = [128, 1, 1], strides = [1, 1, 1]} : vector<128x32x1xf32> to vector<128x1x1xf32>
    %squeeze3A_98 = vector.shape_cast %slice3A_97 : vector<128x1x1xf32> to vector<128x1xf32>
    %add3A_99 = arith.addf %squeeze3A_98, %get3A_1 : vector<128x1xf32>
    %gt3A_100 = arith.constant 0.000000e+00 : f32
    %gt3A_101 = vector.broadcast %gt3A_100 : f32 to vector<128x1xf32>
    %gt3A_102 = arith.cmpf ogt, %add3A_99, %gt3A_101 : vector<128x1xf32>
    %mul3A_103 = arith.constant 2.000000e-01 : f32
    %mul3A_104 = vector.broadcast %mul3A_103 : f32 to vector<128x1xf32>
    %mul3A_105 = arith.mulf %mul3A_104, %add3A_99 : vector<128x1xf32>
    %select_n3A_106 = arith.select %gt3A_102, %add3A_99, %mul3A_105 : vector<128x1xi1>, vector<128x1xf32>
    %slice3A_107 = vector.extract_strided_slice %broadcast_in_dim3A {offsets = [0, 10, 0], sizes = [128, 1, 1], strides = [1, 1, 1]} : vector<128x32x1xf32> to vector<128x1x1xf32>
    %squeeze3A_108 = vector.shape_cast %slice3A_107 : vector<128x1x1xf32> to vector<128x1xf32>
    %add3A_109 = arith.addf %squeeze3A_108, %get3A_1 : vector<128x1xf32>
    %gt3A_110 = arith.constant 0.000000e+00 : f32
    %gt3A_111 = vector.broadcast %gt3A_110 : f32 to vector<128x1xf32>
    %gt3A_112 = arith.cmpf ogt, %add3A_109, %gt3A_111 : vector<128x1xf32>
    %mul3A_113 = arith.constant 2.000000e-01 : f32
    %mul3A_114 = vector.broadcast %mul3A_113 : f32 to vector<128x1xf32>
    %mul3A_115 = arith.mulf %mul3A_114, %add3A_109 : vector<128x1xf32>
    %select_n3A_116 = arith.select %gt3A_112, %add3A_109, %mul3A_115 : vector<128x1xi1>, vector<128x1xf32>
    %slice3A_117 = vector.extract_strided_slice %broadcast_in_dim3A {offsets = [0, 11, 0], sizes = [128, 1, 1], strides = [1, 1, 1]} : vector<128x32x1xf32> to vector<128x1x1xf32>
    %squeeze3A_118 = vector.shape_cast %slice3A_117 : vector<128x1x1xf32> to vector<128x1xf32>
    %add3A_119 = arith.addf %squeeze3A_118, %get3A_1 : vector<128x1xf32>
    %gt3A_120 = arith.constant 0.000000e+00 : f32
    %gt3A_121 = vector.broadcast %gt3A_120 : f32 to vector<128x1xf32>
    %gt3A_122 = arith.cmpf ogt, %add3A_119, %gt3A_121 : vector<128x1xf32>
    %mul3A_123 = arith.constant 2.000000e-01 : f32
    %mul3A_124 = vector.broadcast %mul3A_123 : f32 to vector<128x1xf32>
    %mul3A_125 = arith.mulf %mul3A_124, %add3A_119 : vector<128x1xf32>
    %select_n3A_126 = arith.select %gt3A_122, %add3A_119, %mul3A_125 : vector<128x1xi1>, vector<128x1xf32>
    %slice3A_127 = vector.extract_strided_slice %broadcast_in_dim3A {offsets = [0, 12, 0], sizes = [128, 1, 1], strides = [1, 1, 1]} : vector<128x32x1xf32> to vector<128x1x1xf32>
    %squeeze3A_128 = vector.shape_cast %slice3A_127 : vector<128x1x1xf32> to vector<128x1xf32>
    %add3A_129 = arith.addf %squeeze3A_128, %get3A_1 : vector<128x1xf32>
    %gt3A_130 = arith.constant 0.000000e+00 : f32
    %gt3A_131 = vector.broadcast %gt3A_130 : f32 to vector<128x1xf32>
    %gt3A_132 = arith.cmpf ogt, %add3A_129, %gt3A_131 : vector<128x1xf32>
    %mul3A_133 = arith.constant 2.000000e-01 : f32
    %mul3A_134 = vector.broadcast %mul3A_133 : f32 to vector<128x1xf32>
    %mul3A_135 = arith.mulf %mul3A_134, %add3A_129 : vector<128x1xf32>
    %select_n3A_136 = arith.select %gt3A_132, %add3A_129, %mul3A_135 : vector<128x1xi1>, vector<128x1xf32>
    %slice3A_137 = vector.extract_strided_slice %broadcast_in_dim3A {offsets = [0, 13, 0], sizes = [128, 1, 1], strides = [1, 1, 1]} : vector<128x32x1xf32> to vector<128x1x1xf32>
    %squeeze3A_138 = vector.shape_cast %slice3A_137 : vector<128x1x1xf32> to vector<128x1xf32>
    %add3A_139 = arith.addf %squeeze3A_138, %get3A_1 : vector<128x1xf32>
    %gt3A_140 = arith.constant 0.000000e+00 : f32
    %gt3A_141 = vector.broadcast %gt3A_140 : f32 to vector<128x1xf32>
    %gt3A_142 = arith.cmpf ogt, %add3A_139, %gt3A_141 : vector<128x1xf32>
    %mul3A_143 = arith.constant 2.000000e-01 : f32
    %mul3A_144 = vector.broadcast %mul3A_143 : f32 to vector<128x1xf32>
    %mul3A_145 = arith.mulf %mul3A_144, %add3A_139 : vector<128x1xf32>
    %select_n3A_146 = arith.select %gt3A_142, %add3A_139, %mul3A_145 : vector<128x1xi1>, vector<128x1xf32>
    %slice3A_147 = vector.extract_strided_slice %broadcast_in_dim3A {offsets = [0, 14, 0], sizes = [128, 1, 1], strides = [1, 1, 1]} : vector<128x32x1xf32> to vector<128x1x1xf32>
    %squeeze3A_148 = vector.shape_cast %slice3A_147 : vector<128x1x1xf32> to vector<128x1xf32>
    %add3A_149 = arith.addf %squeeze3A_148, %get3A_1 : vector<128x1xf32>
    %gt3A_150 = arith.constant 0.000000e+00 : f32
    %gt3A_151 = vector.broadcast %gt3A_150 : f32 to vector<128x1xf32>
    %gt3A_152 = arith.cmpf ogt, %add3A_149, %gt3A_151 : vector<128x1xf32>
    %mul3A_153 = arith.constant 2.000000e-01 : f32
    %mul3A_154 = vector.broadcast %mul3A_153 : f32 to vector<128x1xf32>
    %mul3A_155 = arith.mulf %mul3A_154, %add3A_149 : vector<128x1xf32>
    %select_n3A_156 = arith.select %gt3A_152, %add3A_149, %mul3A_155 : vector<128x1xi1>, vector<128x1xf32>
    %slice3A_157 = vector.extract_strided_slice %broadcast_in_dim3A {offsets = [0, 15, 0], sizes = [128, 1, 1], strides = [1, 1, 1]} : vector<128x32x1xf32> to vector<128x1x1xf32>
    %squeeze3A_158 = vector.shape_cast %slice3A_157 : vector<128x1x1xf32> to vector<128x1xf32>
    %add3A_159 = arith.addf %squeeze3A_158, %get3A_1 : vector<128x1xf32>
    %gt3A_160 = arith.constant 0.000000e+00 : f32
    %gt3A_161 = vector.broadcast %gt3A_160 : f32 to vector<128x1xf32>
    %gt3A_162 = arith.cmpf ogt, %add3A_159, %gt3A_161 : vector<128x1xf32>
    %mul3A_163 = arith.constant 2.000000e-01 : f32
    %mul3A_164 = vector.broadcast %mul3A_163 : f32 to vector<128x1xf32>
    %mul3A_165 = arith.mulf %mul3A_164, %add3A_159 : vector<128x1xf32>
    %select_n3A_166 = arith.select %gt3A_162, %add3A_159, %mul3A_165 : vector<128x1xi1>, vector<128x1xf32>
    %slice3A_167 = vector.extract_strided_slice %broadcast_in_dim3A {offsets = [0, 16, 0], sizes = [128, 1, 1], strides = [1, 1, 1]} : vector<128x32x1xf32> to vector<128x1x1xf32>
    %squeeze3A_168 = vector.shape_cast %slice3A_167 : vector<128x1x1xf32> to vector<128x1xf32>
    %add3A_169 = arith.addf %squeeze3A_168, %get3A_1 : vector<128x1xf32>
    %gt3A_170 = arith.constant 0.000000e+00 : f32
    %gt3A_171 = vector.broadcast %gt3A_170 : f32 to vector<128x1xf32>
    %gt3A_172 = arith.cmpf ogt, %add3A_169, %gt3A_171 : vector<128x1xf32>
    %mul3A_173 = arith.constant 2.000000e-01 : f32
    %mul3A_174 = vector.broadcast %mul3A_173 : f32 to vector<128x1xf32>
    %mul3A_175 = arith.mulf %mul3A_174, %add3A_169 : vector<128x1xf32>
    %select_n3A_176 = arith.select %gt3A_172, %add3A_169, %mul3A_175 : vector<128x1xi1>, vector<128x1xf32>
    %slice3A_177 = vector.extract_strided_slice %broadcast_in_dim3A {offsets = [0, 17, 0], sizes = [128, 1, 1], strides = [1, 1, 1]} : vector<128x32x1xf32> to vector<128x1x1xf32>
    %squeeze3A_178 = vector.shape_cast %slice3A_177 : vector<128x1x1xf32> to vector<128x1xf32>
    %add3A_179 = arith.addf %squeeze3A_178, %get3A_1 : vector<128x1xf32>
    %gt3A_180 = arith.constant 0.000000e+00 : f32
    %gt3A_181 = vector.broadcast %gt3A_180 : f32 to vector<128x1xf32>
    %gt3A_182 = arith.cmpf ogt, %add3A_179, %gt3A_181 : vector<128x1xf32>
    %mul3A_183 = arith.constant 2.000000e-01 : f32
    %mul3A_184 = vector.broadcast %mul3A_183 : f32 to vector<128x1xf32>
    %mul3A_185 = arith.mulf %mul3A_184, %add3A_179 : vector<128x1xf32>
    %select_n3A_186 = arith.select %gt3A_182, %add3A_179, %mul3A_185 : vector<128x1xi1>, vector<128x1xf32>
    %slice3A_187 = vector.extract_strided_slice %broadcast_in_dim3A {offsets = [0, 18, 0], sizes = [128, 1, 1], strides = [1, 1, 1]} : vector<128x32x1xf32> to vector<128x1x1xf32>
    %squeeze3A_188 = vector.shape_cast %slice3A_187 : vector<128x1x1xf32> to vector<128x1xf32>
    %add3A_189 = arith.addf %squeeze3A_188, %get3A_1 : vector<128x1xf32>
    %gt3A_190 = arith.constant 0.000000e+00 : f32
    %gt3A_191 = vector.broadcast %gt3A_190 : f32 to vector<128x1xf32>
    %gt3A_192 = arith.cmpf ogt, %add3A_189, %gt3A_191 : vector<128x1xf32>
    %mul3A_193 = arith.constant 2.000000e-01 : f32
    %mul3A_194 = vector.broadcast %mul3A_193 : f32 to vector<128x1xf32>
    %mul3A_195 = arith.mulf %mul3A_194, %add3A_189 : vector<128x1xf32>
    %select_n3A_196 = arith.select %gt3A_192, %add3A_189, %mul3A_195 : vector<128x1xi1>, vector<128x1xf32>
    %slice3A_197 = vector.extract_strided_slice %broadcast_in_dim3A {offsets = [0, 19, 0], sizes = [128, 1, 1], strides = [1, 1, 1]} : vector<128x32x1xf32> to vector<128x1x1xf32>
    %squeeze3A_198 = vector.shape_cast %slice3A_197 : vector<128x1x1xf32> to vector<128x1xf32>
    %add3A_199 = arith.addf %squeeze3A_198, %get3A_1 : vector<128x1xf32>
    %gt3A_200 = arith.constant 0.000000e+00 : f32
    %gt3A_201 = vector.broadcast %gt3A_200 : f32 to vector<128x1xf32>
    %gt3A_202 = arith.cmpf ogt, %add3A_199, %gt3A_201 : vector<128x1xf32>
    %mul3A_203 = arith.constant 2.000000e-01 : f32
    %mul3A_204 = vector.broadcast %mul3A_203 : f32 to vector<128x1xf32>
    %mul3A_205 = arith.mulf %mul3A_204, %add3A_199 : vector<128x1xf32>
    %select_n3A_206 = arith.select %gt3A_202, %add3A_199, %mul3A_205 : vector<128x1xi1>, vector<128x1xf32>
    %slice3A_207 = vector.extract_strided_slice %broadcast_in_dim3A {offsets = [0, 20, 0], sizes = [128, 1, 1], strides = [1, 1, 1]} : vector<128x32x1xf32> to vector<128x1x1xf32>
    %squeeze3A_208 = vector.shape_cast %slice3A_207 : vector<128x1x1xf32> to vector<128x1xf32>
    %add3A_209 = arith.addf %squeeze3A_208, %get3A_1 : vector<128x1xf32>
    %gt3A_210 = arith.constant 0.000000e+00 : f32
    %gt3A_211 = vector.broadcast %gt3A_210 : f32 to vector<128x1xf32>
    %gt3A_212 = arith.cmpf ogt, %add3A_209, %gt3A_211 : vector<128x1xf32>
    %mul3A_213 = arith.constant 2.000000e-01 : f32
    %mul3A_214 = vector.broadcast %mul3A_213 : f32 to vector<128x1xf32>
    %mul3A_215 = arith.mulf %mul3A_214, %add3A_209 : vector<128x1xf32>
    %select_n3A_216 = arith.select %gt3A_212, %add3A_209, %mul3A_215 : vector<128x1xi1>, vector<128x1xf32>
    %slice3A_217 = vector.extract_strided_slice %broadcast_in_dim3A {offsets = [0, 21, 0], sizes = [128, 1, 1], strides = [1, 1, 1]} : vector<128x32x1xf32> to vector<128x1x1xf32>
    %squeeze3A_218 = vector.shape_cast %slice3A_217 : vector<128x1x1xf32> to vector<128x1xf32>
    %add3A_219 = arith.addf %squeeze3A_218, %get3A_1 : vector<128x1xf32>
    %gt3A_220 = arith.constant 0.000000e+00 : f32
    %gt3A_221 = vector.broadcast %gt3A_220 : f32 to vector<128x1xf32>
    %gt3A_222 = arith.cmpf ogt, %add3A_219, %gt3A_221 : vector<128x1xf32>
    %mul3A_223 = arith.constant 2.000000e-01 : f32
    %mul3A_224 = vector.broadcast %mul3A_223 : f32 to vector<128x1xf32>
    %mul3A_225 = arith.mulf %mul3A_224, %add3A_219 : vector<128x1xf32>
    %select_n3A_226 = arith.select %gt3A_222, %add3A_219, %mul3A_225 : vector<128x1xi1>, vector<128x1xf32>
    %slice3A_227 = vector.extract_strided_slice %broadcast_in_dim3A {offsets = [0, 22, 0], sizes = [128, 1, 1], strides = [1, 1, 1]} : vector<128x32x1xf32> to vector<128x1x1xf32>
    %squeeze3A_228 = vector.shape_cast %slice3A_227 : vector<128x1x1xf32> to vector<128x1xf32>
    %add3A_229 = arith.addf %squeeze3A_228, %get3A_1 : vector<128x1xf32>
    %gt3A_230 = arith.constant 0.000000e+00 : f32
    %gt3A_231 = vector.broadcast %gt3A_230 : f32 to vector<128x1xf32>
    %gt3A_232 = arith.cmpf ogt, %add3A_229, %gt3A_231 : vector<128x1xf32>
    %mul3A_233 = arith.constant 2.000000e-01 : f32
    %mul3A_234 = vector.broadcast %mul3A_233 : f32 to vector<128x1xf32>
    %mul3A_235 = arith.mulf %mul3A_234, %add3A_229 : vector<128x1xf32>
    %select_n3A_236 = arith.select %gt3A_232, %add3A_229, %mul3A_235 : vector<128x1xi1>, vector<128x1xf32>
    %slice3A_237 = vector.extract_strided_slice %broadcast_in_dim3A {offsets = [0, 23, 0], sizes = [128, 1, 1], strides = [1, 1, 1]} : vector<128x32x1xf32> to vector<128x1x1xf32>
    %squeeze3A_238 = vector.shape_cast %slice3A_237 : vector<128x1x1xf32> to vector<128x1xf32>
    %add3A_239 = arith.addf %squeeze3A_238, %get3A_1 : vector<128x1xf32>
    %gt3A_240 = arith.constant 0.000000e+00 : f32
    %gt3A_241 = vector.broadcast %gt3A_240 : f32 to vector<128x1xf32>
    %gt3A_242 = arith.cmpf ogt, %add3A_239, %gt3A_241 : vector<128x1xf32>
    %mul3A_243 = arith.constant 2.000000e-01 : f32
    %mul3A_244 = vector.broadcast %mul3A_243 : f32 to vector<128x1xf32>
    %mul3A_245 = arith.mulf %mul3A_244, %add3A_239 : vector<128x1xf32>
    %select_n3A_246 = arith.select %gt3A_242, %add3A_239, %mul3A_245 : vector<128x1xi1>, vector<128x1xf32>
    %slice3A_247 = vector.extract_strided_slice %broadcast_in_dim3A {offsets = [0, 24, 0], sizes = [128, 1, 1], strides = [1, 1, 1]} : vector<128x32x1xf32> to vector<128x1x1xf32>
    %squeeze3A_248 = vector.shape_cast %slice3A_247 : vector<128x1x1xf32> to vector<128x1xf32>
    %add3A_249 = arith.addf %squeeze3A_248, %get3A_1 : vector<128x1xf32>
    %gt3A_250 = arith.constant 0.000000e+00 : f32
    %gt3A_251 = vector.broadcast %gt3A_250 : f32 to vector<128x1xf32>
    %gt3A_252 = arith.cmpf ogt, %add3A_249, %gt3A_251 : vector<128x1xf32>
    %mul3A_253 = arith.constant 2.000000e-01 : f32
    %mul3A_254 = vector.broadcast %mul3A_253 : f32 to vector<128x1xf32>
    %mul3A_255 = arith.mulf %mul3A_254, %add3A_249 : vector<128x1xf32>
    %select_n3A_256 = arith.select %gt3A_252, %add3A_249, %mul3A_255 : vector<128x1xi1>, vector<128x1xf32>
    %slice3A_257 = vector.extract_strided_slice %broadcast_in_dim3A {offsets = [0, 25, 0], sizes = [128, 1, 1], strides = [1, 1, 1]} : vector<128x32x1xf32> to vector<128x1x1xf32>
    %squeeze3A_258 = vector.shape_cast %slice3A_257 : vector<128x1x1xf32> to vector<128x1xf32>
    %add3A_259 = arith.addf %squeeze3A_258, %get3A_1 : vector<128x1xf32>
    %gt3A_260 = arith.constant 0.000000e+00 : f32
    %gt3A_261 = vector.broadcast %gt3A_260 : f32 to vector<128x1xf32>
    %gt3A_262 = arith.cmpf ogt, %add3A_259, %gt3A_261 : vector<128x1xf32>
    %mul3A_263 = arith.constant 2.000000e-01 : f32
    %mul3A_264 = vector.broadcast %mul3A_263 : f32 to vector<128x1xf32>
    %mul3A_265 = arith.mulf %mul3A_264, %add3A_259 : vector<128x1xf32>
    %select_n3A_266 = arith.select %gt3A_262, %add3A_259, %mul3A_265 : vector<128x1xi1>, vector<128x1xf32>
    %slice3A_267 = vector.extract_strided_slice %broadcast_in_dim3A {offsets = [0, 26, 0], sizes = [128, 1, 1], strides = [1, 1, 1]} : vector<128x32x1xf32> to vector<128x1x1xf32>
    %squeeze3A_268 = vector.shape_cast %slice3A_267 : vector<128x1x1xf32> to vector<128x1xf32>
    %add3A_269 = arith.addf %squeeze3A_268, %get3A_1 : vector<128x1xf32>
    %gt3A_270 = arith.constant 0.000000e+00 : f32
    %gt3A_271 = vector.broadcast %gt3A_270 : f32 to vector<128x1xf32>
    %gt3A_272 = arith.cmpf ogt, %add3A_269, %gt3A_271 : vector<128x1xf32>
    %mul3A_273 = arith.constant 2.000000e-01 : f32
    %mul3A_274 = vector.broadcast %mul3A_273 : f32 to vector<128x1xf32>
    %mul3A_275 = arith.mulf %mul3A_274, %add3A_269 : vector<128x1xf32>
    %select_n3A_276 = arith.select %gt3A_272, %add3A_269, %mul3A_275 : vector<128x1xi1>, vector<128x1xf32>
    %slice3A_277 = vector.extract_strided_slice %broadcast_in_dim3A {offsets = [0, 27, 0], sizes = [128, 1, 1], strides = [1, 1, 1]} : vector<128x32x1xf32> to vector<128x1x1xf32>
    %squeeze3A_278 = vector.shape_cast %slice3A_277 : vector<128x1x1xf32> to vector<128x1xf32>
    %add3A_279 = arith.addf %squeeze3A_278, %get3A_1 : vector<128x1xf32>
    %gt3A_280 = arith.constant 0.000000e+00 : f32
    %gt3A_281 = vector.broadcast %gt3A_280 : f32 to vector<128x1xf32>
    %gt3A_282 = arith.cmpf ogt, %add3A_279, %gt3A_281 : vector<128x1xf32>
    %mul3A_283 = arith.constant 2.000000e-01 : f32
    %mul3A_284 = vector.broadcast %mul3A_283 : f32 to vector<128x1xf32>
    %mul3A_285 = arith.mulf %mul3A_284, %add3A_279 : vector<128x1xf32>
    %select_n3A_286 = arith.select %gt3A_282, %add3A_279, %mul3A_285 : vector<128x1xi1>, vector<128x1xf32>
    %slice3A_287 = vector.extract_strided_slice %broadcast_in_dim3A {offsets = [0, 28, 0], sizes = [128, 1, 1], strides = [1, 1, 1]} : vector<128x32x1xf32> to vector<128x1x1xf32>
    %squeeze3A_288 = vector.shape_cast %slice3A_287 : vector<128x1x1xf32> to vector<128x1xf32>
    %add3A_289 = arith.addf %squeeze3A_288, %get3A_1 : vector<128x1xf32>
    %gt3A_290 = arith.constant 0.000000e+00 : f32
    %gt3A_291 = vector.broadcast %gt3A_290 : f32 to vector<128x1xf32>
    %gt3A_292 = arith.cmpf ogt, %add3A_289, %gt3A_291 : vector<128x1xf32>
    %mul3A_293 = arith.constant 2.000000e-01 : f32
    %mul3A_294 = vector.broadcast %mul3A_293 : f32 to vector<128x1xf32>
    %mul3A_295 = arith.mulf %mul3A_294, %add3A_289 : vector<128x1xf32>
    %select_n3A_296 = arith.select %gt3A_292, %add3A_289, %mul3A_295 : vector<128x1xi1>, vector<128x1xf32>
    %slice3A_297 = vector.extract_strided_slice %broadcast_in_dim3A {offsets = [0, 29, 0], sizes = [128, 1, 1], strides = [1, 1, 1]} : vector<128x32x1xf32> to vector<128x1x1xf32>
    %squeeze3A_298 = vector.shape_cast %slice3A_297 : vector<128x1x1xf32> to vector<128x1xf32>
    %add3A_299 = arith.addf %squeeze3A_298, %get3A_1 : vector<128x1xf32>
    %gt3A_300 = arith.constant 0.000000e+00 : f32
    %gt3A_301 = vector.broadcast %gt3A_300 : f32 to vector<128x1xf32>
    %gt3A_302 = arith.cmpf ogt, %add3A_299, %gt3A_301 : vector<128x1xf32>
    %mul3A_303 = arith.constant 2.000000e-01 : f32
    %mul3A_304 = vector.broadcast %mul3A_303 : f32 to vector<128x1xf32>
    %mul3A_305 = arith.mulf %mul3A_304, %add3A_299 : vector<128x1xf32>
    %select_n3A_306 = arith.select %gt3A_302, %add3A_299, %mul3A_305 : vector<128x1xi1>, vector<128x1xf32>
    %slice3A_307 = vector.extract_strided_slice %broadcast_in_dim3A {offsets = [0, 30, 0], sizes = [128, 1, 1], strides = [1, 1, 1]} : vector<128x32x1xf32> to vector<128x1x1xf32>
    %squeeze3A_308 = vector.shape_cast %slice3A_307 : vector<128x1x1xf32> to vector<128x1xf32>
    %add3A_309 = arith.addf %squeeze3A_308, %get3A_1 : vector<128x1xf32>
    %gt3A_310 = arith.constant 0.000000e+00 : f32
    %gt3A_311 = vector.broadcast %gt3A_310 : f32 to vector<128x1xf32>
    %gt3A_312 = arith.cmpf ogt, %add3A_309, %gt3A_311 : vector<128x1xf32>
    %mul3A_313 = arith.constant 2.000000e-01 : f32
    %mul3A_314 = vector.broadcast %mul3A_313 : f32 to vector<128x1xf32>
    %mul3A_315 = arith.mulf %mul3A_314, %add3A_309 : vector<128x1xf32>
    %select_n3A_316 = arith.select %gt3A_312, %add3A_309, %mul3A_315 : vector<128x1xi1>, vector<128x1xf32>
    %slice3A_317 = vector.extract_strided_slice %broadcast_in_dim3A {offsets = [0, 31, 0], sizes = [128, 1, 1], strides = [1, 1, 1]} : vector<128x32x1xf32> to vector<128x1x1xf32>
    %squeeze3A_318 = vector.shape_cast %slice3A_317 : vector<128x1x1xf32> to vector<128x1xf32>
    %add3A_319 = arith.addf %squeeze3A_318, %get3A_1 : vector<128x1xf32>
    %gt3A_320 = arith.constant 0.000000e+00 : f32
    %gt3A_321 = vector.broadcast %gt3A_320 : f32 to vector<128x1xf32>
    %gt3A_322 = arith.cmpf ogt, %add3A_319, %gt3A_321 : vector<128x1xf32>
    %mul3A_323 = arith.constant 2.000000e-01 : f32
    %mul3A_324 = vector.broadcast %mul3A_323 : f32 to vector<128x1xf32>
    %mul3A_325 = arith.mulf %mul3A_324, %add3A_319 : vector<128x1xf32>
    %select_n3A_326 = arith.select %gt3A_322, %add3A_319, %mul3A_325 : vector<128x1xi1>, vector<128x1xf32>
    %max3A = arith.maximumf %select_n3A, %select_n3A_26 : vector<128x1xf32>
    %max3A_327 = arith.maximumf %max3A, %select_n3A_36 : vector<128x1xf32>
    %max3A_328 = arith.maximumf %max3A_327, %select_n3A_46 : vector<128x1xf32>
    %max3A_329 = arith.maximumf %max3A_328, %select_n3A_56 : vector<128x1xf32>
    %max3A_330 = arith.maximumf %max3A_329, %select_n3A_66 : vector<128x1xf32>
    %max3A_331 = arith.maximumf %max3A_330, %select_n3A_76 : vector<128x1xf32>
    %max3A_332 = arith.maximumf %max3A_331, %select_n3A_86 : vector<128x1xf32>
    %max3A_333 = arith.maximumf %max3A_332, %select_n3A_96 : vector<128x1xf32>
    %max3A_334 = arith.maximumf %max3A_333, %select_n3A_106 : vector<128x1xf32>
    %max3A_335 = arith.maximumf %max3A_334, %select_n3A_116 : vector<128x1xf32>
    %max3A_336 = arith.maximumf %max3A_335, %select_n3A_126 : vector<128x1xf32>
    %max3A_337 = arith.maximumf %max3A_336, %select_n3A_136 : vector<128x1xf32>
    %max3A_338 = arith.maximumf %max3A_337, %select_n3A_146 : vector<128x1xf32>
    %max3A_339 = arith.maximumf %max3A_338, %select_n3A_156 : vector<128x1xf32>
    %max3A_340 = arith.maximumf %max3A_339, %select_n3A_166 : vector<128x1xf32>
    %max3A_341 = arith.maximumf %max3A_340, %select_n3A_176 : vector<128x1xf32>
    %max3A_342 = arith.maximumf %max3A_341, %select_n3A_186 : vector<128x1xf32>
    %max3A_343 = arith.maximumf %max3A_342, %select_n3A_196 : vector<128x1xf32>
    %max3A_344 = arith.maximumf %max3A_343, %select_n3A_206 : vector<128x1xf32>
    %max3A_345 = arith.maximumf %max3A_344, %select_n3A_216 : vector<128x1xf32>
    %max3A_346 = arith.maximumf %max3A_345, %select_n3A_226 : vector<128x1xf32>
    %max3A_347 = arith.maximumf %max3A_346, %select_n3A_236 : vector<128x1xf32>
    %max3A_348 = arith.maximumf %max3A_347, %select_n3A_246 : vector<128x1xf32>
    %max3A_349 = arith.maximumf %max3A_348, %select_n3A_256 : vector<128x1xf32>
    %max3A_350 = arith.maximumf %max3A_349, %select_n3A_266 : vector<128x1xf32>
    %max3A_351 = arith.maximumf %max3A_350, %select_n3A_276 : vector<128x1xf32>
    %max3A_352 = arith.maximumf %max3A_351, %select_n3A_286 : vector<128x1xf32>
    %max3A_353 = arith.maximumf %max3A_352, %select_n3A_296 : vector<128x1xf32>
    %max3A_354 = arith.maximumf %max3A_353, %select_n3A_306 : vector<128x1xf32>
    %max3A_355 = arith.maximumf %max3A_354, %select_n3A_316 : vector<128x1xf32>
    %max3A_356 = arith.maximumf %max3A_355, %select_n3A_326 : vector<128x1xf32>
    %sub3A = arith.subf %select_n3A, %max3A_356 : vector<128x1xf32>
    %exp3A = math.exp %sub3A : vector<128x1xf32>
    %sub3A_357 = arith.subf %select_n3A_26, %max3A_356 : vector<128x1xf32>
    %exp3A_358 = math.exp %sub3A_357 : vector<128x1xf32>
    %sub3A_359 = arith.subf %select_n3A_36, %max3A_356 : vector<128x1xf32>
    %exp3A_360 = math.exp %sub3A_359 : vector<128x1xf32>
    %sub3A_361 = arith.subf %select_n3A_46, %max3A_356 : vector<128x1xf32>
    %exp3A_362 = math.exp %sub3A_361 : vector<128x1xf32>
    %sub3A_363 = arith.subf %select_n3A_56, %max3A_356 : vector<128x1xf32>
    %exp3A_364 = math.exp %sub3A_363 : vector<128x1xf32>
    %sub3A_365 = arith.subf %select_n3A_66, %max3A_356 : vector<128x1xf32>
    %exp3A_366 = math.exp %sub3A_365 : vector<128x1xf32>
    %sub3A_367 = arith.subf %select_n3A_76, %max3A_356 : vector<128x1xf32>
    %exp3A_368 = math.exp %sub3A_367 : vector<128x1xf32>
    %sub3A_369 = arith.subf %select_n3A_86, %max3A_356 : vector<128x1xf32>
    %exp3A_370 = math.exp %sub3A_369 : vector<128x1xf32>
    %sub3A_371 = arith.subf %select_n3A_96, %max3A_356 : vector<128x1xf32>
    %exp3A_372 = math.exp %sub3A_371 : vector<128x1xf32>
    %sub3A_373 = arith.subf %select_n3A_106, %max3A_356 : vector<128x1xf32>
    %exp3A_374 = math.exp %sub3A_373 : vector<128x1xf32>
    %sub3A_375 = arith.subf %select_n3A_116, %max3A_356 : vector<128x1xf32>
    %exp3A_376 = math.exp %sub3A_375 : vector<128x1xf32>
    %sub3A_377 = arith.subf %select_n3A_126, %max3A_356 : vector<128x1xf32>
    %exp3A_378 = math.exp %sub3A_377 : vector<128x1xf32>
    %sub3A_379 = arith.subf %select_n3A_136, %max3A_356 : vector<128x1xf32>
    %exp3A_380 = math.exp %sub3A_379 : vector<128x1xf32>
    %sub3A_381 = arith.subf %select_n3A_146, %max3A_356 : vector<128x1xf32>
    %exp3A_382 = math.exp %sub3A_381 : vector<128x1xf32>
    %sub3A_383 = arith.subf %select_n3A_156, %max3A_356 : vector<128x1xf32>
    %exp3A_384 = math.exp %sub3A_383 : vector<128x1xf32>
    %sub3A_385 = arith.subf %select_n3A_166, %max3A_356 : vector<128x1xf32>
    %exp3A_386 = math.exp %sub3A_385 : vector<128x1xf32>
    %sub3A_387 = arith.subf %select_n3A_176, %max3A_356 : vector<128x1xf32>
    %exp3A_388 = math.exp %sub3A_387 : vector<128x1xf32>
    %sub3A_389 = arith.subf %select_n3A_186, %max3A_356 : vector<128x1xf32>
    %exp3A_390 = math.exp %sub3A_389 : vector<128x1xf32>
    %sub3A_391 = arith.subf %select_n3A_196, %max3A_356 : vector<128x1xf32>
    %exp3A_392 = math.exp %sub3A_391 : vector<128x1xf32>
    %sub3A_393 = arith.subf %select_n3A_206, %max3A_356 : vector<128x1xf32>
    %exp3A_394 = math.exp %sub3A_393 : vector<128x1xf32>
    %sub3A_395 = arith.subf %select_n3A_216, %max3A_356 : vector<128x1xf32>
    %exp3A_396 = math.exp %sub3A_395 : vector<128x1xf32>
    %sub3A_397 = arith.subf %select_n3A_226, %max3A_356 : vector<128x1xf32>
    %exp3A_398 = math.exp %sub3A_397 : vector<128x1xf32>
    %sub3A_399 = arith.subf %select_n3A_236, %max3A_356 : vector<128x1xf32>
    %exp3A_400 = math.exp %sub3A_399 : vector<128x1xf32>
    %sub3A_401 = arith.subf %select_n3A_246, %max3A_356 : vector<128x1xf32>
    %exp3A_402 = math.exp %sub3A_401 : vector<128x1xf32>
    %sub3A_403 = arith.subf %select_n3A_256, %max3A_356 : vector<128x1xf32>
    %exp3A_404 = math.exp %sub3A_403 : vector<128x1xf32>
    %sub3A_405 = arith.subf %select_n3A_266, %max3A_356 : vector<128x1xf32>
    %exp3A_406 = math.exp %sub3A_405 : vector<128x1xf32>
    %sub3A_407 = arith.subf %select_n3A_276, %max3A_356 : vector<128x1xf32>
    %exp3A_408 = math.exp %sub3A_407 : vector<128x1xf32>
    %sub3A_409 = arith.subf %select_n3A_286, %max3A_356 : vector<128x1xf32>
    %exp3A_410 = math.exp %sub3A_409 : vector<128x1xf32>
    %sub3A_411 = arith.subf %select_n3A_296, %max3A_356 : vector<128x1xf32>
    %exp3A_412 = math.exp %sub3A_411 : vector<128x1xf32>
    %sub3A_413 = arith.subf %select_n3A_306, %max3A_356 : vector<128x1xf32>
    %exp3A_414 = math.exp %sub3A_413 : vector<128x1xf32>
    %sub3A_415 = arith.subf %select_n3A_316, %max3A_356 : vector<128x1xf32>
    %exp3A_416 = math.exp %sub3A_415 : vector<128x1xf32>
    %sub3A_417 = arith.subf %select_n3A_326, %max3A_356 : vector<128x1xf32>
    %exp3A_418 = math.exp %sub3A_417 : vector<128x1xf32>
    %add3A_419 = arith.addf %exp3A, %exp3A_358 : vector<128x1xf32>
    %add3A_420 = arith.addf %add3A_419, %exp3A_360 : vector<128x1xf32>
    %add3A_421 = arith.addf %add3A_420, %exp3A_362 : vector<128x1xf32>
    %add3A_422 = arith.addf %add3A_421, %exp3A_364 : vector<128x1xf32>
    %add3A_423 = arith.addf %add3A_422, %exp3A_366 : vector<128x1xf32>
    %add3A_424 = arith.addf %add3A_423, %exp3A_368 : vector<128x1xf32>
    %add3A_425 = arith.addf %add3A_424, %exp3A_370 : vector<128x1xf32>
    %add3A_426 = arith.addf %add3A_425, %exp3A_372 : vector<128x1xf32>
    %add3A_427 = arith.addf %add3A_426, %exp3A_374 : vector<128x1xf32>
    %add3A_428 = arith.addf %add3A_427, %exp3A_376 : vector<128x1xf32>
    %add3A_429 = arith.addf %add3A_428, %exp3A_378 : vector<128x1xf32>
    %add3A_430 = arith.addf %add3A_429, %exp3A_380 : vector<128x1xf32>
    %add3A_431 = arith.addf %add3A_430, %exp3A_382 : vector<128x1xf32>
    %add3A_432 = arith.addf %add3A_431, %exp3A_384 : vector<128x1xf32>
    %add3A_433 = arith.addf %add3A_432, %exp3A_386 : vector<128x1xf32>
    %add3A_434 = arith.addf %add3A_433, %exp3A_388 : vector<128x1xf32>
    %add3A_435 = arith.addf %add3A_434, %exp3A_390 : vector<128x1xf32>
    %add3A_436 = arith.addf %add3A_435, %exp3A_392 : vector<128x1xf32>
    %add3A_437 = arith.addf %add3A_436, %exp3A_394 : vector<128x1xf32>
    %add3A_438 = arith.addf %add3A_437, %exp3A_396 : vector<128x1xf32>
    %add3A_439 = arith.addf %add3A_438, %exp3A_398 : vector<128x1xf32>
    %add3A_440 = arith.addf %add3A_439, %exp3A_400 : vector<128x1xf32>
    %add3A_441 = arith.addf %add3A_440, %exp3A_402 : vector<128x1xf32>
    %add3A_442 = arith.addf %add3A_441, %exp3A_404 : vector<128x1xf32>
    %add3A_443 = arith.addf %add3A_442, %exp3A_406 : vector<128x1xf32>
    %add3A_444 = arith.addf %add3A_443, %exp3A_408 : vector<128x1xf32>
    %add3A_445 = arith.addf %add3A_444, %exp3A_410 : vector<128x1xf32>
    %add3A_446 = arith.addf %add3A_445, %exp3A_412 : vector<128x1xf32>
    %add3A_447 = arith.addf %add3A_446, %exp3A_414 : vector<128x1xf32>
    %add3A_448 = arith.addf %add3A_447, %exp3A_416 : vector<128x1xf32>
    %add3A_449 = arith.addf %add3A_448, %exp3A_418 : vector<128x1xf32>
    %add3A_450 = arith.constant 1.000000e-16 : f32
    %add3A_451 = vector.broadcast %add3A_450 : f32 to vector<128x1xf32>
    %add3A_452 = arith.addf %add3A_449, %add3A_451 : vector<128x1xf32>
    %div3A = arith.constant 1.000000e+00 : f32
    %div3A_453 = vector.broadcast %div3A : f32 to vector<128x1xf32>
    %div3A_454 = arith.divf %div3A_453, %add3A_452 : vector<128x1xf32>
    %mul3A_455 = arith.mulf %exp3A, %div3A_454 : vector<128x1xf32>
    %get3A_456 = arith.constant 0 : index
    %get3A_457 = arith.constant 0 : index
    %get3A_458 = arith.constant 0 : index
    %get3A_459 = vector.load %arg1[%get3A_456, %get3A_457, %get3A_458] : memref<128x32x128xf32, #tpu.memory_space<vmem>>, vector<128x1x128xf32>
    %get3A_460 = vector.shape_cast %get3A_459 : vector<128x1x128xf32> to vector<128x128xf32>
    %mul3A_461 = vector.broadcast %mul3A_455 : vector<128x1xf32> to vector<128x128xf32>
    %mul3A_462 = arith.mulf %mul3A_461, %get3A_460 : vector<128x128xf32>
    %mul3A_463 = arith.mulf %exp3A_358, %div3A_454 : vector<128x1xf32>
    %get3A_464 = arith.constant 0 : index
    %get3A_465 = arith.constant 1 : index
    %get3A_466 = arith.constant 0 : index
    %get3A_467 = vector.load %arg1[%get3A_464, %get3A_465, %get3A_466] : memref<128x32x128xf32, #tpu.memory_space<vmem>>, vector<128x1x128xf32>
    %get3A_468 = vector.shape_cast %get3A_467 : vector<128x1x128xf32> to vector<128x128xf32>
    %mul3A_469 = vector.broadcast %mul3A_463 : vector<128x1xf32> to vector<128x128xf32>
    %mul3A_470 = arith.mulf %mul3A_469, %get3A_468 : vector<128x128xf32>
    %add3A_471 = arith.addf %mul3A_462, %mul3A_470 : vector<128x128xf32>
    %mul3A_472 = arith.mulf %exp3A_360, %div3A_454 : vector<128x1xf32>
    %get3A_473 = arith.constant 0 : index
    %get3A_474 = arith.constant 2 : index
    %get3A_475 = arith.constant 0 : index
    %get3A_476 = vector.load %arg1[%get3A_473, %get3A_474, %get3A_475] : memref<128x32x128xf32, #tpu.memory_space<vmem>>, vector<128x1x128xf32>
    %get3A_477 = vector.shape_cast %get3A_476 : vector<128x1x128xf32> to vector<128x128xf32>
    %mul3A_478 = vector.broadcast %mul3A_472 : vector<128x1xf32> to vector<128x128xf32>
    %mul3A_479 = arith.mulf %mul3A_478, %get3A_477 : vector<128x128xf32>
    %add3A_480 = arith.addf %add3A_471, %mul3A_479 : vector<128x128xf32>
    %mul3A_481 = arith.mulf %exp3A_362, %div3A_454 : vector<128x1xf32>
    %get3A_482 = arith.constant 0 : index
    %get3A_483 = arith.constant 3 : index
    %get3A_484 = arith.constant 0 : index
    %get3A_485 = vector.load %arg1[%get3A_482, %get3A_483, %get3A_484] : memref<128x32x128xf32, #tpu.memory_space<vmem>>, vector<128x1x128xf32>
    %get3A_486 = vector.shape_cast %get3A_485 : vector<128x1x128xf32> to vector<128x128xf32>
    %mul3A_487 = vector.broadcast %mul3A_481 : vector<128x1xf32> to vector<128x128xf32>
    %mul3A_488 = arith.mulf %mul3A_487, %get3A_486 : vector<128x128xf32>
    %add3A_489 = arith.addf %add3A_480, %mul3A_488 : vector<128x128xf32>
    %mul3A_490 = arith.mulf %exp3A_364, %div3A_454 : vector<128x1xf32>
    %get3A_491 = arith.constant 0 : index
    %get3A_492 = arith.constant 4 : index
    %get3A_493 = arith.constant 0 : index
    %get3A_494 = vector.load %arg1[%get3A_491, %get3A_492, %get3A_493] : memref<128x32x128xf32, #tpu.memory_space<vmem>>, vector<128x1x128xf32>
    %get3A_495 = vector.shape_cast %get3A_494 : vector<128x1x128xf32> to vector<128x128xf32>
    %mul3A_496 = vector.broadcast %mul3A_490 : vector<128x1xf32> to vector<128x128xf32>
    %mul3A_497 = arith.mulf %mul3A_496, %get3A_495 : vector<128x128xf32>
    %add3A_498 = arith.addf %add3A_489, %mul3A_497 : vector<128x128xf32>
    %mul3A_499 = arith.mulf %exp3A_366, %div3A_454 : vector<128x1xf32>
    %get3A_500 = arith.constant 0 : index
    %get3A_501 = arith.constant 5 : index
    %get3A_502 = arith.constant 0 : index
    %get3A_503 = vector.load %arg1[%get3A_500, %get3A_501, %get3A_502] : memref<128x32x128xf32, #tpu.memory_space<vmem>>, vector<128x1x128xf32>
    %get3A_504 = vector.shape_cast %get3A_503 : vector<128x1x128xf32> to vector<128x128xf32>
    %mul3A_505 = vector.broadcast %mul3A_499 : vector<128x1xf32> to vector<128x128xf32>
    %mul3A_506 = arith.mulf %mul3A_505, %get3A_504 : vector<128x128xf32>
    %add3A_507 = arith.addf %add3A_498, %mul3A_506 : vector<128x128xf32>
    %mul3A_508 = arith.mulf %exp3A_368, %div3A_454 : vector<128x1xf32>
    %get3A_509 = arith.constant 0 : index
    %get3A_510 = arith.constant 6 : index
    %get3A_511 = arith.constant 0 : index
    %get3A_512 = vector.load %arg1[%get3A_509, %get3A_510, %get3A_511] : memref<128x32x128xf32, #tpu.memory_space<vmem>>, vector<128x1x128xf32>
    %get3A_513 = vector.shape_cast %get3A_512 : vector<128x1x128xf32> to vector<128x128xf32>
    %mul3A_514 = vector.broadcast %mul3A_508 : vector<128x1xf32> to vector<128x128xf32>
    %mul3A_515 = arith.mulf %mul3A_514, %get3A_513 : vector<128x128xf32>
    %add3A_516 = arith.addf %add3A_507, %mul3A_515 : vector<128x128xf32>
    %mul3A_517 = arith.mulf %exp3A_370, %div3A_454 : vector<128x1xf32>
    %get3A_518 = arith.constant 0 : index
    %get3A_519 = arith.constant 7 : index
    %get3A_520 = arith.constant 0 : index
    %get3A_521 = vector.load %arg1[%get3A_518, %get3A_519, %get3A_520] : memref<128x32x128xf32, #tpu.memory_space<vmem>>, vector<128x1x128xf32>
    %get3A_522 = vector.shape_cast %get3A_521 : vector<128x1x128xf32> to vector<128x128xf32>
    %mul3A_523 = vector.broadcast %mul3A_517 : vector<128x1xf32> to vector<128x128xf32>
    %mul3A_524 = arith.mulf %mul3A_523, %get3A_522 : vector<128x128xf32>
    %add3A_525 = arith.addf %add3A_516, %mul3A_524 : vector<128x128xf32>
    %mul3A_526 = arith.mulf %exp3A_372, %div3A_454 : vector<128x1xf32>
    %get3A_527 = arith.constant 0 : index
    %get3A_528 = arith.constant 8 : index
    %get3A_529 = arith.constant 0 : index
    %get3A_530 = vector.load %arg1[%get3A_527, %get3A_528, %get3A_529] : memref<128x32x128xf32, #tpu.memory_space<vmem>>, vector<128x1x128xf32>
    %get3A_531 = vector.shape_cast %get3A_530 : vector<128x1x128xf32> to vector<128x128xf32>
    %mul3A_532 = vector.broadcast %mul3A_526 : vector<128x1xf32> to vector<128x128xf32>
    %mul3A_533 = arith.mulf %mul3A_532, %get3A_531 : vector<128x128xf32>
    %add3A_534 = arith.addf %add3A_525, %mul3A_533 : vector<128x128xf32>
    %mul3A_535 = arith.mulf %exp3A_374, %div3A_454 : vector<128x1xf32>
    %get3A_536 = arith.constant 0 : index
    %get3A_537 = arith.constant 9 : index
    %get3A_538 = arith.constant 0 : index
    %get3A_539 = vector.load %arg1[%get3A_536, %get3A_537, %get3A_538] : memref<128x32x128xf32, #tpu.memory_space<vmem>>, vector<128x1x128xf32>
    %get3A_540 = vector.shape_cast %get3A_539 : vector<128x1x128xf32> to vector<128x128xf32>
    %mul3A_541 = vector.broadcast %mul3A_535 : vector<128x1xf32> to vector<128x128xf32>
    %mul3A_542 = arith.mulf %mul3A_541, %get3A_540 : vector<128x128xf32>
    %add3A_543 = arith.addf %add3A_534, %mul3A_542 : vector<128x128xf32>
    %mul3A_544 = arith.mulf %exp3A_376, %div3A_454 : vector<128x1xf32>
    %get3A_545 = arith.constant 0 : index
    %get3A_546 = arith.constant 10 : index
    %get3A_547 = arith.constant 0 : index
    %get3A_548 = vector.load %arg1[%get3A_545, %get3A_546, %get3A_547] : memref<128x32x128xf32, #tpu.memory_space<vmem>>, vector<128x1x128xf32>
    %get3A_549 = vector.shape_cast %get3A_548 : vector<128x1x128xf32> to vector<128x128xf32>
    %mul3A_550 = vector.broadcast %mul3A_544 : vector<128x1xf32> to vector<128x128xf32>
    %mul3A_551 = arith.mulf %mul3A_550, %get3A_549 : vector<128x128xf32>
    %add3A_552 = arith.addf %add3A_543, %mul3A_551 : vector<128x128xf32>
    %mul3A_553 = arith.mulf %exp3A_378, %div3A_454 : vector<128x1xf32>
    %get3A_554 = arith.constant 0 : index
    %get3A_555 = arith.constant 11 : index
    %get3A_556 = arith.constant 0 : index
    %get3A_557 = vector.load %arg1[%get3A_554, %get3A_555, %get3A_556] : memref<128x32x128xf32, #tpu.memory_space<vmem>>, vector<128x1x128xf32>
    %get3A_558 = vector.shape_cast %get3A_557 : vector<128x1x128xf32> to vector<128x128xf32>
    %mul3A_559 = vector.broadcast %mul3A_553 : vector<128x1xf32> to vector<128x128xf32>
    %mul3A_560 = arith.mulf %mul3A_559, %get3A_558 : vector<128x128xf32>
    %add3A_561 = arith.addf %add3A_552, %mul3A_560 : vector<128x128xf32>
    %mul3A_562 = arith.mulf %exp3A_380, %div3A_454 : vector<128x1xf32>
    %get3A_563 = arith.constant 0 : index
    %get3A_564 = arith.constant 12 : index
    %get3A_565 = arith.constant 0 : index
    %get3A_566 = vector.load %arg1[%get3A_563, %get3A_564, %get3A_565] : memref<128x32x128xf32, #tpu.memory_space<vmem>>, vector<128x1x128xf32>
    %get3A_567 = vector.shape_cast %get3A_566 : vector<128x1x128xf32> to vector<128x128xf32>
    %mul3A_568 = vector.broadcast %mul3A_562 : vector<128x1xf32> to vector<128x128xf32>
    %mul3A_569 = arith.mulf %mul3A_568, %get3A_567 : vector<128x128xf32>
    %add3A_570 = arith.addf %add3A_561, %mul3A_569 : vector<128x128xf32>
    %mul3A_571 = arith.mulf %exp3A_382, %div3A_454 : vector<128x1xf32>
    %get3A_572 = arith.constant 0 : index
    %get3A_573 = arith.constant 13 : index
    %get3A_574 = arith.constant 0 : index
    %get3A_575 = vector.load %arg1[%get3A_572, %get3A_573, %get3A_574] : memref<128x32x128xf32, #tpu.memory_space<vmem>>, vector<128x1x128xf32>
    %get3A_576 = vector.shape_cast %get3A_575 : vector<128x1x128xf32> to vector<128x128xf32>
    %mul3A_577 = vector.broadcast %mul3A_571 : vector<128x1xf32> to vector<128x128xf32>
    %mul3A_578 = arith.mulf %mul3A_577, %get3A_576 : vector<128x128xf32>
    %add3A_579 = arith.addf %add3A_570, %mul3A_578 : vector<128x128xf32>
    %mul3A_580 = arith.mulf %exp3A_384, %div3A_454 : vector<128x1xf32>
    %get3A_581 = arith.constant 0 : index
    %get3A_582 = arith.constant 14 : index
    %get3A_583 = arith.constant 0 : index
    %get3A_584 = vector.load %arg1[%get3A_581, %get3A_582, %get3A_583] : memref<128x32x128xf32, #tpu.memory_space<vmem>>, vector<128x1x128xf32>
    %get3A_585 = vector.shape_cast %get3A_584 : vector<128x1x128xf32> to vector<128x128xf32>
    %mul3A_586 = vector.broadcast %mul3A_580 : vector<128x1xf32> to vector<128x128xf32>
    %mul3A_587 = arith.mulf %mul3A_586, %get3A_585 : vector<128x128xf32>
    %add3A_588 = arith.addf %add3A_579, %mul3A_587 : vector<128x128xf32>
    %mul3A_589 = arith.mulf %exp3A_386, %div3A_454 : vector<128x1xf32>
    %get3A_590 = arith.constant 0 : index
    %get3A_591 = arith.constant 15 : index
    %get3A_592 = arith.constant 0 : index
    %get3A_593 = vector.load %arg1[%get3A_590, %get3A_591, %get3A_592] : memref<128x32x128xf32, #tpu.memory_space<vmem>>, vector<128x1x128xf32>
    %get3A_594 = vector.shape_cast %get3A_593 : vector<128x1x128xf32> to vector<128x128xf32>
    %mul3A_595 = vector.broadcast %mul3A_589 : vector<128x1xf32> to vector<128x128xf32>
    %mul3A_596 = arith.mulf %mul3A_595, %get3A_594 : vector<128x128xf32>
    %add3A_597 = arith.addf %add3A_588, %mul3A_596 : vector<128x128xf32>
    %mul3A_598 = arith.mulf %exp3A_388, %div3A_454 : vector<128x1xf32>
    %get3A_599 = arith.constant 0 : index
    %get3A_600 = arith.constant 16 : index
    %get3A_601 = arith.constant 0 : index
    %get3A_602 = vector.load %arg1[%get3A_599, %get3A_600, %get3A_601] : memref<128x32x128xf32, #tpu.memory_space<vmem>>, vector<128x1x128xf32>
    %get3A_603 = vector.shape_cast %get3A_602 : vector<128x1x128xf32> to vector<128x128xf32>
    %mul3A_604 = vector.broadcast %mul3A_598 : vector<128x1xf32> to vector<128x128xf32>
    %mul3A_605 = arith.mulf %mul3A_604, %get3A_603 : vector<128x128xf32>
    %add3A_606 = arith.addf %add3A_597, %mul3A_605 : vector<128x128xf32>
    %mul3A_607 = arith.mulf %exp3A_390, %div3A_454 : vector<128x1xf32>
    %get3A_608 = arith.constant 0 : index
    %get3A_609 = arith.constant 17 : index
    %get3A_610 = arith.constant 0 : index
    %get3A_611 = vector.load %arg1[%get3A_608, %get3A_609, %get3A_610] : memref<128x32x128xf32, #tpu.memory_space<vmem>>, vector<128x1x128xf32>
    %get3A_612 = vector.shape_cast %get3A_611 : vector<128x1x128xf32> to vector<128x128xf32>
    %mul3A_613 = vector.broadcast %mul3A_607 : vector<128x1xf32> to vector<128x128xf32>
    %mul3A_614 = arith.mulf %mul3A_613, %get3A_612 : vector<128x128xf32>
    %add3A_615 = arith.addf %add3A_606, %mul3A_614 : vector<128x128xf32>
    %mul3A_616 = arith.mulf %exp3A_392, %div3A_454 : vector<128x1xf32>
    %get3A_617 = arith.constant 0 : index
    %get3A_618 = arith.constant 18 : index
    %get3A_619 = arith.constant 0 : index
    %get3A_620 = vector.load %arg1[%get3A_617, %get3A_618, %get3A_619] : memref<128x32x128xf32, #tpu.memory_space<vmem>>, vector<128x1x128xf32>
    %get3A_621 = vector.shape_cast %get3A_620 : vector<128x1x128xf32> to vector<128x128xf32>
    %mul3A_622 = vector.broadcast %mul3A_616 : vector<128x1xf32> to vector<128x128xf32>
    %mul3A_623 = arith.mulf %mul3A_622, %get3A_621 : vector<128x128xf32>
    %add3A_624 = arith.addf %add3A_615, %mul3A_623 : vector<128x128xf32>
    %mul3A_625 = arith.mulf %exp3A_394, %div3A_454 : vector<128x1xf32>
    %get3A_626 = arith.constant 0 : index
    %get3A_627 = arith.constant 19 : index
    %get3A_628 = arith.constant 0 : index
    %get3A_629 = vector.load %arg1[%get3A_626, %get3A_627, %get3A_628] : memref<128x32x128xf32, #tpu.memory_space<vmem>>, vector<128x1x128xf32>
    %get3A_630 = vector.shape_cast %get3A_629 : vector<128x1x128xf32> to vector<128x128xf32>
    %mul3A_631 = vector.broadcast %mul3A_625 : vector<128x1xf32> to vector<128x128xf32>
    %mul3A_632 = arith.mulf %mul3A_631, %get3A_630 : vector<128x128xf32>
    %add3A_633 = arith.addf %add3A_624, %mul3A_632 : vector<128x128xf32>
    %mul3A_634 = arith.mulf %exp3A_396, %div3A_454 : vector<128x1xf32>
    %get3A_635 = arith.constant 0 : index
    %get3A_636 = arith.constant 20 : index
    %get3A_637 = arith.constant 0 : index
    %get3A_638 = vector.load %arg1[%get3A_635, %get3A_636, %get3A_637] : memref<128x32x128xf32, #tpu.memory_space<vmem>>, vector<128x1x128xf32>
    %get3A_639 = vector.shape_cast %get3A_638 : vector<128x1x128xf32> to vector<128x128xf32>
    %mul3A_640 = vector.broadcast %mul3A_634 : vector<128x1xf32> to vector<128x128xf32>
    %mul3A_641 = arith.mulf %mul3A_640, %get3A_639 : vector<128x128xf32>
    %add3A_642 = arith.addf %add3A_633, %mul3A_641 : vector<128x128xf32>
    %mul3A_643 = arith.mulf %exp3A_398, %div3A_454 : vector<128x1xf32>
    %get3A_644 = arith.constant 0 : index
    %get3A_645 = arith.constant 21 : index
    %get3A_646 = arith.constant 0 : index
    %get3A_647 = vector.load %arg1[%get3A_644, %get3A_645, %get3A_646] : memref<128x32x128xf32, #tpu.memory_space<vmem>>, vector<128x1x128xf32>
    %get3A_648 = vector.shape_cast %get3A_647 : vector<128x1x128xf32> to vector<128x128xf32>
    %mul3A_649 = vector.broadcast %mul3A_643 : vector<128x1xf32> to vector<128x128xf32>
    %mul3A_650 = arith.mulf %mul3A_649, %get3A_648 : vector<128x128xf32>
    %add3A_651 = arith.addf %add3A_642, %mul3A_650 : vector<128x128xf32>
    %mul3A_652 = arith.mulf %exp3A_400, %div3A_454 : vector<128x1xf32>
    %get3A_653 = arith.constant 0 : index
    %get3A_654 = arith.constant 22 : index
    %get3A_655 = arith.constant 0 : index
    %get3A_656 = vector.load %arg1[%get3A_653, %get3A_654, %get3A_655] : memref<128x32x128xf32, #tpu.memory_space<vmem>>, vector<128x1x128xf32>
    %get3A_657 = vector.shape_cast %get3A_656 : vector<128x1x128xf32> to vector<128x128xf32>
    %mul3A_658 = vector.broadcast %mul3A_652 : vector<128x1xf32> to vector<128x128xf32>
    %mul3A_659 = arith.mulf %mul3A_658, %get3A_657 : vector<128x128xf32>
    %add3A_660 = arith.addf %add3A_651, %mul3A_659 : vector<128x128xf32>
    %mul3A_661 = arith.mulf %exp3A_402, %div3A_454 : vector<128x1xf32>
    %get3A_662 = arith.constant 0 : index
    %get3A_663 = arith.constant 23 : index
    %get3A_664 = arith.constant 0 : index
    %get3A_665 = vector.load %arg1[%get3A_662, %get3A_663, %get3A_664] : memref<128x32x128xf32, #tpu.memory_space<vmem>>, vector<128x1x128xf32>
    %get3A_666 = vector.shape_cast %get3A_665 : vector<128x1x128xf32> to vector<128x128xf32>
    %mul3A_667 = vector.broadcast %mul3A_661 : vector<128x1xf32> to vector<128x128xf32>
    %mul3A_668 = arith.mulf %mul3A_667, %get3A_666 : vector<128x128xf32>
    %add3A_669 = arith.addf %add3A_660, %mul3A_668 : vector<128x128xf32>
    %mul3A_670 = arith.mulf %exp3A_404, %div3A_454 : vector<128x1xf32>
    %get3A_671 = arith.constant 0 : index
    %get3A_672 = arith.constant 24 : index
    %get3A_673 = arith.constant 0 : index
    %get3A_674 = vector.load %arg1[%get3A_671, %get3A_672, %get3A_673] : memref<128x32x128xf32, #tpu.memory_space<vmem>>, vector<128x1x128xf32>
    %get3A_675 = vector.shape_cast %get3A_674 : vector<128x1x128xf32> to vector<128x128xf32>
    %mul3A_676 = vector.broadcast %mul3A_670 : vector<128x1xf32> to vector<128x128xf32>
    %mul3A_677 = arith.mulf %mul3A_676, %get3A_675 : vector<128x128xf32>
    %add3A_678 = arith.addf %add3A_669, %mul3A_677 : vector<128x128xf32>
    %mul3A_679 = arith.mulf %exp3A_406, %div3A_454 : vector<128x1xf32>
    %get3A_680 = arith.constant 0 : index
    %get3A_681 = arith.constant 25 : index
    %get3A_682 = arith.constant 0 : index
    %get3A_683 = vector.load %arg1[%get3A_680, %get3A_681, %get3A_682] : memref<128x32x128xf32, #tpu.memory_space<vmem>>, vector<128x1x128xf32>
    %get3A_684 = vector.shape_cast %get3A_683 : vector<128x1x128xf32> to vector<128x128xf32>
    %mul3A_685 = vector.broadcast %mul3A_679 : vector<128x1xf32> to vector<128x128xf32>
    %mul3A_686 = arith.mulf %mul3A_685, %get3A_684 : vector<128x128xf32>
    %add3A_687 = arith.addf %add3A_678, %mul3A_686 : vector<128x128xf32>
    %mul3A_688 = arith.mulf %exp3A_408, %div3A_454 : vector<128x1xf32>
    %get3A_689 = arith.constant 0 : index
    %get3A_690 = arith.constant 26 : index
    %get3A_691 = arith.constant 0 : index
    %get3A_692 = vector.load %arg1[%get3A_689, %get3A_690, %get3A_691] : memref<128x32x128xf32, #tpu.memory_space<vmem>>, vector<128x1x128xf32>
    %get3A_693 = vector.shape_cast %get3A_692 : vector<128x1x128xf32> to vector<128x128xf32>
    %mul3A_694 = vector.broadcast %mul3A_688 : vector<128x1xf32> to vector<128x128xf32>
    %mul3A_695 = arith.mulf %mul3A_694, %get3A_693 : vector<128x128xf32>
    %add3A_696 = arith.addf %add3A_687, %mul3A_695 : vector<128x128xf32>
    %mul3A_697 = arith.mulf %exp3A_410, %div3A_454 : vector<128x1xf32>
    %get3A_698 = arith.constant 0 : index
    %get3A_699 = arith.constant 27 : index
    %get3A_700 = arith.constant 0 : index
    %get3A_701 = vector.load %arg1[%get3A_698, %get3A_699, %get3A_700] : memref<128x32x128xf32, #tpu.memory_space<vmem>>, vector<128x1x128xf32>
    %get3A_702 = vector.shape_cast %get3A_701 : vector<128x1x128xf32> to vector<128x128xf32>
    %mul3A_703 = vector.broadcast %mul3A_697 : vector<128x1xf32> to vector<128x128xf32>
    %mul3A_704 = arith.mulf %mul3A_703, %get3A_702 : vector<128x128xf32>
    %add3A_705 = arith.addf %add3A_696, %mul3A_704 : vector<128x128xf32>
    %mul3A_706 = arith.mulf %exp3A_412, %div3A_454 : vector<128x1xf32>
    %get3A_707 = arith.constant 0 : index
    %get3A_708 = arith.constant 28 : index
    %get3A_709 = arith.constant 0 : index
    %get3A_710 = vector.load %arg1[%get3A_707, %get3A_708, %get3A_709] : memref<128x32x128xf32, #tpu.memory_space<vmem>>, vector<128x1x128xf32>
    %get3A_711 = vector.shape_cast %get3A_710 : vector<128x1x128xf32> to vector<128x128xf32>
    %mul3A_712 = vector.broadcast %mul3A_706 : vector<128x1xf32> to vector<128x128xf32>
    %mul3A_713 = arith.mulf %mul3A_712, %get3A_711 : vector<128x128xf32>
    %add3A_714 = arith.addf %add3A_705, %mul3A_713 : vector<128x128xf32>
    %mul3A_715 = arith.mulf %exp3A_414, %div3A_454 : vector<128x1xf32>
    %get3A_716 = arith.constant 0 : index
    %get3A_717 = arith.constant 29 : index
    %get3A_718 = arith.constant 0 : index
    %get3A_719 = vector.load %arg1[%get3A_716, %get3A_717, %get3A_718] : memref<128x32x128xf32, #tpu.memory_space<vmem>>, vector<128x1x128xf32>
    %get3A_720 = vector.shape_cast %get3A_719 : vector<128x1x128xf32> to vector<128x128xf32>
    %mul3A_721 = vector.broadcast %mul3A_715 : vector<128x1xf32> to vector<128x128xf32>
    %mul3A_722 = arith.mulf %mul3A_721, %get3A_720 : vector<128x128xf32>
    %add3A_723 = arith.addf %add3A_714, %mul3A_722 : vector<128x128xf32>
    %mul3A_724 = arith.mulf %exp3A_416, %div3A_454 : vector<128x1xf32>
    %get3A_725 = arith.constant 0 : index
    %get3A_726 = arith.constant 30 : index
    %get3A_727 = arith.constant 0 : index
    %get3A_728 = vector.load %arg1[%get3A_725, %get3A_726, %get3A_727] : memref<128x32x128xf32, #tpu.memory_space<vmem>>, vector<128x1x128xf32>
    %get3A_729 = vector.shape_cast %get3A_728 : vector<128x1x128xf32> to vector<128x128xf32>
    %mul3A_730 = vector.broadcast %mul3A_724 : vector<128x1xf32> to vector<128x128xf32>
    %mul3A_731 = arith.mulf %mul3A_730, %get3A_729 : vector<128x128xf32>
    %add3A_732 = arith.addf %add3A_723, %mul3A_731 : vector<128x128xf32>
    %mul3A_733 = arith.mulf %exp3A_418, %div3A_454 : vector<128x1xf32>
    %get3A_734 = arith.constant 0 : index
    %get3A_735 = arith.constant 31 : index
    %get3A_736 = arith.constant 0 : index
    %get3A_737 = vector.load %arg1[%get3A_734, %get3A_735, %get3A_736] : memref<128x32x128xf32, #tpu.memory_space<vmem>>, vector<128x1x128xf32>
    %get3A_738 = vector.shape_cast %get3A_737 : vector<128x1x128xf32> to vector<128x128xf32>
    %mul3A_739 = vector.broadcast %mul3A_733 : vector<128x1xf32> to vector<128x128xf32>
    %mul3A_740 = arith.mulf %mul3A_739, %get3A_738 : vector<128x128xf32>
    %add3A_741 = arith.addf %add3A_732, %mul3A_740 : vector<128x128xf32>
    %swap3A = arith.constant 0 : index
    %swap3A_742 = arith.constant 0 : index
    %swap3A_743 = vector.load %arg4[%swap3A, %swap3A_742] : memref<128x128xf32, #tpu.memory_space<vmem>>, vector<128x128xf32>
    tpu.vector_store %arg4[%swap3A, %swap3A_742], %add3A_741 {strides = array<i32>} : memref<128x128xf32, #tpu.memory_space<vmem>>, vector<128x128xf32>,
    return
  }
  func.func @transform_0(%arg0: i32) -> (i32, i32, i32) {
    %c0_i32 = arith.constant 0 : i32
    %c0_i32_0 = arith.constant 0 : i32
    %c0_i32_1 = arith.constant 0 : i32
    return %arg0, %c0_i32, %c0_i32_0 : i32, i32, i32
  }
  func.func @transform_1(%arg0: i32) -> (i32, i32, i32) {
    %c0_i32 = arith.constant 0 : i32
    %c0_i32_0 = arith.constant 0 : i32
    %c0_i32_1 = arith.constant 0 : i32
    %c0_i32_2 = arith.constant 0 : i32
    return %c0_i32, %c0_i32_0, %c0_i32_1 : i32, i32, i32
  }
  func.func @transform_2(%arg0: i32) -> (i32, i32) {
    %c0_i32 = arith.constant 0 : i32
    %c0_i32_0 = arith.constant 0 : i32
    return %arg0, %c0_i32 : i32, i32
  }
  func.func @transform_3(%arg0: i32) -> (i32, i32) {
    %c0_i32 = arith.constant 0 : i32
    %c0_i32_0 = arith.constant 0 : i32
    return %arg0, %c0_i32 : i32, i32
  }
}

module attributes {stable_mosaic.version = 14 : i64} {
  func.func @_pre_body(%arg0: i32, %arg1: memref<512x128xf32, #tpu.memory_space<vmem>>, %arg2: memref<128x128xf32, #tpu.memory_space<vmem>>, %arg3: memref<128x1xf32, #tpu.memory_space<vmem>>, %arg4: memref<512x128xf32, #tpu.memory_space<vmem>>, %arg5: memref<512x1xf32, #tpu.memory_space<vmem>>) attributes {dimension_semantics = [#tpu.dimension_semantics<arbitrary>], iteration_bounds = array<i64: 20>, scalar_prefetch = 0 : i64, scratch_operands = 0 : i64, tpu.core_type = #tpu.core_type<tc>, window_params = [{transform_indices = @transform_0, window_bounds = array<i64: 512, 128>}, {pipeline_mode = #tpu.pipeline_mode<synchronous>, transform_indices = @transform_1, window_bounds = array<i64: 128, 128>}, {pipeline_mode = #tpu.pipeline_mode<synchronous>, transform_indices = @transform_2, window_bounds = array<i64: 128, 1>}, {transform_indices = @transform_3, window_bounds = array<i64: 512, 128>}, {transform_indices = @transform_4, window_bounds = array<i64: 512, 1>}]} {
    %get3A = arith.constant 0 : index
    %get3A_0 = arith.constant 0 : index
    %get3A_1 = vector.load %arg1[%get3A, %get3A_0] : memref<512x128xf32, #tpu.memory_space<vmem>>, vector<512x128xf32>
    %gt3A = arith.constant 0.000000e+00 : f32
    %gt3A_2 = vector.broadcast %gt3A : f32 to vector<512x128xf32>
    %gt3A_3 = arith.cmpf ogt, %get3A_1, %gt3A_2 : vector<512x128xf32>
    %exp3A = math.exp %get3A_1 : vector<512x128xf32>
    %sub3A = arith.constant 1.000000e+00 : f32
    %sub3A_4 = vector.broadcast %sub3A : f32 to vector<512x128xf32>
    %sub3A_5 = arith.subf %exp3A, %sub3A_4 : vector<512x128xf32>
    %select_n3A = arith.select %gt3A_3, %get3A_1, %sub3A_5 : vector<512x128xi1>, vector<512x128xf32>
    %get3A_6 = arith.constant 0 : index
    %get3A_7 = arith.constant 0 : index
    %get3A_8 = vector.load %arg2[%get3A_6, %get3A_7] : memref<128x128xf32, #tpu.memory_space<vmem>>, vector<128x128xf32>
    %dot_general3A = arith.constant dense<0.000000e+00> : vector<512x128xf32>
    %dot_general3A_9 = tpu.matmul %select_n3A, %get3A_8, %dot_general3A {dimension_numbers = #tpu.dot_dimension_numbers<[1], [0], [0], [1], [0, 0, 1, 1], [], []>, transpose_lhs_hint = false} : vector<512x128xf32>, vector<128x128xf32>, vector<512x128xf32> -> vector<512x128xf32>
    %swap3A = arith.constant 0 : index
    %swap3A_10 = arith.constant 0 : index
    %swap3A_11 = vector.load %arg4[%swap3A, %swap3A_10] : memref<512x128xf32, #tpu.memory_space<vmem>>, vector<512x128xf32>
    tpu.vector_store %arg4[%swap3A, %swap3A_10], %dot_general3A_9 {strides = array<i32>} : memref<512x128xf32, #tpu.memory_space<vmem>>, vector<512x128xf32>,
    %get3A_12 = arith.constant 0 : index
    %get3A_13 = arith.constant 0 : index
    %get3A_14 = vector.load %arg3[%get3A_12, %get3A_13] : memref<128x1xf32, #tpu.memory_space<vmem>>, vector<128x1xf32>
    %dot_general3A_15 = arith.constant dense<0.000000e+00> : vector<512x1xf32>
    %dot_general3A_16 = tpu.matmul %dot_general3A_9, %get3A_14, %dot_general3A_15 {dimension_numbers = #tpu.dot_dimension_numbers<[1], [0], [0], [1], [0, 0, 1, 1], [], []>, transpose_lhs_hint = false} : vector<512x128xf32>, vector<128x1xf32>, vector<512x1xf32> -> vector<512x1xf32>
    %swap3A_17 = arith.constant 0 : index
    %swap3A_18 = arith.constant 0 : index
    %swap3A_19 = vector.load %arg5[%swap3A_17, %swap3A_18] : memref<512x1xf32, #tpu.memory_space<vmem>>, vector<512x1xf32>
    tpu.vector_store %arg5[%swap3A_17, %swap3A_18], %dot_general3A_16 {strides = array<i32>} : memref<512x1xf32, #tpu.memory_space<vmem>>, vector<512x1xf32>,
    return
  }
  func.func @transform_0(%arg0: i32) -> (i32, i32) {
    %c0_i32 = arith.constant 0 : i32
    %c0_i32_0 = arith.constant 0 : i32
    return %arg0, %c0_i32 : i32, i32
  }
  func.func @transform_1(%arg0: i32) -> (i32, i32) {
    %c0_i32 = arith.constant 0 : i32
    %c0_i32_0 = arith.constant 0 : i32
    %c0_i32_1 = arith.constant 0 : i32
    return %c0_i32, %c0_i32_0 : i32, i32
  }
  func.func @transform_2(%arg0: i32) -> (i32, i32) {
    %c0_i32 = arith.constant 0 : i32
    %c0_i32_0 = arith.constant 0 : i32
    %c0_i32_1 = arith.constant 0 : i32
    return %c0_i32, %c0_i32_0 : i32, i32
  }
  func.func @transform_3(%arg0: i32) -> (i32, i32) {
    %c0_i32 = arith.constant 0 : i32
    %c0_i32_0 = arith.constant 0 : i32
    return %arg0, %c0_i32 : i32, i32
  }
  func.func @transform_4(%arg0: i32) -> (i32, i32) {
    %c0_i32 = arith.constant 0 : i32
    %c0_i32_0 = arith.constant 0 : i32
    return %arg0, %c0_i32 : i32, i32
  }
}

module attributes {stable_mosaic.version = 14 : i64} {
  func.func @_gatt_body(%arg0: i32, %arg1: memref<128x32x128xf32, #tpu.memory_space<vmem>>, %arg2: memref<1x1x128xf32, #tpu.memory_space<vmem>>, %arg3: memref<128x1xf32, #tpu.memory_space<vmem>>, %arg4: memref<128x64xf32, #tpu.memory_space<vmem>>) attributes {dimension_semantics = [#tpu.dimension_semantics<arbitrary>], iteration_bounds = array<i64: 80>, scalar_prefetch = 0 : i64, scratch_operands = 0 : i64, tpu.core_type = #tpu.core_type<tc>, window_params = [{transform_indices = @transform_0, window_bounds = array<i64: 128, 32, 128>}, {pipeline_mode = #tpu.pipeline_mode<synchronous>, transform_indices = @transform_1, window_bounds = array<i64: 1, 1, 128>}, {transform_indices = @transform_2, window_bounds = array<i64: 128, 1>}, {transform_indices = @transform_3, window_bounds = array<i64: 128, 64>}]} {
    %get3A = arith.constant 0 : index
    %get3A_0 = arith.constant 0 : index
    %get3A_1 = vector.load %arg3[%get3A, %get3A_0] : memref<128x1xf32, #tpu.memory_space<vmem>>, vector<128x1xf32>
    %get3A_2 = arith.constant 0 : index
    %get3A_3 = arith.constant 0 : index
    %get3A_4 = arith.constant 0 : index
    %get3A_5 = vector.load %arg1[%get3A_2, %get3A_3, %get3A_4] : memref<128x32x128xf32, #tpu.memory_space<vmem>>, vector<128x32x128xf32>
    %get3A_6 = arith.constant 0 : index
    %get3A_7 = arith.constant 0 : index
    %get3A_8 = arith.constant 0 : index
    %get3A_9 = vector.load %arg2[%get3A_6, %get3A_7, %get3A_8] : memref<1x1x128xf32, #tpu.memory_space<vmem>>, vector<1x1x128xf32>
    %mul3A = vector.broadcast %get3A_9 : vector<1x1x128xf32> to vector<128x32x128xf32>
    %mul3A_10 = arith.mulf %get3A_5, %mul3A : vector<128x32x128xf32>
    %reduce_sum3A = arith.constant dense<0.000000e+00> : vector<128x32xf32>
    %reduce_sum3A_11 = vector.multi_reduction <add>, %mul3A_10, %reduce_sum3A [2] : vector<128x32x128xf32> to vector<128x32xf32>
    %broadcast_in_dim3A = vector.shape_cast %reduce_sum3A_11 : vector<128x32xf32> to vector<128x32x1xf32>
    %slice3A = vector.extract_strided_slice %broadcast_in_dim3A {offsets = [0, 0, 0], sizes = [128, 1, 1], strides = [1, 1, 1]} : vector<128x32x1xf32> to vector<128x1x1xf32>
    %squeeze3A = vector.shape_cast %slice3A : vector<128x1x1xf32> to vector<128x1xf32>
    %add3A = arith.addf %squeeze3A, %get3A_1 : vector<128x1xf32>
    %gt3A = arith.constant 0.000000e+00 : f32
    %gt3A_12 = vector.broadcast %gt3A : f32 to vector<128x1xf32>
    %gt3A_13 = arith.cmpf ogt, %add3A, %gt3A_12 : vector<128x1xf32>
    %mul3A_14 = arith.constant 2.000000e-01 : f32
    %mul3A_15 = vector.broadcast %mul3A_14 : f32 to vector<128x1xf32>
    %mul3A_16 = arith.mulf %mul3A_15, %add3A : vector<128x1xf32>
    %select_n3A = arith.select %gt3A_13, %add3A, %mul3A_16 : vector<128x1xi1>, vector<128x1xf32>
    %slice3A_17 = vector.extract_strided_slice %broadcast_in_dim3A {offsets = [0, 1, 0], sizes = [128, 1, 1], strides = [1, 1, 1]} : vector<128x32x1xf32> to vector<128x1x1xf32>
    %squeeze3A_18 = vector.shape_cast %slice3A_17 : vector<128x1x1xf32> to vector<128x1xf32>
    %add3A_19 = arith.addf %squeeze3A_18, %get3A_1 : vector<128x1xf32>
    %gt3A_20 = arith.constant 0.000000e+00 : f32
    %gt3A_21 = vector.broadcast %gt3A_20 : f32 to vector<128x1xf32>
    %gt3A_22 = arith.cmpf ogt, %add3A_19, %gt3A_21 : vector<128x1xf32>
    %mul3A_23 = arith.constant 2.000000e-01 : f32
    %mul3A_24 = vector.broadcast %mul3A_23 : f32 to vector<128x1xf32>
    %mul3A_25 = arith.mulf %mul3A_24, %add3A_19 : vector<128x1xf32>
    %select_n3A_26 = arith.select %gt3A_22, %add3A_19, %mul3A_25 : vector<128x1xi1>, vector<128x1xf32>
    %slice3A_27 = vector.extract_strided_slice %broadcast_in_dim3A {offsets = [0, 2, 0], sizes = [128, 1, 1], strides = [1, 1, 1]} : vector<128x32x1xf32> to vector<128x1x1xf32>
    %squeeze3A_28 = vector.shape_cast %slice3A_27 : vector<128x1x1xf32> to vector<128x1xf32>
    %add3A_29 = arith.addf %squeeze3A_28, %get3A_1 : vector<128x1xf32>
    %gt3A_30 = arith.constant 0.000000e+00 : f32
    %gt3A_31 = vector.broadcast %gt3A_30 : f32 to vector<128x1xf32>
    %gt3A_32 = arith.cmpf ogt, %add3A_29, %gt3A_31 : vector<128x1xf32>
    %mul3A_33 = arith.constant 2.000000e-01 : f32
    %mul3A_34 = vector.broadcast %mul3A_33 : f32 to vector<128x1xf32>
    %mul3A_35 = arith.mulf %mul3A_34, %add3A_29 : vector<128x1xf32>
    %select_n3A_36 = arith.select %gt3A_32, %add3A_29, %mul3A_35 : vector<128x1xi1>, vector<128x1xf32>
    %slice3A_37 = vector.extract_strided_slice %broadcast_in_dim3A {offsets = [0, 3, 0], sizes = [128, 1, 1], strides = [1, 1, 1]} : vector<128x32x1xf32> to vector<128x1x1xf32>
    %squeeze3A_38 = vector.shape_cast %slice3A_37 : vector<128x1x1xf32> to vector<128x1xf32>
    %add3A_39 = arith.addf %squeeze3A_38, %get3A_1 : vector<128x1xf32>
    %gt3A_40 = arith.constant 0.000000e+00 : f32
    %gt3A_41 = vector.broadcast %gt3A_40 : f32 to vector<128x1xf32>
    %gt3A_42 = arith.cmpf ogt, %add3A_39, %gt3A_41 : vector<128x1xf32>
    %mul3A_43 = arith.constant 2.000000e-01 : f32
    %mul3A_44 = vector.broadcast %mul3A_43 : f32 to vector<128x1xf32>
    %mul3A_45 = arith.mulf %mul3A_44, %add3A_39 : vector<128x1xf32>
    %select_n3A_46 = arith.select %gt3A_42, %add3A_39, %mul3A_45 : vector<128x1xi1>, vector<128x1xf32>
    %slice3A_47 = vector.extract_strided_slice %broadcast_in_dim3A {offsets = [0, 4, 0], sizes = [128, 1, 1], strides = [1, 1, 1]} : vector<128x32x1xf32> to vector<128x1x1xf32>
    %squeeze3A_48 = vector.shape_cast %slice3A_47 : vector<128x1x1xf32> to vector<128x1xf32>
    %add3A_49 = arith.addf %squeeze3A_48, %get3A_1 : vector<128x1xf32>
    %gt3A_50 = arith.constant 0.000000e+00 : f32
    %gt3A_51 = vector.broadcast %gt3A_50 : f32 to vector<128x1xf32>
    %gt3A_52 = arith.cmpf ogt, %add3A_49, %gt3A_51 : vector<128x1xf32>
    %mul3A_53 = arith.constant 2.000000e-01 : f32
    %mul3A_54 = vector.broadcast %mul3A_53 : f32 to vector<128x1xf32>
    %mul3A_55 = arith.mulf %mul3A_54, %add3A_49 : vector<128x1xf32>
    %select_n3A_56 = arith.select %gt3A_52, %add3A_49, %mul3A_55 : vector<128x1xi1>, vector<128x1xf32>
    %slice3A_57 = vector.extract_strided_slice %broadcast_in_dim3A {offsets = [0, 5, 0], sizes = [128, 1, 1], strides = [1, 1, 1]} : vector<128x32x1xf32> to vector<128x1x1xf32>
    %squeeze3A_58 = vector.shape_cast %slice3A_57 : vector<128x1x1xf32> to vector<128x1xf32>
    %add3A_59 = arith.addf %squeeze3A_58, %get3A_1 : vector<128x1xf32>
    %gt3A_60 = arith.constant 0.000000e+00 : f32
    %gt3A_61 = vector.broadcast %gt3A_60 : f32 to vector<128x1xf32>
    %gt3A_62 = arith.cmpf ogt, %add3A_59, %gt3A_61 : vector<128x1xf32>
    %mul3A_63 = arith.constant 2.000000e-01 : f32
    %mul3A_64 = vector.broadcast %mul3A_63 : f32 to vector<128x1xf32>
    %mul3A_65 = arith.mulf %mul3A_64, %add3A_59 : vector<128x1xf32>
    %select_n3A_66 = arith.select %gt3A_62, %add3A_59, %mul3A_65 : vector<128x1xi1>, vector<128x1xf32>
    %slice3A_67 = vector.extract_strided_slice %broadcast_in_dim3A {offsets = [0, 6, 0], sizes = [128, 1, 1], strides = [1, 1, 1]} : vector<128x32x1xf32> to vector<128x1x1xf32>
    %squeeze3A_68 = vector.shape_cast %slice3A_67 : vector<128x1x1xf32> to vector<128x1xf32>
    %add3A_69 = arith.addf %squeeze3A_68, %get3A_1 : vector<128x1xf32>
    %gt3A_70 = arith.constant 0.000000e+00 : f32
    %gt3A_71 = vector.broadcast %gt3A_70 : f32 to vector<128x1xf32>
    %gt3A_72 = arith.cmpf ogt, %add3A_69, %gt3A_71 : vector<128x1xf32>
    %mul3A_73 = arith.constant 2.000000e-01 : f32
    %mul3A_74 = vector.broadcast %mul3A_73 : f32 to vector<128x1xf32>
    %mul3A_75 = arith.mulf %mul3A_74, %add3A_69 : vector<128x1xf32>
    %select_n3A_76 = arith.select %gt3A_72, %add3A_69, %mul3A_75 : vector<128x1xi1>, vector<128x1xf32>
    %slice3A_77 = vector.extract_strided_slice %broadcast_in_dim3A {offsets = [0, 7, 0], sizes = [128, 1, 1], strides = [1, 1, 1]} : vector<128x32x1xf32> to vector<128x1x1xf32>
    %squeeze3A_78 = vector.shape_cast %slice3A_77 : vector<128x1x1xf32> to vector<128x1xf32>
    %add3A_79 = arith.addf %squeeze3A_78, %get3A_1 : vector<128x1xf32>
    %gt3A_80 = arith.constant 0.000000e+00 : f32
    %gt3A_81 = vector.broadcast %gt3A_80 : f32 to vector<128x1xf32>
    %gt3A_82 = arith.cmpf ogt, %add3A_79, %gt3A_81 : vector<128x1xf32>
    %mul3A_83 = arith.constant 2.000000e-01 : f32
    %mul3A_84 = vector.broadcast %mul3A_83 : f32 to vector<128x1xf32>
    %mul3A_85 = arith.mulf %mul3A_84, %add3A_79 : vector<128x1xf32>
    %select_n3A_86 = arith.select %gt3A_82, %add3A_79, %mul3A_85 : vector<128x1xi1>, vector<128x1xf32>
    %slice3A_87 = vector.extract_strided_slice %broadcast_in_dim3A {offsets = [0, 8, 0], sizes = [128, 1, 1], strides = [1, 1, 1]} : vector<128x32x1xf32> to vector<128x1x1xf32>
    %squeeze3A_88 = vector.shape_cast %slice3A_87 : vector<128x1x1xf32> to vector<128x1xf32>
    %add3A_89 = arith.addf %squeeze3A_88, %get3A_1 : vector<128x1xf32>
    %gt3A_90 = arith.constant 0.000000e+00 : f32
    %gt3A_91 = vector.broadcast %gt3A_90 : f32 to vector<128x1xf32>
    %gt3A_92 = arith.cmpf ogt, %add3A_89, %gt3A_91 : vector<128x1xf32>
    %mul3A_93 = arith.constant 2.000000e-01 : f32
    %mul3A_94 = vector.broadcast %mul3A_93 : f32 to vector<128x1xf32>
    %mul3A_95 = arith.mulf %mul3A_94, %add3A_89 : vector<128x1xf32>
    %select_n3A_96 = arith.select %gt3A_92, %add3A_89, %mul3A_95 : vector<128x1xi1>, vector<128x1xf32>
    %slice3A_97 = vector.extract_strided_slice %broadcast_in_dim3A {offsets = [0, 9, 0], sizes = [128, 1, 1], strides = [1, 1, 1]} : vector<128x32x1xf32> to vector<128x1x1xf32>
    %squeeze3A_98 = vector.shape_cast %slice3A_97 : vector<128x1x1xf32> to vector<128x1xf32>
    %add3A_99 = arith.addf %squeeze3A_98, %get3A_1 : vector<128x1xf32>
    %gt3A_100 = arith.constant 0.000000e+00 : f32
    %gt3A_101 = vector.broadcast %gt3A_100 : f32 to vector<128x1xf32>
    %gt3A_102 = arith.cmpf ogt, %add3A_99, %gt3A_101 : vector<128x1xf32>
    %mul3A_103 = arith.constant 2.000000e-01 : f32
    %mul3A_104 = vector.broadcast %mul3A_103 : f32 to vector<128x1xf32>
    %mul3A_105 = arith.mulf %mul3A_104, %add3A_99 : vector<128x1xf32>
    %select_n3A_106 = arith.select %gt3A_102, %add3A_99, %mul3A_105 : vector<128x1xi1>, vector<128x1xf32>
    %slice3A_107 = vector.extract_strided_slice %broadcast_in_dim3A {offsets = [0, 10, 0], sizes = [128, 1, 1], strides = [1, 1, 1]} : vector<128x32x1xf32> to vector<128x1x1xf32>
    %squeeze3A_108 = vector.shape_cast %slice3A_107 : vector<128x1x1xf32> to vector<128x1xf32>
    %add3A_109 = arith.addf %squeeze3A_108, %get3A_1 : vector<128x1xf32>
    %gt3A_110 = arith.constant 0.000000e+00 : f32
    %gt3A_111 = vector.broadcast %gt3A_110 : f32 to vector<128x1xf32>
    %gt3A_112 = arith.cmpf ogt, %add3A_109, %gt3A_111 : vector<128x1xf32>
    %mul3A_113 = arith.constant 2.000000e-01 : f32
    %mul3A_114 = vector.broadcast %mul3A_113 : f32 to vector<128x1xf32>
    %mul3A_115 = arith.mulf %mul3A_114, %add3A_109 : vector<128x1xf32>
    %select_n3A_116 = arith.select %gt3A_112, %add3A_109, %mul3A_115 : vector<128x1xi1>, vector<128x1xf32>
    %slice3A_117 = vector.extract_strided_slice %broadcast_in_dim3A {offsets = [0, 11, 0], sizes = [128, 1, 1], strides = [1, 1, 1]} : vector<128x32x1xf32> to vector<128x1x1xf32>
    %squeeze3A_118 = vector.shape_cast %slice3A_117 : vector<128x1x1xf32> to vector<128x1xf32>
    %add3A_119 = arith.addf %squeeze3A_118, %get3A_1 : vector<128x1xf32>
    %gt3A_120 = arith.constant 0.000000e+00 : f32
    %gt3A_121 = vector.broadcast %gt3A_120 : f32 to vector<128x1xf32>
    %gt3A_122 = arith.cmpf ogt, %add3A_119, %gt3A_121 : vector<128x1xf32>
    %mul3A_123 = arith.constant 2.000000e-01 : f32
    %mul3A_124 = vector.broadcast %mul3A_123 : f32 to vector<128x1xf32>
    %mul3A_125 = arith.mulf %mul3A_124, %add3A_119 : vector<128x1xf32>
    %select_n3A_126 = arith.select %gt3A_122, %add3A_119, %mul3A_125 : vector<128x1xi1>, vector<128x1xf32>
    %slice3A_127 = vector.extract_strided_slice %broadcast_in_dim3A {offsets = [0, 12, 0], sizes = [128, 1, 1], strides = [1, 1, 1]} : vector<128x32x1xf32> to vector<128x1x1xf32>
    %squeeze3A_128 = vector.shape_cast %slice3A_127 : vector<128x1x1xf32> to vector<128x1xf32>
    %add3A_129 = arith.addf %squeeze3A_128, %get3A_1 : vector<128x1xf32>
    %gt3A_130 = arith.constant 0.000000e+00 : f32
    %gt3A_131 = vector.broadcast %gt3A_130 : f32 to vector<128x1xf32>
    %gt3A_132 = arith.cmpf ogt, %add3A_129, %gt3A_131 : vector<128x1xf32>
    %mul3A_133 = arith.constant 2.000000e-01 : f32
    %mul3A_134 = vector.broadcast %mul3A_133 : f32 to vector<128x1xf32>
    %mul3A_135 = arith.mulf %mul3A_134, %add3A_129 : vector<128x1xf32>
    %select_n3A_136 = arith.select %gt3A_132, %add3A_129, %mul3A_135 : vector<128x1xi1>, vector<128x1xf32>
    %slice3A_137 = vector.extract_strided_slice %broadcast_in_dim3A {offsets = [0, 13, 0], sizes = [128, 1, 1], strides = [1, 1, 1]} : vector<128x32x1xf32> to vector<128x1x1xf32>
    %squeeze3A_138 = vector.shape_cast %slice3A_137 : vector<128x1x1xf32> to vector<128x1xf32>
    %add3A_139 = arith.addf %squeeze3A_138, %get3A_1 : vector<128x1xf32>
    %gt3A_140 = arith.constant 0.000000e+00 : f32
    %gt3A_141 = vector.broadcast %gt3A_140 : f32 to vector<128x1xf32>
    %gt3A_142 = arith.cmpf ogt, %add3A_139, %gt3A_141 : vector<128x1xf32>
    %mul3A_143 = arith.constant 2.000000e-01 : f32
    %mul3A_144 = vector.broadcast %mul3A_143 : f32 to vector<128x1xf32>
    %mul3A_145 = arith.mulf %mul3A_144, %add3A_139 : vector<128x1xf32>
    %select_n3A_146 = arith.select %gt3A_142, %add3A_139, %mul3A_145 : vector<128x1xi1>, vector<128x1xf32>
    %slice3A_147 = vector.extract_strided_slice %broadcast_in_dim3A {offsets = [0, 14, 0], sizes = [128, 1, 1], strides = [1, 1, 1]} : vector<128x32x1xf32> to vector<128x1x1xf32>
    %squeeze3A_148 = vector.shape_cast %slice3A_147 : vector<128x1x1xf32> to vector<128x1xf32>
    %add3A_149 = arith.addf %squeeze3A_148, %get3A_1 : vector<128x1xf32>
    %gt3A_150 = arith.constant 0.000000e+00 : f32
    %gt3A_151 = vector.broadcast %gt3A_150 : f32 to vector<128x1xf32>
    %gt3A_152 = arith.cmpf ogt, %add3A_149, %gt3A_151 : vector<128x1xf32>
    %mul3A_153 = arith.constant 2.000000e-01 : f32
    %mul3A_154 = vector.broadcast %mul3A_153 : f32 to vector<128x1xf32>
    %mul3A_155 = arith.mulf %mul3A_154, %add3A_149 : vector<128x1xf32>
    %select_n3A_156 = arith.select %gt3A_152, %add3A_149, %mul3A_155 : vector<128x1xi1>, vector<128x1xf32>
    %slice3A_157 = vector.extract_strided_slice %broadcast_in_dim3A {offsets = [0, 15, 0], sizes = [128, 1, 1], strides = [1, 1, 1]} : vector<128x32x1xf32> to vector<128x1x1xf32>
    %squeeze3A_158 = vector.shape_cast %slice3A_157 : vector<128x1x1xf32> to vector<128x1xf32>
    %add3A_159 = arith.addf %squeeze3A_158, %get3A_1 : vector<128x1xf32>
    %gt3A_160 = arith.constant 0.000000e+00 : f32
    %gt3A_161 = vector.broadcast %gt3A_160 : f32 to vector<128x1xf32>
    %gt3A_162 = arith.cmpf ogt, %add3A_159, %gt3A_161 : vector<128x1xf32>
    %mul3A_163 = arith.constant 2.000000e-01 : f32
    %mul3A_164 = vector.broadcast %mul3A_163 : f32 to vector<128x1xf32>
    %mul3A_165 = arith.mulf %mul3A_164, %add3A_159 : vector<128x1xf32>
    %select_n3A_166 = arith.select %gt3A_162, %add3A_159, %mul3A_165 : vector<128x1xi1>, vector<128x1xf32>
    %slice3A_167 = vector.extract_strided_slice %broadcast_in_dim3A {offsets = [0, 16, 0], sizes = [128, 1, 1], strides = [1, 1, 1]} : vector<128x32x1xf32> to vector<128x1x1xf32>
    %squeeze3A_168 = vector.shape_cast %slice3A_167 : vector<128x1x1xf32> to vector<128x1xf32>
    %add3A_169 = arith.addf %squeeze3A_168, %get3A_1 : vector<128x1xf32>
    %gt3A_170 = arith.constant 0.000000e+00 : f32
    %gt3A_171 = vector.broadcast %gt3A_170 : f32 to vector<128x1xf32>
    %gt3A_172 = arith.cmpf ogt, %add3A_169, %gt3A_171 : vector<128x1xf32>
    %mul3A_173 = arith.constant 2.000000e-01 : f32
    %mul3A_174 = vector.broadcast %mul3A_173 : f32 to vector<128x1xf32>
    %mul3A_175 = arith.mulf %mul3A_174, %add3A_169 : vector<128x1xf32>
    %select_n3A_176 = arith.select %gt3A_172, %add3A_169, %mul3A_175 : vector<128x1xi1>, vector<128x1xf32>
    %slice3A_177 = vector.extract_strided_slice %broadcast_in_dim3A {offsets = [0, 17, 0], sizes = [128, 1, 1], strides = [1, 1, 1]} : vector<128x32x1xf32> to vector<128x1x1xf32>
    %squeeze3A_178 = vector.shape_cast %slice3A_177 : vector<128x1x1xf32> to vector<128x1xf32>
    %add3A_179 = arith.addf %squeeze3A_178, %get3A_1 : vector<128x1xf32>
    %gt3A_180 = arith.constant 0.000000e+00 : f32
    %gt3A_181 = vector.broadcast %gt3A_180 : f32 to vector<128x1xf32>
    %gt3A_182 = arith.cmpf ogt, %add3A_179, %gt3A_181 : vector<128x1xf32>
    %mul3A_183 = arith.constant 2.000000e-01 : f32
    %mul3A_184 = vector.broadcast %mul3A_183 : f32 to vector<128x1xf32>
    %mul3A_185 = arith.mulf %mul3A_184, %add3A_179 : vector<128x1xf32>
    %select_n3A_186 = arith.select %gt3A_182, %add3A_179, %mul3A_185 : vector<128x1xi1>, vector<128x1xf32>
    %slice3A_187 = vector.extract_strided_slice %broadcast_in_dim3A {offsets = [0, 18, 0], sizes = [128, 1, 1], strides = [1, 1, 1]} : vector<128x32x1xf32> to vector<128x1x1xf32>
    %squeeze3A_188 = vector.shape_cast %slice3A_187 : vector<128x1x1xf32> to vector<128x1xf32>
    %add3A_189 = arith.addf %squeeze3A_188, %get3A_1 : vector<128x1xf32>
    %gt3A_190 = arith.constant 0.000000e+00 : f32
    %gt3A_191 = vector.broadcast %gt3A_190 : f32 to vector<128x1xf32>
    %gt3A_192 = arith.cmpf ogt, %add3A_189, %gt3A_191 : vector<128x1xf32>
    %mul3A_193 = arith.constant 2.000000e-01 : f32
    %mul3A_194 = vector.broadcast %mul3A_193 : f32 to vector<128x1xf32>
    %mul3A_195 = arith.mulf %mul3A_194, %add3A_189 : vector<128x1xf32>
    %select_n3A_196 = arith.select %gt3A_192, %add3A_189, %mul3A_195 : vector<128x1xi1>, vector<128x1xf32>
    %slice3A_197 = vector.extract_strided_slice %broadcast_in_dim3A {offsets = [0, 19, 0], sizes = [128, 1, 1], strides = [1, 1, 1]} : vector<128x32x1xf32> to vector<128x1x1xf32>
    %squeeze3A_198 = vector.shape_cast %slice3A_197 : vector<128x1x1xf32> to vector<128x1xf32>
    %add3A_199 = arith.addf %squeeze3A_198, %get3A_1 : vector<128x1xf32>
    %gt3A_200 = arith.constant 0.000000e+00 : f32
    %gt3A_201 = vector.broadcast %gt3A_200 : f32 to vector<128x1xf32>
    %gt3A_202 = arith.cmpf ogt, %add3A_199, %gt3A_201 : vector<128x1xf32>
    %mul3A_203 = arith.constant 2.000000e-01 : f32
    %mul3A_204 = vector.broadcast %mul3A_203 : f32 to vector<128x1xf32>
    %mul3A_205 = arith.mulf %mul3A_204, %add3A_199 : vector<128x1xf32>
    %select_n3A_206 = arith.select %gt3A_202, %add3A_199, %mul3A_205 : vector<128x1xi1>, vector<128x1xf32>
    %slice3A_207 = vector.extract_strided_slice %broadcast_in_dim3A {offsets = [0, 20, 0], sizes = [128, 1, 1], strides = [1, 1, 1]} : vector<128x32x1xf32> to vector<128x1x1xf32>
    %squeeze3A_208 = vector.shape_cast %slice3A_207 : vector<128x1x1xf32> to vector<128x1xf32>
    %add3A_209 = arith.addf %squeeze3A_208, %get3A_1 : vector<128x1xf32>
    %gt3A_210 = arith.constant 0.000000e+00 : f32
    %gt3A_211 = vector.broadcast %gt3A_210 : f32 to vector<128x1xf32>
    %gt3A_212 = arith.cmpf ogt, %add3A_209, %gt3A_211 : vector<128x1xf32>
    %mul3A_213 = arith.constant 2.000000e-01 : f32
    %mul3A_214 = vector.broadcast %mul3A_213 : f32 to vector<128x1xf32>
    %mul3A_215 = arith.mulf %mul3A_214, %add3A_209 : vector<128x1xf32>
    %select_n3A_216 = arith.select %gt3A_212, %add3A_209, %mul3A_215 : vector<128x1xi1>, vector<128x1xf32>
    %slice3A_217 = vector.extract_strided_slice %broadcast_in_dim3A {offsets = [0, 21, 0], sizes = [128, 1, 1], strides = [1, 1, 1]} : vector<128x32x1xf32> to vector<128x1x1xf32>
    %squeeze3A_218 = vector.shape_cast %slice3A_217 : vector<128x1x1xf32> to vector<128x1xf32>
    %add3A_219 = arith.addf %squeeze3A_218, %get3A_1 : vector<128x1xf32>
    %gt3A_220 = arith.constant 0.000000e+00 : f32
    %gt3A_221 = vector.broadcast %gt3A_220 : f32 to vector<128x1xf32>
    %gt3A_222 = arith.cmpf ogt, %add3A_219, %gt3A_221 : vector<128x1xf32>
    %mul3A_223 = arith.constant 2.000000e-01 : f32
    %mul3A_224 = vector.broadcast %mul3A_223 : f32 to vector<128x1xf32>
    %mul3A_225 = arith.mulf %mul3A_224, %add3A_219 : vector<128x1xf32>
    %select_n3A_226 = arith.select %gt3A_222, %add3A_219, %mul3A_225 : vector<128x1xi1>, vector<128x1xf32>
    %slice3A_227 = vector.extract_strided_slice %broadcast_in_dim3A {offsets = [0, 22, 0], sizes = [128, 1, 1], strides = [1, 1, 1]} : vector<128x32x1xf32> to vector<128x1x1xf32>
    %squeeze3A_228 = vector.shape_cast %slice3A_227 : vector<128x1x1xf32> to vector<128x1xf32>
    %add3A_229 = arith.addf %squeeze3A_228, %get3A_1 : vector<128x1xf32>
    %gt3A_230 = arith.constant 0.000000e+00 : f32
    %gt3A_231 = vector.broadcast %gt3A_230 : f32 to vector<128x1xf32>
    %gt3A_232 = arith.cmpf ogt, %add3A_229, %gt3A_231 : vector<128x1xf32>
    %mul3A_233 = arith.constant 2.000000e-01 : f32
    %mul3A_234 = vector.broadcast %mul3A_233 : f32 to vector<128x1xf32>
    %mul3A_235 = arith.mulf %mul3A_234, %add3A_229 : vector<128x1xf32>
    %select_n3A_236 = arith.select %gt3A_232, %add3A_229, %mul3A_235 : vector<128x1xi1>, vector<128x1xf32>
    %slice3A_237 = vector.extract_strided_slice %broadcast_in_dim3A {offsets = [0, 23, 0], sizes = [128, 1, 1], strides = [1, 1, 1]} : vector<128x32x1xf32> to vector<128x1x1xf32>
    %squeeze3A_238 = vector.shape_cast %slice3A_237 : vector<128x1x1xf32> to vector<128x1xf32>
    %add3A_239 = arith.addf %squeeze3A_238, %get3A_1 : vector<128x1xf32>
    %gt3A_240 = arith.constant 0.000000e+00 : f32
    %gt3A_241 = vector.broadcast %gt3A_240 : f32 to vector<128x1xf32>
    %gt3A_242 = arith.cmpf ogt, %add3A_239, %gt3A_241 : vector<128x1xf32>
    %mul3A_243 = arith.constant 2.000000e-01 : f32
    %mul3A_244 = vector.broadcast %mul3A_243 : f32 to vector<128x1xf32>
    %mul3A_245 = arith.mulf %mul3A_244, %add3A_239 : vector<128x1xf32>
    %select_n3A_246 = arith.select %gt3A_242, %add3A_239, %mul3A_245 : vector<128x1xi1>, vector<128x1xf32>
    %slice3A_247 = vector.extract_strided_slice %broadcast_in_dim3A {offsets = [0, 24, 0], sizes = [128, 1, 1], strides = [1, 1, 1]} : vector<128x32x1xf32> to vector<128x1x1xf32>
    %squeeze3A_248 = vector.shape_cast %slice3A_247 : vector<128x1x1xf32> to vector<128x1xf32>
    %add3A_249 = arith.addf %squeeze3A_248, %get3A_1 : vector<128x1xf32>
    %gt3A_250 = arith.constant 0.000000e+00 : f32
    %gt3A_251 = vector.broadcast %gt3A_250 : f32 to vector<128x1xf32>
    %gt3A_252 = arith.cmpf ogt, %add3A_249, %gt3A_251 : vector<128x1xf32>
    %mul3A_253 = arith.constant 2.000000e-01 : f32
    %mul3A_254 = vector.broadcast %mul3A_253 : f32 to vector<128x1xf32>
    %mul3A_255 = arith.mulf %mul3A_254, %add3A_249 : vector<128x1xf32>
    %select_n3A_256 = arith.select %gt3A_252, %add3A_249, %mul3A_255 : vector<128x1xi1>, vector<128x1xf32>
    %slice3A_257 = vector.extract_strided_slice %broadcast_in_dim3A {offsets = [0, 25, 0], sizes = [128, 1, 1], strides = [1, 1, 1]} : vector<128x32x1xf32> to vector<128x1x1xf32>
    %squeeze3A_258 = vector.shape_cast %slice3A_257 : vector<128x1x1xf32> to vector<128x1xf32>
    %add3A_259 = arith.addf %squeeze3A_258, %get3A_1 : vector<128x1xf32>
    %gt3A_260 = arith.constant 0.000000e+00 : f32
    %gt3A_261 = vector.broadcast %gt3A_260 : f32 to vector<128x1xf32>
    %gt3A_262 = arith.cmpf ogt, %add3A_259, %gt3A_261 : vector<128x1xf32>
    %mul3A_263 = arith.constant 2.000000e-01 : f32
    %mul3A_264 = vector.broadcast %mul3A_263 : f32 to vector<128x1xf32>
    %mul3A_265 = arith.mulf %mul3A_264, %add3A_259 : vector<128x1xf32>
    %select_n3A_266 = arith.select %gt3A_262, %add3A_259, %mul3A_265 : vector<128x1xi1>, vector<128x1xf32>
    %slice3A_267 = vector.extract_strided_slice %broadcast_in_dim3A {offsets = [0, 26, 0], sizes = [128, 1, 1], strides = [1, 1, 1]} : vector<128x32x1xf32> to vector<128x1x1xf32>
    %squeeze3A_268 = vector.shape_cast %slice3A_267 : vector<128x1x1xf32> to vector<128x1xf32>
    %add3A_269 = arith.addf %squeeze3A_268, %get3A_1 : vector<128x1xf32>
    %gt3A_270 = arith.constant 0.000000e+00 : f32
    %gt3A_271 = vector.broadcast %gt3A_270 : f32 to vector<128x1xf32>
    %gt3A_272 = arith.cmpf ogt, %add3A_269, %gt3A_271 : vector<128x1xf32>
    %mul3A_273 = arith.constant 2.000000e-01 : f32
    %mul3A_274 = vector.broadcast %mul3A_273 : f32 to vector<128x1xf32>
    %mul3A_275 = arith.mulf %mul3A_274, %add3A_269 : vector<128x1xf32>
    %select_n3A_276 = arith.select %gt3A_272, %add3A_269, %mul3A_275 : vector<128x1xi1>, vector<128x1xf32>
    %slice3A_277 = vector.extract_strided_slice %broadcast_in_dim3A {offsets = [0, 27, 0], sizes = [128, 1, 1], strides = [1, 1, 1]} : vector<128x32x1xf32> to vector<128x1x1xf32>
    %squeeze3A_278 = vector.shape_cast %slice3A_277 : vector<128x1x1xf32> to vector<128x1xf32>
    %add3A_279 = arith.addf %squeeze3A_278, %get3A_1 : vector<128x1xf32>
    %gt3A_280 = arith.constant 0.000000e+00 : f32
    %gt3A_281 = vector.broadcast %gt3A_280 : f32 to vector<128x1xf32>
    %gt3A_282 = arith.cmpf ogt, %add3A_279, %gt3A_281 : vector<128x1xf32>
    %mul3A_283 = arith.constant 2.000000e-01 : f32
    %mul3A_284 = vector.broadcast %mul3A_283 : f32 to vector<128x1xf32>
    %mul3A_285 = arith.mulf %mul3A_284, %add3A_279 : vector<128x1xf32>
    %select_n3A_286 = arith.select %gt3A_282, %add3A_279, %mul3A_285 : vector<128x1xi1>, vector<128x1xf32>
    %slice3A_287 = vector.extract_strided_slice %broadcast_in_dim3A {offsets = [0, 28, 0], sizes = [128, 1, 1], strides = [1, 1, 1]} : vector<128x32x1xf32> to vector<128x1x1xf32>
    %squeeze3A_288 = vector.shape_cast %slice3A_287 : vector<128x1x1xf32> to vector<128x1xf32>
    %add3A_289 = arith.addf %squeeze3A_288, %get3A_1 : vector<128x1xf32>
    %gt3A_290 = arith.constant 0.000000e+00 : f32
    %gt3A_291 = vector.broadcast %gt3A_290 : f32 to vector<128x1xf32>
    %gt3A_292 = arith.cmpf ogt, %add3A_289, %gt3A_291 : vector<128x1xf32>
    %mul3A_293 = arith.constant 2.000000e-01 : f32
    %mul3A_294 = vector.broadcast %mul3A_293 : f32 to vector<128x1xf32>
    %mul3A_295 = arith.mulf %mul3A_294, %add3A_289 : vector<128x1xf32>
    %select_n3A_296 = arith.select %gt3A_292, %add3A_289, %mul3A_295 : vector<128x1xi1>, vector<128x1xf32>
    %slice3A_297 = vector.extract_strided_slice %broadcast_in_dim3A {offsets = [0, 29, 0], sizes = [128, 1, 1], strides = [1, 1, 1]} : vector<128x32x1xf32> to vector<128x1x1xf32>
    %squeeze3A_298 = vector.shape_cast %slice3A_297 : vector<128x1x1xf32> to vector<128x1xf32>
    %add3A_299 = arith.addf %squeeze3A_298, %get3A_1 : vector<128x1xf32>
    %gt3A_300 = arith.constant 0.000000e+00 : f32
    %gt3A_301 = vector.broadcast %gt3A_300 : f32 to vector<128x1xf32>
    %gt3A_302 = arith.cmpf ogt, %add3A_299, %gt3A_301 : vector<128x1xf32>
    %mul3A_303 = arith.constant 2.000000e-01 : f32
    %mul3A_304 = vector.broadcast %mul3A_303 : f32 to vector<128x1xf32>
    %mul3A_305 = arith.mulf %mul3A_304, %add3A_299 : vector<128x1xf32>
    %select_n3A_306 = arith.select %gt3A_302, %add3A_299, %mul3A_305 : vector<128x1xi1>, vector<128x1xf32>
    %slice3A_307 = vector.extract_strided_slice %broadcast_in_dim3A {offsets = [0, 30, 0], sizes = [128, 1, 1], strides = [1, 1, 1]} : vector<128x32x1xf32> to vector<128x1x1xf32>
    %squeeze3A_308 = vector.shape_cast %slice3A_307 : vector<128x1x1xf32> to vector<128x1xf32>
    %add3A_309 = arith.addf %squeeze3A_308, %get3A_1 : vector<128x1xf32>
    %gt3A_310 = arith.constant 0.000000e+00 : f32
    %gt3A_311 = vector.broadcast %gt3A_310 : f32 to vector<128x1xf32>
    %gt3A_312 = arith.cmpf ogt, %add3A_309, %gt3A_311 : vector<128x1xf32>
    %mul3A_313 = arith.constant 2.000000e-01 : f32
    %mul3A_314 = vector.broadcast %mul3A_313 : f32 to vector<128x1xf32>
    %mul3A_315 = arith.mulf %mul3A_314, %add3A_309 : vector<128x1xf32>
    %select_n3A_316 = arith.select %gt3A_312, %add3A_309, %mul3A_315 : vector<128x1xi1>, vector<128x1xf32>
    %slice3A_317 = vector.extract_strided_slice %broadcast_in_dim3A {offsets = [0, 31, 0], sizes = [128, 1, 1], strides = [1, 1, 1]} : vector<128x32x1xf32> to vector<128x1x1xf32>
    %squeeze3A_318 = vector.shape_cast %slice3A_317 : vector<128x1x1xf32> to vector<128x1xf32>
    %add3A_319 = arith.addf %squeeze3A_318, %get3A_1 : vector<128x1xf32>
    %gt3A_320 = arith.constant 0.000000e+00 : f32
    %gt3A_321 = vector.broadcast %gt3A_320 : f32 to vector<128x1xf32>
    %gt3A_322 = arith.cmpf ogt, %add3A_319, %gt3A_321 : vector<128x1xf32>
    %mul3A_323 = arith.constant 2.000000e-01 : f32
    %mul3A_324 = vector.broadcast %mul3A_323 : f32 to vector<128x1xf32>
    %mul3A_325 = arith.mulf %mul3A_324, %add3A_319 : vector<128x1xf32>
    %select_n3A_326 = arith.select %gt3A_322, %add3A_319, %mul3A_325 : vector<128x1xi1>, vector<128x1xf32>
    %max3A = arith.maximumf %select_n3A, %select_n3A_26 : vector<128x1xf32>
    %max3A_327 = arith.maximumf %max3A, %select_n3A_36 : vector<128x1xf32>
    %max3A_328 = arith.maximumf %max3A_327, %select_n3A_46 : vector<128x1xf32>
    %max3A_329 = arith.maximumf %max3A_328, %select_n3A_56 : vector<128x1xf32>
    %max3A_330 = arith.maximumf %max3A_329, %select_n3A_66 : vector<128x1xf32>
    %max3A_331 = arith.maximumf %max3A_330, %select_n3A_76 : vector<128x1xf32>
    %max3A_332 = arith.maximumf %max3A_331, %select_n3A_86 : vector<128x1xf32>
    %max3A_333 = arith.maximumf %max3A_332, %select_n3A_96 : vector<128x1xf32>
    %max3A_334 = arith.maximumf %max3A_333, %select_n3A_106 : vector<128x1xf32>
    %max3A_335 = arith.maximumf %max3A_334, %select_n3A_116 : vector<128x1xf32>
    %max3A_336 = arith.maximumf %max3A_335, %select_n3A_126 : vector<128x1xf32>
    %max3A_337 = arith.maximumf %max3A_336, %select_n3A_136 : vector<128x1xf32>
    %max3A_338 = arith.maximumf %max3A_337, %select_n3A_146 : vector<128x1xf32>
    %max3A_339 = arith.maximumf %max3A_338, %select_n3A_156 : vector<128x1xf32>
    %max3A_340 = arith.maximumf %max3A_339, %select_n3A_166 : vector<128x1xf32>
    %max3A_341 = arith.maximumf %max3A_340, %select_n3A_176 : vector<128x1xf32>
    %max3A_342 = arith.maximumf %max3A_341, %select_n3A_186 : vector<128x1xf32>
    %max3A_343 = arith.maximumf %max3A_342, %select_n3A_196 : vector<128x1xf32>
    %max3A_344 = arith.maximumf %max3A_343, %select_n3A_206 : vector<128x1xf32>
    %max3A_345 = arith.maximumf %max3A_344, %select_n3A_216 : vector<128x1xf32>
    %max3A_346 = arith.maximumf %max3A_345, %select_n3A_226 : vector<128x1xf32>
    %max3A_347 = arith.maximumf %max3A_346, %select_n3A_236 : vector<128x1xf32>
    %max3A_348 = arith.maximumf %max3A_347, %select_n3A_246 : vector<128x1xf32>
    %max3A_349 = arith.maximumf %max3A_348, %select_n3A_256 : vector<128x1xf32>
    %max3A_350 = arith.maximumf %max3A_349, %select_n3A_266 : vector<128x1xf32>
    %max3A_351 = arith.maximumf %max3A_350, %select_n3A_276 : vector<128x1xf32>
    %max3A_352 = arith.maximumf %max3A_351, %select_n3A_286 : vector<128x1xf32>
    %max3A_353 = arith.maximumf %max3A_352, %select_n3A_296 : vector<128x1xf32>
    %max3A_354 = arith.maximumf %max3A_353, %select_n3A_306 : vector<128x1xf32>
    %max3A_355 = arith.maximumf %max3A_354, %select_n3A_316 : vector<128x1xf32>
    %max3A_356 = arith.maximumf %max3A_355, %select_n3A_326 : vector<128x1xf32>
    %sub3A = arith.subf %select_n3A, %max3A_356 : vector<128x1xf32>
    %exp3A = math.exp %sub3A : vector<128x1xf32>
    %sub3A_357 = arith.subf %select_n3A_26, %max3A_356 : vector<128x1xf32>
    %exp3A_358 = math.exp %sub3A_357 : vector<128x1xf32>
    %sub3A_359 = arith.subf %select_n3A_36, %max3A_356 : vector<128x1xf32>
    %exp3A_360 = math.exp %sub3A_359 : vector<128x1xf32>
    %sub3A_361 = arith.subf %select_n3A_46, %max3A_356 : vector<128x1xf32>
    %exp3A_362 = math.exp %sub3A_361 : vector<128x1xf32>
    %sub3A_363 = arith.subf %select_n3A_56, %max3A_356 : vector<128x1xf32>
    %exp3A_364 = math.exp %sub3A_363 : vector<128x1xf32>
    %sub3A_365 = arith.subf %select_n3A_66, %max3A_356 : vector<128x1xf32>
    %exp3A_366 = math.exp %sub3A_365 : vector<128x1xf32>
    %sub3A_367 = arith.subf %select_n3A_76, %max3A_356 : vector<128x1xf32>
    %exp3A_368 = math.exp %sub3A_367 : vector<128x1xf32>
    %sub3A_369 = arith.subf %select_n3A_86, %max3A_356 : vector<128x1xf32>
    %exp3A_370 = math.exp %sub3A_369 : vector<128x1xf32>
    %sub3A_371 = arith.subf %select_n3A_96, %max3A_356 : vector<128x1xf32>
    %exp3A_372 = math.exp %sub3A_371 : vector<128x1xf32>
    %sub3A_373 = arith.subf %select_n3A_106, %max3A_356 : vector<128x1xf32>
    %exp3A_374 = math.exp %sub3A_373 : vector<128x1xf32>
    %sub3A_375 = arith.subf %select_n3A_116, %max3A_356 : vector<128x1xf32>
    %exp3A_376 = math.exp %sub3A_375 : vector<128x1xf32>
    %sub3A_377 = arith.subf %select_n3A_126, %max3A_356 : vector<128x1xf32>
    %exp3A_378 = math.exp %sub3A_377 : vector<128x1xf32>
    %sub3A_379 = arith.subf %select_n3A_136, %max3A_356 : vector<128x1xf32>
    %exp3A_380 = math.exp %sub3A_379 : vector<128x1xf32>
    %sub3A_381 = arith.subf %select_n3A_146, %max3A_356 : vector<128x1xf32>
    %exp3A_382 = math.exp %sub3A_381 : vector<128x1xf32>
    %sub3A_383 = arith.subf %select_n3A_156, %max3A_356 : vector<128x1xf32>
    %exp3A_384 = math.exp %sub3A_383 : vector<128x1xf32>
    %sub3A_385 = arith.subf %select_n3A_166, %max3A_356 : vector<128x1xf32>
    %exp3A_386 = math.exp %sub3A_385 : vector<128x1xf32>
    %sub3A_387 = arith.subf %select_n3A_176, %max3A_356 : vector<128x1xf32>
    %exp3A_388 = math.exp %sub3A_387 : vector<128x1xf32>
    %sub3A_389 = arith.subf %select_n3A_186, %max3A_356 : vector<128x1xf32>
    %exp3A_390 = math.exp %sub3A_389 : vector<128x1xf32>
    %sub3A_391 = arith.subf %select_n3A_196, %max3A_356 : vector<128x1xf32>
    %exp3A_392 = math.exp %sub3A_391 : vector<128x1xf32>
    %sub3A_393 = arith.subf %select_n3A_206, %max3A_356 : vector<128x1xf32>
    %exp3A_394 = math.exp %sub3A_393 : vector<128x1xf32>
    %sub3A_395 = arith.subf %select_n3A_216, %max3A_356 : vector<128x1xf32>
    %exp3A_396 = math.exp %sub3A_395 : vector<128x1xf32>
    %sub3A_397 = arith.subf %select_n3A_226, %max3A_356 : vector<128x1xf32>
    %exp3A_398 = math.exp %sub3A_397 : vector<128x1xf32>
    %sub3A_399 = arith.subf %select_n3A_236, %max3A_356 : vector<128x1xf32>
    %exp3A_400 = math.exp %sub3A_399 : vector<128x1xf32>
    %sub3A_401 = arith.subf %select_n3A_246, %max3A_356 : vector<128x1xf32>
    %exp3A_402 = math.exp %sub3A_401 : vector<128x1xf32>
    %sub3A_403 = arith.subf %select_n3A_256, %max3A_356 : vector<128x1xf32>
    %exp3A_404 = math.exp %sub3A_403 : vector<128x1xf32>
    %sub3A_405 = arith.subf %select_n3A_266, %max3A_356 : vector<128x1xf32>
    %exp3A_406 = math.exp %sub3A_405 : vector<128x1xf32>
    %sub3A_407 = arith.subf %select_n3A_276, %max3A_356 : vector<128x1xf32>
    %exp3A_408 = math.exp %sub3A_407 : vector<128x1xf32>
    %sub3A_409 = arith.subf %select_n3A_286, %max3A_356 : vector<128x1xf32>
    %exp3A_410 = math.exp %sub3A_409 : vector<128x1xf32>
    %sub3A_411 = arith.subf %select_n3A_296, %max3A_356 : vector<128x1xf32>
    %exp3A_412 = math.exp %sub3A_411 : vector<128x1xf32>
    %sub3A_413 = arith.subf %select_n3A_306, %max3A_356 : vector<128x1xf32>
    %exp3A_414 = math.exp %sub3A_413 : vector<128x1xf32>
    %sub3A_415 = arith.subf %select_n3A_316, %max3A_356 : vector<128x1xf32>
    %exp3A_416 = math.exp %sub3A_415 : vector<128x1xf32>
    %sub3A_417 = arith.subf %select_n3A_326, %max3A_356 : vector<128x1xf32>
    %exp3A_418 = math.exp %sub3A_417 : vector<128x1xf32>
    %add3A_419 = arith.addf %exp3A, %exp3A_358 : vector<128x1xf32>
    %add3A_420 = arith.addf %add3A_419, %exp3A_360 : vector<128x1xf32>
    %add3A_421 = arith.addf %add3A_420, %exp3A_362 : vector<128x1xf32>
    %add3A_422 = arith.addf %add3A_421, %exp3A_364 : vector<128x1xf32>
    %add3A_423 = arith.addf %add3A_422, %exp3A_366 : vector<128x1xf32>
    %add3A_424 = arith.addf %add3A_423, %exp3A_368 : vector<128x1xf32>
    %add3A_425 = arith.addf %add3A_424, %exp3A_370 : vector<128x1xf32>
    %add3A_426 = arith.addf %add3A_425, %exp3A_372 : vector<128x1xf32>
    %add3A_427 = arith.addf %add3A_426, %exp3A_374 : vector<128x1xf32>
    %add3A_428 = arith.addf %add3A_427, %exp3A_376 : vector<128x1xf32>
    %add3A_429 = arith.addf %add3A_428, %exp3A_378 : vector<128x1xf32>
    %add3A_430 = arith.addf %add3A_429, %exp3A_380 : vector<128x1xf32>
    %add3A_431 = arith.addf %add3A_430, %exp3A_382 : vector<128x1xf32>
    %add3A_432 = arith.addf %add3A_431, %exp3A_384 : vector<128x1xf32>
    %add3A_433 = arith.addf %add3A_432, %exp3A_386 : vector<128x1xf32>
    %add3A_434 = arith.addf %add3A_433, %exp3A_388 : vector<128x1xf32>
    %add3A_435 = arith.addf %add3A_434, %exp3A_390 : vector<128x1xf32>
    %add3A_436 = arith.addf %add3A_435, %exp3A_392 : vector<128x1xf32>
    %add3A_437 = arith.addf %add3A_436, %exp3A_394 : vector<128x1xf32>
    %add3A_438 = arith.addf %add3A_437, %exp3A_396 : vector<128x1xf32>
    %add3A_439 = arith.addf %add3A_438, %exp3A_398 : vector<128x1xf32>
    %add3A_440 = arith.addf %add3A_439, %exp3A_400 : vector<128x1xf32>
    %add3A_441 = arith.addf %add3A_440, %exp3A_402 : vector<128x1xf32>
    %add3A_442 = arith.addf %add3A_441, %exp3A_404 : vector<128x1xf32>
    %add3A_443 = arith.addf %add3A_442, %exp3A_406 : vector<128x1xf32>
    %add3A_444 = arith.addf %add3A_443, %exp3A_408 : vector<128x1xf32>
    %add3A_445 = arith.addf %add3A_444, %exp3A_410 : vector<128x1xf32>
    %add3A_446 = arith.addf %add3A_445, %exp3A_412 : vector<128x1xf32>
    %add3A_447 = arith.addf %add3A_446, %exp3A_414 : vector<128x1xf32>
    %add3A_448 = arith.addf %add3A_447, %exp3A_416 : vector<128x1xf32>
    %add3A_449 = arith.addf %add3A_448, %exp3A_418 : vector<128x1xf32>
    %add3A_450 = arith.constant 1.000000e-16 : f32
    %add3A_451 = vector.broadcast %add3A_450 : f32 to vector<128x1xf32>
    %add3A_452 = arith.addf %add3A_449, %add3A_451 : vector<128x1xf32>
    %div3A = arith.constant 1.000000e+00 : f32
    %div3A_453 = vector.broadcast %div3A : f32 to vector<128x1xf32>
    %div3A_454 = arith.divf %div3A_453, %add3A_452 : vector<128x1xf32>
    %mul3A_455 = arith.mulf %exp3A, %div3A_454 : vector<128x1xf32>
    %get3A_456 = arith.constant 0 : index
    %get3A_457 = arith.constant 0 : index
    %get3A_458 = arith.constant 0 : index
    %get3A_459 = vector.load %arg1[%get3A_456, %get3A_457, %get3A_458] : memref<128x32x128xf32, #tpu.memory_space<vmem>>, vector<128x1x128xf32>
    %get3A_460 = vector.shape_cast %get3A_459 : vector<128x1x128xf32> to vector<128x128xf32>
    %mul3A_461 = vector.broadcast %mul3A_455 : vector<128x1xf32> to vector<128x128xf32>
    %mul3A_462 = arith.mulf %mul3A_461, %get3A_460 : vector<128x128xf32>
    %mul3A_463 = arith.mulf %exp3A_358, %div3A_454 : vector<128x1xf32>
    %get3A_464 = arith.constant 0 : index
    %get3A_465 = arith.constant 1 : index
    %get3A_466 = arith.constant 0 : index
    %get3A_467 = vector.load %arg1[%get3A_464, %get3A_465, %get3A_466] : memref<128x32x128xf32, #tpu.memory_space<vmem>>, vector<128x1x128xf32>
    %get3A_468 = vector.shape_cast %get3A_467 : vector<128x1x128xf32> to vector<128x128xf32>
    %mul3A_469 = vector.broadcast %mul3A_463 : vector<128x1xf32> to vector<128x128xf32>
    %mul3A_470 = arith.mulf %mul3A_469, %get3A_468 : vector<128x128xf32>
    %add3A_471 = arith.addf %mul3A_462, %mul3A_470 : vector<128x128xf32>
    %mul3A_472 = arith.mulf %exp3A_360, %div3A_454 : vector<128x1xf32>
    %get3A_473 = arith.constant 0 : index
    %get3A_474 = arith.constant 2 : index
    %get3A_475 = arith.constant 0 : index
    %get3A_476 = vector.load %arg1[%get3A_473, %get3A_474, %get3A_475] : memref<128x32x128xf32, #tpu.memory_space<vmem>>, vector<128x1x128xf32>
    %get3A_477 = vector.shape_cast %get3A_476 : vector<128x1x128xf32> to vector<128x128xf32>
    %mul3A_478 = vector.broadcast %mul3A_472 : vector<128x1xf32> to vector<128x128xf32>
    %mul3A_479 = arith.mulf %mul3A_478, %get3A_477 : vector<128x128xf32>
    %add3A_480 = arith.addf %add3A_471, %mul3A_479 : vector<128x128xf32>
    %mul3A_481 = arith.mulf %exp3A_362, %div3A_454 : vector<128x1xf32>
    %get3A_482 = arith.constant 0 : index
    %get3A_483 = arith.constant 3 : index
    %get3A_484 = arith.constant 0 : index
    %get3A_485 = vector.load %arg1[%get3A_482, %get3A_483, %get3A_484] : memref<128x32x128xf32, #tpu.memory_space<vmem>>, vector<128x1x128xf32>
    %get3A_486 = vector.shape_cast %get3A_485 : vector<128x1x128xf32> to vector<128x128xf32>
    %mul3A_487 = vector.broadcast %mul3A_481 : vector<128x1xf32> to vector<128x128xf32>
    %mul3A_488 = arith.mulf %mul3A_487, %get3A_486 : vector<128x128xf32>
    %add3A_489 = arith.addf %add3A_480, %mul3A_488 : vector<128x128xf32>
    %mul3A_490 = arith.mulf %exp3A_364, %div3A_454 : vector<128x1xf32>
    %get3A_491 = arith.constant 0 : index
    %get3A_492 = arith.constant 4 : index
    %get3A_493 = arith.constant 0 : index
    %get3A_494 = vector.load %arg1[%get3A_491, %get3A_492, %get3A_493] : memref<128x32x128xf32, #tpu.memory_space<vmem>>, vector<128x1x128xf32>
    %get3A_495 = vector.shape_cast %get3A_494 : vector<128x1x128xf32> to vector<128x128xf32>
    %mul3A_496 = vector.broadcast %mul3A_490 : vector<128x1xf32> to vector<128x128xf32>
    %mul3A_497 = arith.mulf %mul3A_496, %get3A_495 : vector<128x128xf32>
    %add3A_498 = arith.addf %add3A_489, %mul3A_497 : vector<128x128xf32>
    %mul3A_499 = arith.mulf %exp3A_366, %div3A_454 : vector<128x1xf32>
    %get3A_500 = arith.constant 0 : index
    %get3A_501 = arith.constant 5 : index
    %get3A_502 = arith.constant 0 : index
    %get3A_503 = vector.load %arg1[%get3A_500, %get3A_501, %get3A_502] : memref<128x32x128xf32, #tpu.memory_space<vmem>>, vector<128x1x128xf32>
    %get3A_504 = vector.shape_cast %get3A_503 : vector<128x1x128xf32> to vector<128x128xf32>
    %mul3A_505 = vector.broadcast %mul3A_499 : vector<128x1xf32> to vector<128x128xf32>
    %mul3A_506 = arith.mulf %mul3A_505, %get3A_504 : vector<128x128xf32>
    %add3A_507 = arith.addf %add3A_498, %mul3A_506 : vector<128x128xf32>
    %mul3A_508 = arith.mulf %exp3A_368, %div3A_454 : vector<128x1xf32>
    %get3A_509 = arith.constant 0 : index
    %get3A_510 = arith.constant 6 : index
    %get3A_511 = arith.constant 0 : index
    %get3A_512 = vector.load %arg1[%get3A_509, %get3A_510, %get3A_511] : memref<128x32x128xf32, #tpu.memory_space<vmem>>, vector<128x1x128xf32>
    %get3A_513 = vector.shape_cast %get3A_512 : vector<128x1x128xf32> to vector<128x128xf32>
    %mul3A_514 = vector.broadcast %mul3A_508 : vector<128x1xf32> to vector<128x128xf32>
    %mul3A_515 = arith.mulf %mul3A_514, %get3A_513 : vector<128x128xf32>
    %add3A_516 = arith.addf %add3A_507, %mul3A_515 : vector<128x128xf32>
    %mul3A_517 = arith.mulf %exp3A_370, %div3A_454 : vector<128x1xf32>
    %get3A_518 = arith.constant 0 : index
    %get3A_519 = arith.constant 7 : index
    %get3A_520 = arith.constant 0 : index
    %get3A_521 = vector.load %arg1[%get3A_518, %get3A_519, %get3A_520] : memref<128x32x128xf32, #tpu.memory_space<vmem>>, vector<128x1x128xf32>
    %get3A_522 = vector.shape_cast %get3A_521 : vector<128x1x128xf32> to vector<128x128xf32>
    %mul3A_523 = vector.broadcast %mul3A_517 : vector<128x1xf32> to vector<128x128xf32>
    %mul3A_524 = arith.mulf %mul3A_523, %get3A_522 : vector<128x128xf32>
    %add3A_525 = arith.addf %add3A_516, %mul3A_524 : vector<128x128xf32>
    %mul3A_526 = arith.mulf %exp3A_372, %div3A_454 : vector<128x1xf32>
    %get3A_527 = arith.constant 0 : index
    %get3A_528 = arith.constant 8 : index
    %get3A_529 = arith.constant 0 : index
    %get3A_530 = vector.load %arg1[%get3A_527, %get3A_528, %get3A_529] : memref<128x32x128xf32, #tpu.memory_space<vmem>>, vector<128x1x128xf32>
    %get3A_531 = vector.shape_cast %get3A_530 : vector<128x1x128xf32> to vector<128x128xf32>
    %mul3A_532 = vector.broadcast %mul3A_526 : vector<128x1xf32> to vector<128x128xf32>
    %mul3A_533 = arith.mulf %mul3A_532, %get3A_531 : vector<128x128xf32>
    %add3A_534 = arith.addf %add3A_525, %mul3A_533 : vector<128x128xf32>
    %mul3A_535 = arith.mulf %exp3A_374, %div3A_454 : vector<128x1xf32>
    %get3A_536 = arith.constant 0 : index
    %get3A_537 = arith.constant 9 : index
    %get3A_538 = arith.constant 0 : index
    %get3A_539 = vector.load %arg1[%get3A_536, %get3A_537, %get3A_538] : memref<128x32x128xf32, #tpu.memory_space<vmem>>, vector<128x1x128xf32>
    %get3A_540 = vector.shape_cast %get3A_539 : vector<128x1x128xf32> to vector<128x128xf32>
    %mul3A_541 = vector.broadcast %mul3A_535 : vector<128x1xf32> to vector<128x128xf32>
    %mul3A_542 = arith.mulf %mul3A_541, %get3A_540 : vector<128x128xf32>
    %add3A_543 = arith.addf %add3A_534, %mul3A_542 : vector<128x128xf32>
    %mul3A_544 = arith.mulf %exp3A_376, %div3A_454 : vector<128x1xf32>
    %get3A_545 = arith.constant 0 : index
    %get3A_546 = arith.constant 10 : index
    %get3A_547 = arith.constant 0 : index
    %get3A_548 = vector.load %arg1[%get3A_545, %get3A_546, %get3A_547] : memref<128x32x128xf32, #tpu.memory_space<vmem>>, vector<128x1x128xf32>
    %get3A_549 = vector.shape_cast %get3A_548 : vector<128x1x128xf32> to vector<128x128xf32>
    %mul3A_550 = vector.broadcast %mul3A_544 : vector<128x1xf32> to vector<128x128xf32>
    %mul3A_551 = arith.mulf %mul3A_550, %get3A_549 : vector<128x128xf32>
    %add3A_552 = arith.addf %add3A_543, %mul3A_551 : vector<128x128xf32>
    %mul3A_553 = arith.mulf %exp3A_378, %div3A_454 : vector<128x1xf32>
    %get3A_554 = arith.constant 0 : index
    %get3A_555 = arith.constant 11 : index
    %get3A_556 = arith.constant 0 : index
    %get3A_557 = vector.load %arg1[%get3A_554, %get3A_555, %get3A_556] : memref<128x32x128xf32, #tpu.memory_space<vmem>>, vector<128x1x128xf32>
    %get3A_558 = vector.shape_cast %get3A_557 : vector<128x1x128xf32> to vector<128x128xf32>
    %mul3A_559 = vector.broadcast %mul3A_553 : vector<128x1xf32> to vector<128x128xf32>
    %mul3A_560 = arith.mulf %mul3A_559, %get3A_558 : vector<128x128xf32>
    %add3A_561 = arith.addf %add3A_552, %mul3A_560 : vector<128x128xf32>
    %mul3A_562 = arith.mulf %exp3A_380, %div3A_454 : vector<128x1xf32>
    %get3A_563 = arith.constant 0 : index
    %get3A_564 = arith.constant 12 : index
    %get3A_565 = arith.constant 0 : index
    %get3A_566 = vector.load %arg1[%get3A_563, %get3A_564, %get3A_565] : memref<128x32x128xf32, #tpu.memory_space<vmem>>, vector<128x1x128xf32>
    %get3A_567 = vector.shape_cast %get3A_566 : vector<128x1x128xf32> to vector<128x128xf32>
    %mul3A_568 = vector.broadcast %mul3A_562 : vector<128x1xf32> to vector<128x128xf32>
    %mul3A_569 = arith.mulf %mul3A_568, %get3A_567 : vector<128x128xf32>
    %add3A_570 = arith.addf %add3A_561, %mul3A_569 : vector<128x128xf32>
    %mul3A_571 = arith.mulf %exp3A_382, %div3A_454 : vector<128x1xf32>
    %get3A_572 = arith.constant 0 : index
    %get3A_573 = arith.constant 13 : index
    %get3A_574 = arith.constant 0 : index
    %get3A_575 = vector.load %arg1[%get3A_572, %get3A_573, %get3A_574] : memref<128x32x128xf32, #tpu.memory_space<vmem>>, vector<128x1x128xf32>
    %get3A_576 = vector.shape_cast %get3A_575 : vector<128x1x128xf32> to vector<128x128xf32>
    %mul3A_577 = vector.broadcast %mul3A_571 : vector<128x1xf32> to vector<128x128xf32>
    %mul3A_578 = arith.mulf %mul3A_577, %get3A_576 : vector<128x128xf32>
    %add3A_579 = arith.addf %add3A_570, %mul3A_578 : vector<128x128xf32>
    %mul3A_580 = arith.mulf %exp3A_384, %div3A_454 : vector<128x1xf32>
    %get3A_581 = arith.constant 0 : index
    %get3A_582 = arith.constant 14 : index
    %get3A_583 = arith.constant 0 : index
    %get3A_584 = vector.load %arg1[%get3A_581, %get3A_582, %get3A_583] : memref<128x32x128xf32, #tpu.memory_space<vmem>>, vector<128x1x128xf32>
    %get3A_585 = vector.shape_cast %get3A_584 : vector<128x1x128xf32> to vector<128x128xf32>
    %mul3A_586 = vector.broadcast %mul3A_580 : vector<128x1xf32> to vector<128x128xf32>
    %mul3A_587 = arith.mulf %mul3A_586, %get3A_585 : vector<128x128xf32>
    %add3A_588 = arith.addf %add3A_579, %mul3A_587 : vector<128x128xf32>
    %mul3A_589 = arith.mulf %exp3A_386, %div3A_454 : vector<128x1xf32>
    %get3A_590 = arith.constant 0 : index
    %get3A_591 = arith.constant 15 : index
    %get3A_592 = arith.constant 0 : index
    %get3A_593 = vector.load %arg1[%get3A_590, %get3A_591, %get3A_592] : memref<128x32x128xf32, #tpu.memory_space<vmem>>, vector<128x1x128xf32>
    %get3A_594 = vector.shape_cast %get3A_593 : vector<128x1x128xf32> to vector<128x128xf32>
    %mul3A_595 = vector.broadcast %mul3A_589 : vector<128x1xf32> to vector<128x128xf32>
    %mul3A_596 = arith.mulf %mul3A_595, %get3A_594 : vector<128x128xf32>
    %add3A_597 = arith.addf %add3A_588, %mul3A_596 : vector<128x128xf32>
    %mul3A_598 = arith.mulf %exp3A_388, %div3A_454 : vector<128x1xf32>
    %get3A_599 = arith.constant 0 : index
    %get3A_600 = arith.constant 16 : index
    %get3A_601 = arith.constant 0 : index
    %get3A_602 = vector.load %arg1[%get3A_599, %get3A_600, %get3A_601] : memref<128x32x128xf32, #tpu.memory_space<vmem>>, vector<128x1x128xf32>
    %get3A_603 = vector.shape_cast %get3A_602 : vector<128x1x128xf32> to vector<128x128xf32>
    %mul3A_604 = vector.broadcast %mul3A_598 : vector<128x1xf32> to vector<128x128xf32>
    %mul3A_605 = arith.mulf %mul3A_604, %get3A_603 : vector<128x128xf32>
    %add3A_606 = arith.addf %add3A_597, %mul3A_605 : vector<128x128xf32>
    %mul3A_607 = arith.mulf %exp3A_390, %div3A_454 : vector<128x1xf32>
    %get3A_608 = arith.constant 0 : index
    %get3A_609 = arith.constant 17 : index
    %get3A_610 = arith.constant 0 : index
    %get3A_611 = vector.load %arg1[%get3A_608, %get3A_609, %get3A_610] : memref<128x32x128xf32, #tpu.memory_space<vmem>>, vector<128x1x128xf32>
    %get3A_612 = vector.shape_cast %get3A_611 : vector<128x1x128xf32> to vector<128x128xf32>
    %mul3A_613 = vector.broadcast %mul3A_607 : vector<128x1xf32> to vector<128x128xf32>
    %mul3A_614 = arith.mulf %mul3A_613, %get3A_612 : vector<128x128xf32>
    %add3A_615 = arith.addf %add3A_606, %mul3A_614 : vector<128x128xf32>
    %mul3A_616 = arith.mulf %exp3A_392, %div3A_454 : vector<128x1xf32>
    %get3A_617 = arith.constant 0 : index
    %get3A_618 = arith.constant 18 : index
    %get3A_619 = arith.constant 0 : index
    %get3A_620 = vector.load %arg1[%get3A_617, %get3A_618, %get3A_619] : memref<128x32x128xf32, #tpu.memory_space<vmem>>, vector<128x1x128xf32>
    %get3A_621 = vector.shape_cast %get3A_620 : vector<128x1x128xf32> to vector<128x128xf32>
    %mul3A_622 = vector.broadcast %mul3A_616 : vector<128x1xf32> to vector<128x128xf32>
    %mul3A_623 = arith.mulf %mul3A_622, %get3A_621 : vector<128x128xf32>
    %add3A_624 = arith.addf %add3A_615, %mul3A_623 : vector<128x128xf32>
    %mul3A_625 = arith.mulf %exp3A_394, %div3A_454 : vector<128x1xf32>
    %get3A_626 = arith.constant 0 : index
    %get3A_627 = arith.constant 19 : index
    %get3A_628 = arith.constant 0 : index
    %get3A_629 = vector.load %arg1[%get3A_626, %get3A_627, %get3A_628] : memref<128x32x128xf32, #tpu.memory_space<vmem>>, vector<128x1x128xf32>
    %get3A_630 = vector.shape_cast %get3A_629 : vector<128x1x128xf32> to vector<128x128xf32>
    %mul3A_631 = vector.broadcast %mul3A_625 : vector<128x1xf32> to vector<128x128xf32>
    %mul3A_632 = arith.mulf %mul3A_631, %get3A_630 : vector<128x128xf32>
    %add3A_633 = arith.addf %add3A_624, %mul3A_632 : vector<128x128xf32>
    %mul3A_634 = arith.mulf %exp3A_396, %div3A_454 : vector<128x1xf32>
    %get3A_635 = arith.constant 0 : index
    %get3A_636 = arith.constant 20 : index
    %get3A_637 = arith.constant 0 : index
    %get3A_638 = vector.load %arg1[%get3A_635, %get3A_636, %get3A_637] : memref<128x32x128xf32, #tpu.memory_space<vmem>>, vector<128x1x128xf32>
    %get3A_639 = vector.shape_cast %get3A_638 : vector<128x1x128xf32> to vector<128x128xf32>
    %mul3A_640 = vector.broadcast %mul3A_634 : vector<128x1xf32> to vector<128x128xf32>
    %mul3A_641 = arith.mulf %mul3A_640, %get3A_639 : vector<128x128xf32>
    %add3A_642 = arith.addf %add3A_633, %mul3A_641 : vector<128x128xf32>
    %mul3A_643 = arith.mulf %exp3A_398, %div3A_454 : vector<128x1xf32>
    %get3A_644 = arith.constant 0 : index
    %get3A_645 = arith.constant 21 : index
    %get3A_646 = arith.constant 0 : index
    %get3A_647 = vector.load %arg1[%get3A_644, %get3A_645, %get3A_646] : memref<128x32x128xf32, #tpu.memory_space<vmem>>, vector<128x1x128xf32>
    %get3A_648 = vector.shape_cast %get3A_647 : vector<128x1x128xf32> to vector<128x128xf32>
    %mul3A_649 = vector.broadcast %mul3A_643 : vector<128x1xf32> to vector<128x128xf32>
    %mul3A_650 = arith.mulf %mul3A_649, %get3A_648 : vector<128x128xf32>
    %add3A_651 = arith.addf %add3A_642, %mul3A_650 : vector<128x128xf32>
    %mul3A_652 = arith.mulf %exp3A_400, %div3A_454 : vector<128x1xf32>
    %get3A_653 = arith.constant 0 : index
    %get3A_654 = arith.constant 22 : index
    %get3A_655 = arith.constant 0 : index
    %get3A_656 = vector.load %arg1[%get3A_653, %get3A_654, %get3A_655] : memref<128x32x128xf32, #tpu.memory_space<vmem>>, vector<128x1x128xf32>
    %get3A_657 = vector.shape_cast %get3A_656 : vector<128x1x128xf32> to vector<128x128xf32>
    %mul3A_658 = vector.broadcast %mul3A_652 : vector<128x1xf32> to vector<128x128xf32>
    %mul3A_659 = arith.mulf %mul3A_658, %get3A_657 : vector<128x128xf32>
    %add3A_660 = arith.addf %add3A_651, %mul3A_659 : vector<128x128xf32>
    %mul3A_661 = arith.mulf %exp3A_402, %div3A_454 : vector<128x1xf32>
    %get3A_662 = arith.constant 0 : index
    %get3A_663 = arith.constant 23 : index
    %get3A_664 = arith.constant 0 : index
    %get3A_665 = vector.load %arg1[%get3A_662, %get3A_663, %get3A_664] : memref<128x32x128xf32, #tpu.memory_space<vmem>>, vector<128x1x128xf32>
    %get3A_666 = vector.shape_cast %get3A_665 : vector<128x1x128xf32> to vector<128x128xf32>
    %mul3A_667 = vector.broadcast %mul3A_661 : vector<128x1xf32> to vector<128x128xf32>
    %mul3A_668 = arith.mulf %mul3A_667, %get3A_666 : vector<128x128xf32>
    %add3A_669 = arith.addf %add3A_660, %mul3A_668 : vector<128x128xf32>
    %mul3A_670 = arith.mulf %exp3A_404, %div3A_454 : vector<128x1xf32>
    %get3A_671 = arith.constant 0 : index
    %get3A_672 = arith.constant 24 : index
    %get3A_673 = arith.constant 0 : index
    %get3A_674 = vector.load %arg1[%get3A_671, %get3A_672, %get3A_673] : memref<128x32x128xf32, #tpu.memory_space<vmem>>, vector<128x1x128xf32>
    %get3A_675 = vector.shape_cast %get3A_674 : vector<128x1x128xf32> to vector<128x128xf32>
    %mul3A_676 = vector.broadcast %mul3A_670 : vector<128x1xf32> to vector<128x128xf32>
    %mul3A_677 = arith.mulf %mul3A_676, %get3A_675 : vector<128x128xf32>
    %add3A_678 = arith.addf %add3A_669, %mul3A_677 : vector<128x128xf32>
    %mul3A_679 = arith.mulf %exp3A_406, %div3A_454 : vector<128x1xf32>
    %get3A_680 = arith.constant 0 : index
    %get3A_681 = arith.constant 25 : index
    %get3A_682 = arith.constant 0 : index
    %get3A_683 = vector.load %arg1[%get3A_680, %get3A_681, %get3A_682] : memref<128x32x128xf32, #tpu.memory_space<vmem>>, vector<128x1x128xf32>
    %get3A_684 = vector.shape_cast %get3A_683 : vector<128x1x128xf32> to vector<128x128xf32>
    %mul3A_685 = vector.broadcast %mul3A_679 : vector<128x1xf32> to vector<128x128xf32>
    %mul3A_686 = arith.mulf %mul3A_685, %get3A_684 : vector<128x128xf32>
    %add3A_687 = arith.addf %add3A_678, %mul3A_686 : vector<128x128xf32>
    %mul3A_688 = arith.mulf %exp3A_408, %div3A_454 : vector<128x1xf32>
    %get3A_689 = arith.constant 0 : index
    %get3A_690 = arith.constant 26 : index
    %get3A_691 = arith.constant 0 : index
    %get3A_692 = vector.load %arg1[%get3A_689, %get3A_690, %get3A_691] : memref<128x32x128xf32, #tpu.memory_space<vmem>>, vector<128x1x128xf32>
    %get3A_693 = vector.shape_cast %get3A_692 : vector<128x1x128xf32> to vector<128x128xf32>
    %mul3A_694 = vector.broadcast %mul3A_688 : vector<128x1xf32> to vector<128x128xf32>
    %mul3A_695 = arith.mulf %mul3A_694, %get3A_693 : vector<128x128xf32>
    %add3A_696 = arith.addf %add3A_687, %mul3A_695 : vector<128x128xf32>
    %mul3A_697 = arith.mulf %exp3A_410, %div3A_454 : vector<128x1xf32>
    %get3A_698 = arith.constant 0 : index
    %get3A_699 = arith.constant 27 : index
    %get3A_700 = arith.constant 0 : index
    %get3A_701 = vector.load %arg1[%get3A_698, %get3A_699, %get3A_700] : memref<128x32x128xf32, #tpu.memory_space<vmem>>, vector<128x1x128xf32>
    %get3A_702 = vector.shape_cast %get3A_701 : vector<128x1x128xf32> to vector<128x128xf32>
    %mul3A_703 = vector.broadcast %mul3A_697 : vector<128x1xf32> to vector<128x128xf32>
    %mul3A_704 = arith.mulf %mul3A_703, %get3A_702 : vector<128x128xf32>
    %add3A_705 = arith.addf %add3A_696, %mul3A_704 : vector<128x128xf32>
    %mul3A_706 = arith.mulf %exp3A_412, %div3A_454 : vector<128x1xf32>
    %get3A_707 = arith.constant 0 : index
    %get3A_708 = arith.constant 28 : index
    %get3A_709 = arith.constant 0 : index
    %get3A_710 = vector.load %arg1[%get3A_707, %get3A_708, %get3A_709] : memref<128x32x128xf32, #tpu.memory_space<vmem>>, vector<128x1x128xf32>
    %get3A_711 = vector.shape_cast %get3A_710 : vector<128x1x128xf32> to vector<128x128xf32>
    %mul3A_712 = vector.broadcast %mul3A_706 : vector<128x1xf32> to vector<128x128xf32>
    %mul3A_713 = arith.mulf %mul3A_712, %get3A_711 : vector<128x128xf32>
    %add3A_714 = arith.addf %add3A_705, %mul3A_713 : vector<128x128xf32>
    %mul3A_715 = arith.mulf %exp3A_414, %div3A_454 : vector<128x1xf32>
    %get3A_716 = arith.constant 0 : index
    %get3A_717 = arith.constant 29 : index
    %get3A_718 = arith.constant 0 : index
    %get3A_719 = vector.load %arg1[%get3A_716, %get3A_717, %get3A_718] : memref<128x32x128xf32, #tpu.memory_space<vmem>>, vector<128x1x128xf32>
    %get3A_720 = vector.shape_cast %get3A_719 : vector<128x1x128xf32> to vector<128x128xf32>
    %mul3A_721 = vector.broadcast %mul3A_715 : vector<128x1xf32> to vector<128x128xf32>
    %mul3A_722 = arith.mulf %mul3A_721, %get3A_720 : vector<128x128xf32>
    %add3A_723 = arith.addf %add3A_714, %mul3A_722 : vector<128x128xf32>
    %mul3A_724 = arith.mulf %exp3A_416, %div3A_454 : vector<128x1xf32>
    %get3A_725 = arith.constant 0 : index
    %get3A_726 = arith.constant 30 : index
    %get3A_727 = arith.constant 0 : index
    %get3A_728 = vector.load %arg1[%get3A_725, %get3A_726, %get3A_727] : memref<128x32x128xf32, #tpu.memory_space<vmem>>, vector<128x1x128xf32>
    %get3A_729 = vector.shape_cast %get3A_728 : vector<128x1x128xf32> to vector<128x128xf32>
    %mul3A_730 = vector.broadcast %mul3A_724 : vector<128x1xf32> to vector<128x128xf32>
    %mul3A_731 = arith.mulf %mul3A_730, %get3A_729 : vector<128x128xf32>
    %add3A_732 = arith.addf %add3A_723, %mul3A_731 : vector<128x128xf32>
    %mul3A_733 = arith.mulf %exp3A_418, %div3A_454 : vector<128x1xf32>
    %get3A_734 = arith.constant 0 : index
    %get3A_735 = arith.constant 31 : index
    %get3A_736 = arith.constant 0 : index
    %get3A_737 = vector.load %arg1[%get3A_734, %get3A_735, %get3A_736] : memref<128x32x128xf32, #tpu.memory_space<vmem>>, vector<128x1x128xf32>
    %get3A_738 = vector.shape_cast %get3A_737 : vector<128x1x128xf32> to vector<128x128xf32>
    %mul3A_739 = vector.broadcast %mul3A_733 : vector<128x1xf32> to vector<128x128xf32>
    %mul3A_740 = arith.mulf %mul3A_739, %get3A_738 : vector<128x128xf32>
    %add3A_741 = arith.addf %add3A_732, %mul3A_740 : vector<128x128xf32>
    %slice3A_742 = vector.extract_strided_slice %add3A_741 {offsets = [0, 0], sizes = [128, 64], strides = [1, 1]} : vector<128x128xf32> to vector<128x64xf32>
    %swap3A = arith.constant 0 : index
    %swap3A_743 = arith.constant 0 : index
    %swap3A_744 = vector.load %arg4[%swap3A, %swap3A_743] : memref<128x64xf32, #tpu.memory_space<vmem>>, vector<128x64xf32>
    tpu.vector_store %arg4[%swap3A, %swap3A_743], %slice3A_742 {strides = array<i32>} : memref<128x64xf32, #tpu.memory_space<vmem>>, vector<128x64xf32>,
    return
  }
  func.func @transform_0(%arg0: i32) -> (i32, i32, i32) {
    %c0_i32 = arith.constant 0 : i32
    %c0_i32_0 = arith.constant 0 : i32
    %c0_i32_1 = arith.constant 0 : i32
    return %arg0, %c0_i32, %c0_i32_0 : i32, i32, i32
  }
  func.func @transform_1(%arg0: i32) -> (i32, i32, i32) {
    %c0_i32 = arith.constant 0 : i32
    %c0_i32_0 = arith.constant 0 : i32
    %c0_i32_1 = arith.constant 0 : i32
    %c0_i32_2 = arith.constant 0 : i32
    return %c0_i32, %c0_i32_0, %c0_i32_1 : i32, i32, i32
  }
  func.func @transform_2(%arg0: i32) -> (i32, i32) {
    %c0_i32 = arith.constant 0 : i32
    %c0_i32_0 = arith.constant 0 : i32
    return %arg0, %c0_i32 : i32, i32
  }
  func.func @transform_3(%arg0: i32) -> (i32, i32) {
    %c0_i32 = arith.constant 0 : i32
    %c0_i32_0 = arith.constant 0 : i32
    return %arg0, %c0_i32 : i32, i32
  }
}

module attributes {stable_mosaic.version = 14 : i64} {
  func.func @_loss_body(%arg0: i32, %arg1: memref<400x64xf32, #tpu.memory_space<vmem>>, %arg2: memref<400x1xi32, #tpu.memory_space<vmem>>, %arg3: memref<64x10xf32, #tpu.memory_space<vmem>>, %arg4: memref<1x10xf32, #tpu.memory_space<vmem>>, %arg5: memref<1x1xf32, #tpu.memory_space<smem>>, %arg6: memref<1x1xf32, #tpu.memory_space<smem>>) attributes {dimension_semantics = [#tpu.dimension_semantics<arbitrary>], iteration_bounds = array<i64: 25>, scalar_prefetch = 0 : i64, scratch_operands = 0 : i64, tpu.core_type = #tpu.core_type<tc>, window_params = [{transform_indices = @transform_0, window_bounds = array<i64: 400, 64>}, {transform_indices = @transform_1, window_bounds = array<i64: 400, 1>}, {pipeline_mode = #tpu.pipeline_mode<synchronous>, transform_indices = @transform_2, window_bounds = array<i64: 64, 10>}, {pipeline_mode = #tpu.pipeline_mode<synchronous>, transform_indices = @transform_3, window_bounds = array<i64: 1, 10>}, {transform_indices = @transform_4, window_bounds = array<i64: 1, 1>}, {transform_indices = @transform_5, window_bounds = array<i64: 1, 1>}]} {
    %get3A = arith.constant 0 : index
    %get3A_0 = arith.constant 0 : index
    %get3A_1 = vector.load %arg1[%get3A, %get3A_0] : memref<400x64xf32, #tpu.memory_space<vmem>>, vector<400x64xf32>
    %get3A_2 = arith.constant 0 : index
    %get3A_3 = arith.constant 0 : index
    %get3A_4 = vector.load %arg3[%get3A_2, %get3A_3] : memref<64x10xf32, #tpu.memory_space<vmem>>, vector<64x10xf32>
    %dot_general3A = arith.constant dense<0.000000e+00> : vector<400x10xf32>
    %dot_general3A_5 = tpu.matmul %get3A_1, %get3A_4, %dot_general3A {dimension_numbers = #tpu.dot_dimension_numbers<[1], [0], [0], [1], [0, 0, 1, 1], [], []>, transpose_lhs_hint = false} : vector<400x64xf32>, vector<64x10xf32>, vector<400x10xf32> -> vector<400x10xf32>
    %get3A_6 = arith.constant 0 : index
    %get3A_7 = arith.constant 0 : index
    %get3A_8 = vector.load %arg4[%get3A_6, %get3A_7] : memref<1x10xf32, #tpu.memory_space<vmem>>, vector<1x10xf32>
    %add3A = vector.broadcast %get3A_8 : vector<1x10xf32> to vector<400x10xf32>
    %add3A_9 = arith.addf %dot_general3A_5, %add3A : vector<400x10xf32>
    %reduce_max3A = arith.constant dense<0xFF800000> : vector<400xf32>
    %reduce_max3A_10 = vector.multi_reduction <maximumf>, %add3A_9, %reduce_max3A [1] : vector<400x10xf32> to vector<400xf32>
    %broadcast_in_dim3A = vector.shape_cast %reduce_max3A_10 : vector<400xf32> to vector<400x1xf32>
    %sub3A = vector.broadcast %broadcast_in_dim3A : vector<400x1xf32> to vector<400x10xf32>
    %sub3A_11 = arith.subf %add3A_9, %sub3A : vector<400x10xf32>
    %exp3A = math.exp %sub3A_11 : vector<400x10xf32>
    %reduce_sum3A = arith.constant dense<0.000000e+00> : vector<400xf32>
    %reduce_sum3A_12 = vector.multi_reduction <add>, %exp3A, %reduce_sum3A [1] : vector<400x10xf32> to vector<400xf32>
    %broadcast_in_dim3A_13 = vector.shape_cast %reduce_sum3A_12 : vector<400xf32> to vector<400x1xf32>
    %log3A = math.log %broadcast_in_dim3A_13 : vector<400x1xf32>
    %sub3A_14 = vector.broadcast %log3A : vector<400x1xf32> to vector<400x10xf32>
    %sub3A_15 = arith.subf %sub3A_11, %sub3A_14 : vector<400x10xf32>
    %iota3A = tpu.iota {dimensions = array<i32: 1>} : vector<400x10xi32>
    %get3A_16 = arith.constant 0 : index
    %get3A_17 = arith.constant 0 : index
    %get3A_18 = vector.load %arg2[%get3A_16, %get3A_17] : memref<400x1xi32, #tpu.memory_space<vmem>>, vector<400x1xi32>
    %eq3A = vector.broadcast %get3A_18 : vector<400x1xi32> to vector<400x10xi32>
    %eq3A_19 = arith.cmpi eq, %iota3A, %eq3A : vector<400x10xi32>
    %jit3A = arith.constant 0.000000e+00 : f32
    %broadcast_in_dim3A_20 = vector.broadcast %jit3A : f32 to vector<400x10xf32>
    %select_n3A = arith.select %eq3A_19, %sub3A_15, %broadcast_in_dim3A_20 : vector<400x10xi1>, vector<400x10xf32>
    %reduce_sum3A_21 = vector.shape_cast %select_n3A : vector<400x10xf32> to vector<1x400x10xf32>
    %reduce_sum3A_22 = arith.constant dense<0.000000e+00> : vector<1xf32>
    %reduce_sum3A_23 = vector.multi_reduction <add>, %reduce_sum3A_21, %reduce_sum3A_22 [1, 2] : vector<1x400x10xf32> to vector<1xf32>
    %reduce_sum3A_24 = vector.shape_cast %reduce_sum3A_23 : vector<1xf32> to vector<1x1x1xf32>
    %reduce_sum3A_25 = vector.extract %reduce_sum3A_24[0, 0, 0] : f32 from vector<1x1x1xf32>
    %eq3A_26 = arith.constant 0 : i32
    %eq3A_27 = arith.cmpi eq, %arg0, %eq3A_26 : i32
    %convert_element_type3A = arith.extui %eq3A_27 : i1 to i32
    %cond3A = arith.constant 0 : i32
    %cond3A_28 = arith.cmpi ne, %convert_element_type3A, %cond3A : i32
    scf.if %cond3A_28 {
      %swap3A_40 = arith.constant 0.000000e+00 : f32
      %swap3A_41 = arith.constant 0 : index
      %swap3A_42 = arith.constant 0 : index
      %swap3A_43 = memref.load %arg6[%swap3A_41, %swap3A_42] : memref<1x1xf32, #tpu.memory_space<smem>>
      memref.store %swap3A_40, %arg6[%swap3A_41, %swap3A_42] : memref<1x1xf32, #tpu.memory_space<smem>>
    } else {
    }
    %get3A_29 = arith.constant 0 : index
    %get3A_30 = arith.constant 0 : index
    %get3A_31 = memref.load %arg6[%get3A_29, %get3A_30] : memref<1x1xf32, #tpu.memory_space<smem>>
    %add3A_32 = arith.addf %get3A_31, %reduce_sum3A_25 : f32
    %swap3A = arith.constant 0 : index
    %swap3A_33 = arith.constant 0 : index
    %swap3A_34 = memref.load %arg6[%swap3A, %swap3A_33] : memref<1x1xf32, #tpu.memory_space<smem>>
    memref.store %add3A_32, %arg6[%swap3A, %swap3A_33] : memref<1x1xf32, #tpu.memory_space<smem>>
    %eq3A_35 = arith.constant 24 : i32
    %eq3A_36 = arith.cmpi eq, %arg0, %eq3A_35 : i32
    %convert_element_type3A_37 = arith.extui %eq3A_36 : i1 to i32
    %cond3A_38 = arith.constant 0 : i32
    %cond3A_39 = arith.cmpi ne, %convert_element_type3A_37, %cond3A_38 : i32
    scf.if %cond3A_39 {
      %get3A_40 = arith.constant 0 : index
      %get3A_41 = arith.constant 0 : index
      %get3A_42 = memref.load %arg6[%get3A_40, %get3A_41] : memref<1x1xf32, #tpu.memory_space<smem>>
      %neg3A = arith.constant 0.000000e+00 : f32
      %neg3A_43 = arith.subf %neg3A, %get3A_42 : f32
      %div3A = arith.constant 1.000000e+04 : f32
      %div3A_44 = arith.divf %neg3A_43, %div3A : f32
      %get3A_45 = arith.constant 0 : index
      %get3A_46 = arith.constant 0 : index
      %get3A_47 = memref.load %arg5[%get3A_45, %get3A_46] : memref<1x1xf32, #tpu.memory_space<smem>>
      %mul3A = arith.constant 9.99999997E-7 : f32
      %mul3A_48 = arith.mulf %mul3A, %get3A_47 : f32
      %add3A_49 = arith.addf %div3A_44, %mul3A_48 : f32
      %swap3A_50 = arith.constant 0 : index
      %swap3A_51 = arith.constant 0 : index
      %swap3A_52 = memref.load %arg6[%swap3A_50, %swap3A_51] : memref<1x1xf32, #tpu.memory_space<smem>>
      memref.store %add3A_49, %arg6[%swap3A_50, %swap3A_51] : memref<1x1xf32, #tpu.memory_space<smem>>
    } else {
    }
    return
  }
  func.func @transform_0(%arg0: i32) -> (i32, i32) {
    %c0_i32 = arith.constant 0 : i32
    %c0_i32_0 = arith.constant 0 : i32
    return %arg0, %c0_i32 : i32, i32
  }
  func.func @transform_1(%arg0: i32) -> (i32, i32) {
    %c0_i32 = arith.constant 0 : i32
    %c0_i32_0 = arith.constant 0 : i32
    return %arg0, %c0_i32 : i32, i32
  }
  func.func @transform_2(%arg0: i32) -> (i32, i32) {
    %c0_i32 = arith.constant 0 : i32
    %c0_i32_0 = arith.constant 0 : i32
    %c0_i32_1 = arith.constant 0 : i32
    return %c0_i32, %c0_i32_0 : i32, i32
  }
  func.func @transform_3(%arg0: i32) -> (i32, i32) {
    %c0_i32 = arith.constant 0 : i32
    %c0_i32_0 = arith.constant 0 : i32
    %c0_i32_1 = arith.constant 0 : i32
    return %c0_i32, %c0_i32_0 : i32, i32
  }
  func.func @transform_4(%arg0: i32) -> (i32, i32) {
    %c0_i32 = arith.constant 0 : i32
    %c0_i32_0 = arith.constant 0 : i32
    %c0_i32_1 = arith.constant 0 : i32
    return %c0_i32, %c0_i32_0 : i32, i32
  }
  func.func @transform_5(%arg0: i32) -> (i32, i32) {
    %c0_i32 = arith.constant 0 : i32
    %c0_i32_0 = arith.constant 0 : i32
    %c0_i32_1 = arith.constant 0 : i32
    return %c0_i32, %c0_i32_0 : i32, i32
  }
}

</mosaic_0001>

<sc_bundles>
// kernel: kernel.11.cloned.1.call-start
scs
__scs_entry_jumppad:
0x0: {  	(pc) =	sbr.rel $0x88, $3  }
0x1: {  	(tag) =	ssettag $0x0;
	lr =	simm.s32 $0x1  }
0x2: {  	[smem:$0x3F95] =	sst lr;
	_ =	strace $0xD0000000  }
0x3: {  	_ = 	snop  }
0x4: {  	_ = 	snop  }
0x5: {  	_ = 	snop  }
0x6: {  	_ = 	snop  }
0x7: {  	_ = 	snop  }
__scs_overlays_trampoline_lowered:
0x8: {  	[smem:$0x3FA4] =	sst s0  }
0x9: {  	[smem:$0x3FA5] =	sst s1  }
0xa: {  	[smem:$0x3FA6] =	sst s2  }
0xb: {  	[smem:$0x3FA7] =	sst s3  }
0xc: {  	[smem:$0x3FA8] =	sst s4  }
0xd: {  	[smem:$0x3FA9] =	sst s5  }
0xe: {  	[smem:$0x3FAA] =	sst s6  }
0xf: {  	[smem:$0x3FAB] =	sst s7  }
0x10: {  	[smem:$0x3FAC] =	sst s8  }
0x11: {  	[smem:$0x3FAD] =	sst s9;
	s0 =	simm.s32 @!p0 $0x0  }
0x12: {  	s1 =	sld [smem:$0x3F93];
	s0 =	simm.s32 @p0 $0x1  }
0x13: {  	[smem:$0x3FAE] =	sst s0;
	s0 =	simm.s32 @!p1 $0x0  }
0x14: {  	s2 =	sld [smem:$0x3F92];
	s0 =	simm.s32 @p1 $0x1  }
0x15: {  	[smem:$0x3FAF] =	sst s0;
	s0 =	simm.s32 @!p2 $0x0  }
0x16: {  	s3 =	sld [smem:$0x3FDB];
	s0 =	simm.s32 @p2 $0x1  }
0x17: {  	s4 =	simm.s32 $0x1BF5;
	[smem:$0x3FB1] =	sst s0  }
0x18: {  	s0 =	sld [smem:$0x3F94];
	_ =	swait.ge [sflag:s4], $0x0  }
0x19: {  	s7 =	sld [smem:$0x3F95]  }
0x1a: {  	s8 =	sadd.s32 $0xFFFFE003, lr  }
0x1b: {  	s9 =	sadd.s32 $0xFFFFFEF7, lr;
	s5 =	simm.s32 $0xFFFFFFFF;
	p2 =	slt.u32 s8, $0xFFFFF086  }
0x1c: {  	p1 =	slt.u32 s9, $0xF7A;
	s5 =	simm.s32 @!p2 $0x0  }
0x1d: {  	s5 =	simm.s32 @p1 $0x1;
	p0 =	seq.s32 s7, s2  }
0x1e: {  	s7 =	smul.u32 @!p0 $0xF7A, s2;
	p2 =	seq.s32 @!p0 s5, $0x0  }
0x1f: {  	s9 =	smul.u32 $0xF7A, s1;
	s8 =	simm.s32 @!p0 $0x1BF5;
	p2 =	por !p2, p0  }
0x20: {  	[sflag:s8] =	ssyncset.s32 @!p0 $0xFFFFF086;
	s6 =	sadd.s32 @!p0 s3, s7;
	s7 =	simm.s32 @!p0 $0x108  }
0x21: {  	s3 =	sadd.s32 s3, s9;
	s6 =	sadd.s32 @!p0 $0x88, s6;
	s7 =	simm.s32 @p2 $0x1082  }
0x22: {  	[simem:s7], [sflag:s8] =	dma.local @!p0 [hbm:s6], $0xF7A  }
0x23: {  	s9 =	sor.u32 $0xD0000000, s2;
	s6 =	simm.s32 $0x108;
	_ =	swait.ge @!p0 [sflag:s8], $0x0  }
0x24: {  	s3 =	sadd.s32 $0x88, s3;
	s6 =	simm.s32 @!p1 $0x1082;
	[sflag:s4] =	ssyncset.s32 $0xFFFFF086  }
0x25: {  	[simem:s6], [sflag:s4] =	dma.local [hbm:s3], $0xF7A  }
0x26: {  	[smem:$0x3F95] =	sst s1;
	(tag) =	ssettag s2;
	_ =	strace s9  }
0x27: {  	s1 =	sld [smem:$0x3FA5]  }
0x28: {  	s2 =	sld [smem:$0x3FA6]  }
0x29: {  	s4 =	sld [smem:$0x3FA8]  }
0x2a: {  	p0 =	seq.s32 s5, $0x0;
	s5 =	sld [smem:$0x3FA9]  }
0x2b: {  	s6 =	sld [smem:$0x3FAA]  }
0x2c: {  	s7 =	sld [smem:$0x3FAB]  }
0x2d: {  	s3 =	simm.s32 $0x108;
	s8 =	sld [smem:$0x3FAC]  }
0x2e: {  	s3 =	simm.s32 @!p0 $0x1082;
	s9 =	sld [smem:$0x3FAD]  }
0x2f: {  	lr =	sadd.s32 s0, s3;
	s0 =	sld [smem:$0x3FA4]  }
0x30: {  	s3 =	sld [smem:$0x3FA7]  }
0x31: {  	[smem:$0x3FB0] =	sst s10  }
0x32: {  	s10 =	sld [smem:$0x3FAE];
	_ =	sdelay $0x3  }
0x33: {  	p0 =	seq.s32 s10, $0x1;
	s10 =	sld [smem:$0x3FB0];
	_ =	sdelay $0x3  }
0x34: {  	[smem:$0x3FB0] =	sst s10  }
0x35: {  	s10 =	sld [smem:$0x3FAF];
	_ =	sdelay $0x3  }
0x36: {  	p1 =	seq.s32 s10, $0x1;
	s10 =	sld [smem:$0x3FB0];
	_ =	sdelay $0x3  }
0x37: {  	[smem:$0x3FB0] =	sst s10  }
0x38: {  	s10 =	sld [smem:$0x3FB1]  }
0x39: {  	_ = 	snop;
	(pc) =	sbr.ind lr, $3  }
0x3a: {  	_ = 	snop  }
0x3b: {  	_ = 	snop  }
0x3c: {  	p2 =	seq.s32 s10, $0x1;
	s10 =	sld [smem:$0x3FB0]  }
0x3d: {  	_ =	shalt  }
0x3e: {  	_ =	shalt  }
0x3f: {  	_ =	shalt  }
0x40: {  	_ =	shalt  }
0x41: {  	_ =	shalt  }
0x42: {  	_ =	shalt  }
0x43: {  	_ =	shalt  }
0x44: {  	_ =	shalt  }
0x45: {  	_ =	shalt  }
0x46: {  	_ =	shalt  }
0x47: {  	_ =	shalt  }
0x48: {  	_ =	shalt  }
0x49: {  	_ =	shalt  }
0x4a: {  	_ =	shalt  }
0x4b: {  	_ =	shalt  }
0x4c: {  	_ =	shalt  }
0x4d: {  	_ =	shalt  }
0x4e: {  	_ =	shalt  }
0x4f: {  	_ =	shalt  }
0x50: {  	_ =	shalt  }
0x51: {  	_ =	shalt  }
0x52: {  	_ =	shalt  }
0x53: {  	_ =	shalt  }
0x54: {  	_ =	shalt  }
0x55: {  	_ =	shalt  }
0x56: {  	_ =	shalt  }
0x57: {  	_ =	shalt  }
0x58: {  	_ =	shalt  }
0x59: {  	_ =	shalt  }
0x5a: {  	_ =	shalt  }
0x5b: {  	_ =	shalt  }
0x5c: {  	_ =	shalt  }
0x5d: {  	_ =	shalt  }
0x5e: {  	_ =	shalt  }
0x5f: {  	_ =	shalt  }
0x60: {  	_ =	shalt  }
0x61: {  	_ =	shalt  }
0x62: {  	_ =	shalt  }
0x63: {  	_ =	shalt  }
0x64: {  	_ =	shalt  }
0x65: {  	_ =	shalt  }
0x66: {  	_ =	shalt  }
0x67: {  	_ =	shalt  }
0x68: {  	_ =	shalt  }
0x69: {  	_ =	shalt  }
0x6a: {  	_ =	shalt  }
0x6b: {  	_ =	shalt  }
0x6c: {  	_ =	shalt  }
0x6d: {  	_ =	shalt  }
0x6e: {  	_ =	shalt  }
0x6f: {  	_ =	shalt  }
0x70: {  	_ =	shalt  }
0x71: {  	_ =	shalt  }
0x72: {  	_ =	shalt  }
0x73: {  	_ =	shalt  }
0x74: {  	_ =	shalt  }
0x75: {  	_ =	shalt  }
0x76: {  	_ =	shalt  }
0x77: {  	_ =	shalt  }
0x78: {  	_ =	shalt  }
0x79: {  	_ =	shalt  }
0x7a: {  	_ =	shalt  }
0x7b: {  	_ =	shalt  }
0x7c: {  	_ =	shalt  }
0x7d: {  	_ =	shalt  }
0x7e: {  	_ =	shalt  }
0x7f: {  	_ =	shalt  }
0x80: {  	_ =	shalt  }
0x81: {  	_ =	shalt  }
0x82: {  	_ =	shalt  }
0x83: {  	_ =	shalt  }
0x84: {  	_ =	shalt  }
0x85: {  	_ =	shalt  }
0x86: {  	_ =	shalt  }
0x87: {  	_ =	shalt  }
.Lfunc_end0:
.L_simem_size_0:
called_computation_lowered:
.L_overlay_start_0:
0x88: {  	s2 =	sld [smem:$0x3FD9]  }
0x89: {  	s3 =	sld [smem:$0x3FFE];
	_ =	sdelay $0x1  }
0x8a: {  	s1 =	srdreg.scid  }
0x8b: {  	s0 =	sand.u32 $0x1, s1  }
0x8c: {  	s14 =	sshll.u32 s0, $0xA;
	s2 =	sadd.s32 s3, s2  }
0x8d: {  	s2 =	sadd.s32 s2, s14  }
0x8e: {  	[smem:$0x3FBC] =	sst s2  }
0x8f: {  	_ = 	snop  }
0x90: {  	s2 =	sld [smem:$0x3FD0];
	_ =	sdelay $0x2  }
0x91: {  	s15 =	simm.s32 $0xA;
	s4 =	simm.s32 $0x10  }
0x92: {  	[smem:s4], [sflag:s15] =	dma.local [hbm:s2], $0x1  }
0x93: {  	_ =	swait.eq [sflag:s15], $0x1  }
0x94: {  	[sflag:s15] =	ssyncset.done $0x0  }
0x95: {  	[sflag:s15] =	ssyncadd.s32 $0xFFFFFFFF  }
0x96: {  	s16 =	sld [smem:$0x10];
	(tm) =	ssettm $0x1  }
0x97: {  	s17 =	sld [smem:$0x3FFB];
	_ =	sdelay $0x3  }
0x98: {  	_ =	strace s17  }
0x99: {  	s3 =	sld [smem:$0x3FFC];
	_ =	sdelay $0x3  }
0x9a: {  	_ =	strace s3  }
0x9b: {  	s3 =	sld [smem:$0x3FFD];
	_ =	sdelay $0x3  }
0x9c: {  	_ =	strace s3  }
0x9d: {  	_ =	strace $0x8FFFFFFF  }
0x9e: {  	s18 =	sld [smem:$0x3FDB];
	_ =	sdelay $0x1  }
0x9f: {  	s19 =	simm.s32 $_scs_section_size  }
0xa0: {  	s5 =	simm.s32 $_size__tile_overlayer_lowered;
	s6 =	simm.s32 $_tile_overlayer_lowered  }
0xa1: {  	s22 =	simm.s32 $0x1BFF;
	s21 =	sshll.u32 s6, $0x1;
	s3 =	sadd.s32 s19, s18  }
0xa2: {  	s7 =	simm.s32 $0x0;
	s20 =	sshll.u32 s5, $0x1;
	s5 =	sadd.s32 s21, s3  }
0xa3: {  	[timem:s7], [sflag:s22] =	dma.local [hbm:s5], s20  }
0xa4: {  	_ =	swait.ge [sflag:s22], s20  }
0xa5: {  	s4 =	ssub.s32 $0x0, s20;
	[sflag:s22] =	ssyncset.done $0x0  }
0xa6: {  	[sflag:s22] =	ssyncadd.s32 s4;
	_ =	sdelay $0x1  }
0xa7: {  	s23 =	simm.s32 $0x1B8B  }
0xa8: {  	_ =	swait.ge [sflag:s23], $0x1  }
0xa9: {  	[sflag:s23] =	ssyncset.done $0x0  }
0xaa: {  	s25 =	simm.s32 $0x1B8E;
	s24 =	sld [smem:$0x3FFE];
	[sflag:s23] =	ssyncadd.s32 $0xFFFFFFFF  }
0xab: {  	s26 =	simm.s32 $execute0_lowered;
	[smem:$0x3FD2] =	sst s25  }
0xac: {  	s5 =	sshll.u32 s26, $0x1;
	_ =	strace $0x80000046;
	[dreg:$0x1] =	wrdreg $0xFFFFFFFF  }
0xad: {  	s28 =	simm.s32 $_size_execute0_lowered;
	s3 =	sadd.s32 s3, s5;
	[dreg:$0x0] =	wrdreg $0x0  }
0xae: {  	s5 =	sshll.u32 s28, $0x1;
	[dreg:$0x2] =	wrdreg s3  }
0xaf: {  	[dreg:$0x3] =	wrdreg s5  }
0xb0: {  	[dreg:$0x4] =	wrdreg $0xC0  }
0xb1: {  	_ =	task [dreg:s7], $0x5FFFF  }
0xb2: {  	[dreg:$0x1] =	wrdreg $0xFFFFFFFF  }
0xb3: {  	[dreg:$0x0] =	wrdreg $0x60  }
0xb4: {  	[dreg:$0x2] =	wrdreg s24  }
0xb5: {  	[dreg:$0x3] =	wrdreg s16  }
0xb6: {  	[dreg:$0x4] =	wrdreg $0x9  }
0xb7: {  	_ =	task.clear_ibuf [dreg:s7], $0x5FFFF;
	_ =	strace $0x90000046  }
0xb8: {  	s29 =	simm.s32 $0x9;
	_ =	strace $0x80000048  }
0xb9: {  	_ =	swait.ge [sflag:s29], $0x1  }
0xba: {  	[sflag:s29] =	ssyncadd.s32 $0xFFFFFFFF  }
0xbb: {  	_ =	strace $0x90000048  }
0xbc: {  	_ =	sfence  }
0xbd: {  	s30 =	sld [smem:$0x0];
	_ =	sdelay $0x2  }
0xbe: {  	s31 =	sshll.u32 s1, $0xD;
	s1 =	sshrl.u32 s1, $0x2  }
0xbf: {  	s3 =	sand.u32 $0x4000, s31;
	s1 =	sadd.s32 s1, s30  }
0xc0: {  	s0 =	sor.u32 s3, s0;
	s1 =	sshll.u32 s1, $0x11  }
0xc1: {  	s0 =	sor.u32 s1, s0  }
0xc2: {  	s0 =	sadd.s32 $0x8F2B, s0  }
0xc3: {  	[sflag:s0] =	ssyncadd.remote.s32 $0x1  }
0xc4: {  	_ =	sfence.sel $0xFFFF  }
0xc5: {  	[dreg:$0x0] =	wrdreg $0xFFFFFFFF;
	(pc) =	sbr.abs _section_cstart, $3  }
0xc6: {  	[dreg:$0x1] =	wrdreg $0xFFFFFFFF  }
0xc7: {  	_ =	task.clear_ibuf [dreg:s7], $0x2FFFF;
	_ =	strace $0x9FFFFFFF  }
0xc8: {  	(tm) =	ssettm $0x7FFFFFFF  }
0xc9: {  	_ =	shalt  }
tec
execute0_lowered:
.L_overlay_start_1:
0x0: {  	(tag) =	ssettag $0x1  }
0x1: {  	s4 =	rddreg [dreg:$0x0]  }
0x2: {  	s7 =	rddreg [dreg:$0x1]  }
0x3: {  	s0 =	rddreg [dreg:$0x2]  }
0x4: {  	s2 =	simm.s32 $0x0;
	s1 =	stileid.u32;
	s3 =	srdreg.scid  }
0x5: {  	s12 =	simm.s32 $0x1;
	s13 =	simm.s32 $0x2;
	s14 =	simm.s32 $0x3  }
0x6: {  	s15 =	simm.s32 $0x4;
	s16 =	simm.s32 $0x0;
	s6 =	smul.u32 $0x5000, s1  }
0x7: {  	[smem:$0x7FF] =	sst s2;
	s5 =	sand.u32 $0x1, s3;
	s10 =	smul.u32 $0x50000, s1  }
0x8: {  	s3 =	sadd.s32 $0x3400, s4;
	s8 =	ssub.s32 $0x2, s5;
	s9 =	smul.u32 $0x2800, s5  }
0x9: {  	_ =	strace $0x80000047;
	s5 =	smul.u32 $0x28000, s5;
	s11 =	sshrl.u32 s8, $0x1  }
0xa: {  	s30 =	sadd.s32 s10, s4;
	s10 =	simm.s32 $0x100;
	s8 =	ssub.s32 s8, s11  }
0xb: {  	s6 =	sadd.s32 s9, s6;
	s5 =	sadd.s32 s5, s30;
	s9 =	simm.s32 $0x80  }
0xc: {  	s11 =	simm.s32 $0x4100;
	s4 =	smax.u32 s8, $0x1;
	s31 =	sor.u32 $0x80, s6  }
0xd: {  	s6 =	sshrl.u32 s6, $0x3;
	s5 =	sadd.s32 $0x53400, s5;
	s8 =	sshrl.u32 s31, $0x3  }
0xe: {  	s6 =	sadd.s32 s6, s7;
	s7 =	sadd.s32 s8, s7;
	s8 =	simm.s32 $0x5  }
.LBB2_1:
0xf: {  	s17 =	sadd.s32 $0x0, s6  }
0x10: {  	[tilespmem:s2], [sflag:$0x5] =	stream.linear.gather [hbm4b:s17+s2], $0x80, $0x38;
	[tilespmem:$0x8100] =	vst v63  }
0x11: {  	_ =	swait.ge [sflag:s8], $0x80  }
0x12: {  	[sflag:s8] =	ssyncset.done $0x0  }
0x13: {  	[sflag:s8] =	ssyncadd.s32 $0xFFFFFF80  }
0x14: {  	[tilespmem:s10], [sflag:$0x1] =	stream.indirect.gather [hbm4b:s3+s9], $0x80, s2, s9, $0xb8;
	[tilespmem:$0x8100] =	vst v63  }
0x15: {  	s30 =	sadd.s32 $0x0, s7  }
0x16: {  	[tilespmem:s9], [sflag:$0x5] =	stream.linear.gather [hbm4b:s30+s2], $0x80, $0x38;
	[tilespmem:$0x8100] =	vst v63  }
0x17: {  	_ =	swait.ge [sflag:s8], $0x80  }
0x18: {  	[sflag:s8] =	ssyncset.done $0x0  }
0x19: {  	[sflag:s8] =	ssyncadd.s32 $0xFFFFFF80  }
0x1a: {  	[tilespmem:s11], [sflag:$0x2] =	stream.indirect.gather [hbm4b:s3+s9], $0x80, s9, s9, $0xb8;
	[tilespmem:$0x8100] =	vst v63  }
0x1b: {  	_ =	swait.ge [sflag:s12], $0x4000  }
0x1c: {  	[sflag:s12] =	ssyncset.done $0x0  }
0x1d: {  	[sflag:s12] =	ssyncadd.s32 $0xFFFFC000  }
0x1e: {  	[hbm4b:s5+s2] =	stream.linear.scatter [tilespmem:s10], [sflag:$0x3], $0x4000, $0x38;
	[tilespmem:$0x8100] =	vst v63  }
0x1f: {  	_ =	swait.ge [sflag:s13], $0x4000  }
0x20: {  	[sflag:s13] =	ssyncset.done $0x0  }
0x21: {  	s31 =	sadd.s32 $0x800, s5;
	[sflag:s13] =	ssyncadd.s32 $0xFFFFC000  }
0x22: {  	[hbm4b:s31+s2] =	stream.linear.scatter [tilespmem:s11], [sflag:$0x4], $0x4000, $0x38;
	[tilespmem:$0x8100] =	vst v63  }
0x23: {  	_ =	swait.ge [sflag:s14], $0x4000  }
0x24: {  	[sflag:s14] =	ssyncset.done $0x0  }
0x25: {  	[sflag:s14] =	ssyncadd.s32 $0xFFFFC000  }
0x26: {  	s18 =	simm.s32 $0x20;
	_ =	swait.ge [sflag:s15], $0x4000  }
0x27: {  	s19 =	simm.s32 $0x40;
	s17 =	sadd.s32 $0x1000, s5;
	[sflag:s15] =	ssyncset.done $0x0  }
.LBB2_2:
0x28: {  	s20 =	sadd.s32 s18, s6  }
0x29: {  	[sflag:s15] =	ssyncadd.s32 $0xFFFFC000;
	s21 =	smov.u32 s19;
	s22 =	sadd.s32 $0x20, s19  }
0x2a: {  	[tilespmem:s2], [sflag:$0x5] =	stream.linear.gather [hbm4b:s20+s2], $0x80, $0x38;
	[tilespmem:$0x8100] =	vst v63  }
0x2b: {  	p0 =	sne.s32 s19, $0x4E0;
	_ =	swait.ge [sflag:s8], $0x80  }
0x2c: {  	[sflag:s8] =	ssyncset.done $0x0  }
0x2d: {  	[sflag:s8] =	ssyncadd.s32 $0xFFFFFF80  }
0x2e: {  	[tilespmem:s10], [sflag:$0x1] =	stream.indirect.gather [hbm4b:s3+s9], $0x80, s2, s9, $0xb8;
	[tilespmem:$0x8100] =	vst v63  }
0x2f: {  	s19 =	sadd.s32 s18, s7;
	s18 =	smov.u32 s21  }
0x30: {  	[tilespmem:s9], [sflag:$0x5] =	stream.linear.gather [hbm4b:s19+s2], $0x80, $0x38;
	[tilespmem:$0x8100] =	vst v63  }
0x31: {  	_ =	swait.ge [sflag:s8], $0x80  }
0x32: {  	[sflag:s8] =	ssyncset.done $0x0  }
0x33: {  	[sflag:s8] =	ssyncadd.s32 $0xFFFFFF80  }
0x34: {  	[tilespmem:s11], [sflag:$0x2] =	stream.indirect.gather [hbm4b:s3+s9], $0x80, s9, s9, $0xb8;
	[tilespmem:$0x8100] =	vst v63  }
0x35: {  	_ =	swait.ge [sflag:s12], $0x4000  }
0x36: {  	[sflag:s12] =	ssyncset.done $0x0  }
0x37: {  	[sflag:s12] =	ssyncadd.s32 $0xFFFFC000  }
0x38: {  	[hbm4b:s17+s2] =	stream.linear.scatter [tilespmem:s10], [sflag:$0x3], $0x4000, $0x38;
	[tilespmem:$0x8100] =	vst v63  }
0x39: {  	_ =	swait.ge [sflag:s13], $0x4000  }
0x3a: {  	[sflag:s13] =	ssyncset.done $0x0  }
0x3b: {  	s19 =	sadd.s32 $0x800, s17;
	[sflag:s13] =	ssyncadd.s32 $0xFFFFC000  }
0x3c: {  	[hbm4b:s19+s2] =	stream.linear.scatter [tilespmem:s11], [sflag:$0x4], $0x4000, $0x38;
	[tilespmem:$0x8100] =	vst v63  }
.Ltmp0:
0x3d: {  	_ =	swait.ge [sflag:s14], $0x4000;
	(pc) =	sbr.rel @p0 .LBB2_2-.Ltmp0, $4  }
0x3e: {  	[sflag:s14] =	ssyncset.done $0x0  }
0x3f: {  	[sflag:s14] =	ssyncadd.s32 $0xFFFFC000  }
0x40: {  	_ =	swait.ge [sflag:s15], $0x4000  }
0x41: {  	s17 =	sadd.s32 $0x1000, s17;
	s19 =	smov.u32 s22;
	[sflag:s15] =	ssyncset.done $0x0  }
0x42: {  	s19 =	sadd.s32 s18, s6;
	[sflag:s15] =	ssyncadd.s32 $0xFFFFC000  }
0x43: {  	[tilespmem:s2], [sflag:$0x5] =	stream.linear.gather [hbm4b:s19+s2], $0x80, $0x38;
	[tilespmem:$0x8100] =	vst v63  }
0x44: {  	_ =	swait.ge [sflag:s8], $0x80  }
0x45: {  	[sflag:s8] =	ssyncset.done $0x0  }
0x46: {  	[sflag:s8] =	ssyncadd.s32 $0xFFFFFF80  }
0x47: {  	[tilespmem:s10], [sflag:$0x1] =	stream.indirect.gather [hbm4b:s3+s9], $0x80, s2, s9, $0xb8;
	[tilespmem:$0x8100] =	vst v63  }
0x48: {  	s30 =	sadd.s32 s18, s7  }
0x49: {  	[tilespmem:s9], [sflag:$0x5] =	stream.linear.gather [hbm4b:s30+s2], $0x80, $0x38;
	[tilespmem:$0x8100] =	vst v63  }
0x4a: {  	_ =	swait.ge [sflag:s8], $0x80  }
0x4b: {  	[sflag:s8] =	ssyncset.done $0x0  }
0x4c: {  	[sflag:s8] =	ssyncadd.s32 $0xFFFFFF80  }
0x4d: {  	[tilespmem:s11], [sflag:$0x2] =	stream.indirect.gather [hbm4b:s3+s9], $0x80, s9, s9, $0xb8;
	[tilespmem:$0x8100] =	vst v63  }
0x4e: {  	_ =	swait.ge [sflag:s12], $0x4000  }
0x4f: {  	[sflag:s12] =	ssyncset.done $0x0  }
0x50: {  	[sflag:s12] =	ssyncadd.s32 $0xFFFFC000  }
0x51: {  	[hbm4b:s17+s2] =	stream.linear.scatter [tilespmem:s10], [sflag:$0x3], $0x4000, $0x38;
	[tilespmem:$0x8100] =	vst v63  }
0x52: {  	_ =	swait.ge [sflag:s13], $0x4000  }
0x53: {  	[sflag:s13] =	ssyncset.done $0x0  }
0x54: {  	s31 =	sadd.s32 $0x800, s17;
	s16 =	sadd.s32 $0x1, s16;
	[sflag:s13] =	ssyncadd.s32 $0xFFFFC000  }
0x55: {  	[hbm4b:s31+s2] =	stream.linear.scatter [tilespmem:s11], [sflag:$0x4], $0x4000, $0x38;
	[tilespmem:$0x8100] =	vst v63  }
0x56: {  	p0 =	sne.s32 s16, s4;
	_ =	swait.ge [sflag:s14], $0x4000  }
.Ltmp1:
0x57: {  	[sflag:s14] =	ssyncset.done $0x0;
	(pc) =	sbr.rel @p0 .LBB2_1-.Ltmp1, $4  }
0x58: {  	[sflag:s14] =	ssyncadd.s32 $0xFFFFC000  }
0x59: {  	_ =	swait.ge [sflag:s15], $0x4000  }
0x5a: {  	[sflag:s15] =	ssyncset.done $0x0  }
0x5b: {  	[sflag:s15] =	ssyncadd.s32 $0xFFFFC000  }
0x5c: {  	_ =	sfence.sel $0x180000  }
0x5d: {  	[bflag:$0x0] =	sbarrier.arrive $0xFFFF  }
0x5e: {  	p0 =	sne.s32 s1, $0x0;
	_ =	strace $0x90000047  }
0x5f: {  	s0 =	sadd.s32 @!p0 $0x100000, s0;
	[bflag:$0x2] =	sbarrier.arrive $0xFFFF  }
0x60: {  	[sflag:s0] =	ssyncadd.tile.s32 @!p0 $0x1;
	_ =	shalt  }
.Lfunc_end2:
_tile_overlayer_lowered:
.L_overlay_start_2:
0x61: {  	(tag) =	ssettag $0x2  }
0x62: {  	s0 =	rddreg [dreg:$0x0];
	s2 =	stileid.u32  }
0x63: {  	s1 =	rddreg [dreg:$0x1];
	p0 =	sne.s32 s2, $0x0  }
0x64: {  	s3 =	rddreg [dreg:$0x2];
	[bflag:$0x3] =	sbarrier.arrive $0xFFFF;
	s2 =	simm.s32 @!p0 $0x1C05  }
0x65: {  	[timem:s3], [sflag:s2] =	dma.local @!p0 [hbm:s0], s1  }
0x66: {  	s0 =	simm.s32 @!p0 $0x5  }
0x67: {  	_ =	swait.ge @!p0 [sflag:s0], s1  }
0x68: {  	s1 =	ssub.s32 @!p0 $0x0, s1;
	[sflag:s0] =	ssyncset.done @!p0 $0x0  }
0x69: {  	[sflag:s0] =	ssyncadd.s32 @!p0 s1  }
0x6a: {  	[bflag:$0x3] =	sbarrier.arrive $0xFFFF  }
0x6b: {  	_ =	shalt  }

// kernel: kernel.14.cloned.1.call-start
scs
__scs_entry_jumppad:
0x0: {  	(pc) =	sbr.rel $0x88, $3  }
0x1: {  	(tag) =	ssettag $0x0;
	lr =	simm.s32 $0x1  }
0x2: {  	[smem:$0x3F95] =	sst lr;
	_ =	strace $0xD0000000  }
0x3: {  	_ = 	snop  }
0x4: {  	_ = 	snop  }
0x5: {  	_ = 	snop  }
0x6: {  	_ = 	snop  }
0x7: {  	_ = 	snop  }
__scs_overlays_trampoline_lowered:
0x8: {  	[smem:$0x3FA4] =	sst s0  }
0x9: {  	[smem:$0x3FA5] =	sst s1  }
0xa: {  	[smem:$0x3FA6] =	sst s2  }
0xb: {  	[smem:$0x3FA7] =	sst s3  }
0xc: {  	[smem:$0x3FA8] =	sst s4  }
0xd: {  	[smem:$0x3FA9] =	sst s5  }
0xe: {  	[smem:$0x3FAA] =	sst s6  }
0xf: {  	[smem:$0x3FAB] =	sst s7  }
0x10: {  	[smem:$0x3FAC] =	sst s8  }
0x11: {  	[smem:$0x3FAD] =	sst s9;
	s0 =	simm.s32 @!p0 $0x0  }
0x12: {  	s1 =	sld [smem:$0x3F93];
	s0 =	simm.s32 @p0 $0x1  }
0x13: {  	[smem:$0x3FAE] =	sst s0;
	s0 =	simm.s32 @!p1 $0x0  }
0x14: {  	s2 =	sld [smem:$0x3F92];
	s0 =	simm.s32 @p1 $0x1  }
0x15: {  	[smem:$0x3FAF] =	sst s0;
	s0 =	simm.s32 @!p2 $0x0  }
0x16: {  	s3 =	sld [smem:$0x3FDB];
	s0 =	simm.s32 @p2 $0x1  }
0x17: {  	s4 =	simm.s32 $0x1BF5;
	[smem:$0x3FB1] =	sst s0  }
0x18: {  	s0 =	sld [smem:$0x3F94];
	_ =	swait.ge [sflag:s4], $0x0  }
0x19: {  	s7 =	sld [smem:$0x3F95]  }
0x1a: {  	s8 =	sadd.s32 $0xFFFFE003, lr  }
0x1b: {  	s9 =	sadd.s32 $0xFFFFFEF7, lr;
	s5 =	simm.s32 $0xFFFFFFFF;
	p2 =	slt.u32 s8, $0xFFFFF086  }
0x1c: {  	p1 =	slt.u32 s9, $0xF7A;
	s5 =	simm.s32 @!p2 $0x0  }
0x1d: {  	s5 =	simm.s32 @p1 $0x1;
	p0 =	seq.s32 s7, s2  }
0x1e: {  	s7 =	smul.u32 @!p0 $0xF7A, s2;
	p2 =	seq.s32 @!p0 s5, $0x0  }
0x1f: {  	s9 =	smul.u32 $0xF7A, s1;
	s8 =	simm.s32 @!p0 $0x1BF5;
	p2 =	por !p2, p0  }
0x20: {  	[sflag:s8] =	ssyncset.s32 @!p0 $0xFFFFF086;
	s6 =	sadd.s32 @!p0 s3, s7;
	s7 =	simm.s32 @!p0 $0x108  }
0x21: {  	s3 =	sadd.s32 s3, s9;
	s6 =	sadd.s32 @!p0 $0x88, s6;
	s7 =	simm.s32 @p2 $0x1082  }
0x22: {  	[simem:s7], [sflag:s8] =	dma.local @!p0 [hbm:s6], $0xF7A  }
0x23: {  	s9 =	sor.u32 $0xD0000000, s2;
	s6 =	simm.s32 $0x108;
	_ =	swait.ge @!p0 [sflag:s8], $0x0  }
0x24: {  	s3 =	sadd.s32 $0x88, s3;
	s6 =	simm.s32 @!p1 $0x1082;
	[sflag:s4] =	ssyncset.s32 $0xFFFFF086  }
0x25: {  	[simem:s6], [sflag:s4] =	dma.local [hbm:s3], $0xF7A  }
0x26: {  	[smem:$0x3F95] =	sst s1;
	(tag) =	ssettag s2;
	_ =	strace s9  }
0x27: {  	s1 =	sld [smem:$0x3FA5]  }
0x28: {  	s2 =	sld [smem:$0x3FA6]  }
0x29: {  	s4 =	sld [smem:$0x3FA8]  }
0x2a: {  	p0 =	seq.s32 s5, $0x0;
	s5 =	sld [smem:$0x3FA9]  }
0x2b: {  	s6 =	sld [smem:$0x3FAA]  }
0x2c: {  	s7 =	sld [smem:$0x3FAB]  }
0x2d: {  	s3 =	simm.s32 $0x108;
	s8 =	sld [smem:$0x3FAC]  }
0x2e: {  	s3 =	simm.s32 @!p0 $0x1082;
	s9 =	sld [smem:$0x3FAD]  }
0x2f: {  	lr =	sadd.s32 s0, s3;
	s0 =	sld [smem:$0x3FA4]  }
0x30: {  	s3 =	sld [smem:$0x3FA7]  }
0x31: {  	[smem:$0x3FB0] =	sst s10  }
0x32: {  	s10 =	sld [smem:$0x3FAE];
	_ =	sdelay $0x3  }
0x33: {  	p0 =	seq.s32 s10, $0x1;
	s10 =	sld [smem:$0x3FB0];
	_ =	sdelay $0x3  }
0x34: {  	[smem:$0x3FB0] =	sst s10  }
0x35: {  	s10 =	sld [smem:$0x3FAF];
	_ =	sdelay $0x3  }
0x36: {  	p1 =	seq.s32 s10, $0x1;
	s10 =	sld [smem:$0x3FB0];
	_ =	sdelay $0x3  }
0x37: {  	[smem:$0x3FB0] =	sst s10  }
0x38: {  	s10 =	sld [smem:$0x3FB1]  }
0x39: {  	_ = 	snop;
	(pc) =	sbr.ind lr, $3  }
0x3a: {  	_ = 	snop  }
0x3b: {  	_ = 	snop  }
0x3c: {  	p2 =	seq.s32 s10, $0x1;
	s10 =	sld [smem:$0x3FB0]  }
0x3d: {  	_ =	shalt  }
0x3e: {  	_ =	shalt  }
0x3f: {  	_ =	shalt  }
0x40: {  	_ =	shalt  }
0x41: {  	_ =	shalt  }
0x42: {  	_ =	shalt  }
0x43: {  	_ =	shalt  }
0x44: {  	_ =	shalt  }
0x45: {  	_ =	shalt  }
0x46: {  	_ =	shalt  }
0x47: {  	_ =	shalt  }
0x48: {  	_ =	shalt  }
0x49: {  	_ =	shalt  }
0x4a: {  	_ =	shalt  }
0x4b: {  	_ =	shalt  }
0x4c: {  	_ =	shalt  }
0x4d: {  	_ =	shalt  }
0x4e: {  	_ =	shalt  }
0x4f: {  	_ =	shalt  }
0x50: {  	_ =	shalt  }
0x51: {  	_ =	shalt  }
0x52: {  	_ =	shalt  }
0x53: {  	_ =	shalt  }
0x54: {  	_ =	shalt  }
0x55: {  	_ =	shalt  }
0x56: {  	_ =	shalt  }
0x57: {  	_ =	shalt  }
0x58: {  	_ =	shalt  }
0x59: {  	_ =	shalt  }
0x5a: {  	_ =	shalt  }
0x5b: {  	_ =	shalt  }
0x5c: {  	_ =	shalt  }
0x5d: {  	_ =	shalt  }
0x5e: {  	_ =	shalt  }
0x5f: {  	_ =	shalt  }
0x60: {  	_ =	shalt  }
0x61: {  	_ =	shalt  }
0x62: {  	_ =	shalt  }
0x63: {  	_ =	shalt  }
0x64: {  	_ =	shalt  }
0x65: {  	_ =	shalt  }
0x66: {  	_ =	shalt  }
0x67: {  	_ =	shalt  }
0x68: {  	_ =	shalt  }
0x69: {  	_ =	shalt  }
0x6a: {  	_ =	shalt  }
0x6b: {  	_ =	shalt  }
0x6c: {  	_ =	shalt  }
0x6d: {  	_ =	shalt  }
0x6e: {  	_ =	shalt  }
0x6f: {  	_ =	shalt  }
0x70: {  	_ =	shalt  }
0x71: {  	_ =	shalt  }
0x72: {  	_ =	shalt  }
0x73: {  	_ =	shalt  }
0x74: {  	_ =	shalt  }
0x75: {  	_ =	shalt  }
0x76: {  	_ =	shalt  }
0x77: {  	_ =	shalt  }
0x78: {  	_ =	shalt  }
0x79: {  	_ =	shalt  }
0x7a: {  	_ =	shalt  }
0x7b: {  	_ =	shalt  }
0x7c: {  	_ =	shalt  }
0x7d: {  	_ =	shalt  }
0x7e: {  	_ =	shalt  }
0x7f: {  	_ =	shalt  }
0x80: {  	_ =	shalt  }
0x81: {  	_ =	shalt  }
0x82: {  	_ =	shalt  }
0x83: {  	_ =	shalt  }
0x84: {  	_ =	shalt  }
0x85: {  	_ =	shalt  }
0x86: {  	_ =	shalt  }
0x87: {  	_ =	shalt  }
.Lfunc_end0:
.L_simem_size_0:
called_computation.1_lowered:
.L_overlay_start_0:
0x88: {  	s2 =	sld [smem:$0x3FD9]  }
0x89: {  	s3 =	sld [smem:$0x3FFE];
	_ =	sdelay $0x1  }
0x8a: {  	s1 =	srdreg.scid  }
0x8b: {  	s0 =	sand.u32 $0x1, s1  }
0x8c: {  	s14 =	sshll.u32 s0, $0xA;
	s2 =	sadd.s32 s3, s2  }
0x8d: {  	s2 =	sadd.s32 s2, s14  }
0x8e: {  	[smem:$0x3FBC] =	sst s2  }
0x8f: {  	_ = 	snop  }
0x90: {  	s2 =	sld [smem:$0x3FD0];
	_ =	sdelay $0x2  }
0x91: {  	s15 =	simm.s32 $0xA;
	s4 =	simm.s32 $0x10  }
0x92: {  	[smem:s4], [sflag:s15] =	dma.local [hbm:s2], $0x1  }
0x93: {  	_ =	swait.eq [sflag:s15], $0x1  }
0x94: {  	[sflag:s15] =	ssyncset.done $0x0  }
0x95: {  	[sflag:s15] =	ssyncadd.s32 $0xFFFFFFFF  }
0x96: {  	s16 =	sld [smem:$0x10];
	(tm) =	ssettm $0x1  }
0x97: {  	s17 =	sld [smem:$0x3FFB];
	_ =	sdelay $0x3  }
0x98: {  	_ =	strace s17  }
0x99: {  	s3 =	sld [smem:$0x3FFC];
	_ =	sdelay $0x3  }
0x9a: {  	_ =	strace s3  }
0x9b: {  	s3 =	sld [smem:$0x3FFD];
	_ =	sdelay $0x3  }
0x9c: {  	_ =	strace s3  }
0x9d: {  	_ =	strace $0x8FFFFFFF  }
0x9e: {  	s18 =	sld [smem:$0x3FDB];
	_ =	sdelay $0x1  }
0x9f: {  	s19 =	simm.s32 $_scs_section_size  }
0xa0: {  	s5 =	simm.s32 $_size__tile_overlayer_lowered;
	s6 =	simm.s32 $_tile_overlayer_lowered  }
0xa1: {  	s22 =	simm.s32 $0x1BFF;
	s21 =	sshll.u32 s6, $0x1;
	s3 =	sadd.s32 s19, s18  }
0xa2: {  	s7 =	simm.s32 $0x0;
	s20 =	sshll.u32 s5, $0x1;
	s5 =	sadd.s32 s21, s3  }
0xa3: {  	[timem:s7], [sflag:s22] =	dma.local [hbm:s5], s20  }
0xa4: {  	_ =	swait.ge [sflag:s22], s20  }
0xa5: {  	s4 =	ssub.s32 $0x0, s20;
	[sflag:s22] =	ssyncset.done $0x0  }
0xa6: {  	[sflag:s22] =	ssyncadd.s32 s4;
	_ =	sdelay $0x1  }
0xa7: {  	s23 =	simm.s32 $0x1B8B  }
0xa8: {  	_ =	swait.ge [sflag:s23], $0x1  }
0xa9: {  	[sflag:s23] =	ssyncset.done $0x0  }
0xaa: {  	s25 =	simm.s32 $0x1B8E;
	s24 =	sld [smem:$0x3FFE];
	[sflag:s23] =	ssyncadd.s32 $0xFFFFFFFF  }
0xab: {  	s26 =	simm.s32 $execute0_lowered;
	[smem:$0x3FD2] =	sst s25  }
0xac: {  	s5 =	sshll.u32 s26, $0x1;
	_ =	strace $0x80000049;
	[dreg:$0x1] =	wrdreg $0xFFFFFFFF  }
0xad: {  	s28 =	simm.s32 $_size_execute0_lowered;
	s3 =	sadd.s32 s3, s5;
	[dreg:$0x0] =	wrdreg $0x0  }
0xae: {  	s5 =	sshll.u32 s28, $0x1;
	[dreg:$0x2] =	wrdreg s3  }
0xaf: {  	[dreg:$0x3] =	wrdreg s5  }
0xb0: {  	[dreg:$0x4] =	wrdreg $0xC0  }
0xb1: {  	_ =	task [dreg:s7], $0x5FFFF  }
0xb2: {  	[dreg:$0x1] =	wrdreg $0xFFFFFFFF  }
0xb3: {  	[dreg:$0x0] =	wrdreg $0x60  }
0xb4: {  	[dreg:$0x2] =	wrdreg s24  }
0xb5: {  	[dreg:$0x3] =	wrdreg s16  }
0xb6: {  	[dreg:$0x4] =	wrdreg $0x9  }
0xb7: {  	_ =	task.clear_ibuf [dreg:s7], $0x5FFFF;
	_ =	strace $0x90000049  }
0xb8: {  	s29 =	simm.s32 $0x9;
	_ =	strace $0x8000004B  }
0xb9: {  	_ =	swait.ge [sflag:s29], $0x1  }
0xba: {  	[sflag:s29] =	ssyncadd.s32 $0xFFFFFFFF  }
0xbb: {  	_ =	strace $0x9000004B  }
0xbc: {  	_ =	sfence  }
0xbd: {  	s30 =	sld [smem:$0x0];
	_ =	sdelay $0x2  }
0xbe: {  	s31 =	sshll.u32 s1, $0xD;
	s1 =	sshrl.u32 s1, $0x2  }
0xbf: {  	s3 =	sand.u32 $0x4000, s31;
	s1 =	sadd.s32 s1, s30  }
0xc0: {  	s0 =	sor.u32 s3, s0;
	s1 =	sshll.u32 s1, $0x11  }
0xc1: {  	s0 =	sor.u32 s1, s0  }
0xc2: {  	s0 =	sadd.s32 $0x8F2B, s0  }
0xc3: {  	[sflag:s0] =	ssyncadd.remote.s32 $0x1  }
0xc4: {  	_ =	sfence.sel $0xFFFF  }
0xc5: {  	[dreg:$0x0] =	wrdreg $0xFFFFFFFF;
	(pc) =	sbr.abs _section_cstart, $3  }
0xc6: {  	[dreg:$0x1] =	wrdreg $0xFFFFFFFF  }
0xc7: {  	_ =	task.clear_ibuf [dreg:s7], $0x2FFFF;
	_ =	strace $0x9FFFFFFF  }
0xc8: {  	(tm) =	ssettm $0x7FFFFFFF  }
0xc9: {  	_ =	shalt  }
tec
execute0_lowered:
.L_overlay_start_1:
0x0: {  	(tag) =	ssettag $0x1  }
0x1: {  	s4 =	rddreg [dreg:$0x0]  }
0x2: {  	s7 =	rddreg [dreg:$0x1]  }
0x3: {  	s0 =	rddreg [dreg:$0x2]  }
0x4: {  	s2 =	simm.s32 $0x0;
	s1 =	stileid.u32;
	s3 =	srdreg.scid  }
0x5: {  	s12 =	simm.s32 $0x1;
	s13 =	simm.s32 $0x2;
	s14 =	simm.s32 $0x3  }
0x6: {  	s15 =	simm.s32 $0x4;
	s16 =	simm.s32 $0x0;
	s6 =	smul.u32 $0x5000, s1  }
0x7: {  	[smem:$0x7FF] =	sst s2;
	s5 =	sand.u32 $0x1, s3;
	s10 =	smul.u32 $0x50000, s1  }
0x8: {  	s3 =	sadd.s32 $0x3400, s4;
	s8 =	ssub.s32 $0x2, s5;
	s9 =	smul.u32 $0x2800, s5  }
0x9: {  	_ =	strace $0x8000004A;
	s5 =	smul.u32 $0x28000, s5;
	s11 =	sshrl.u32 s8, $0x1  }
0xa: {  	s30 =	sadd.s32 s10, s4;
	s10 =	simm.s32 $0x100;
	s8 =	ssub.s32 s8, s11  }
0xb: {  	s6 =	sadd.s32 s9, s6;
	s5 =	sadd.s32 s5, s30;
	s9 =	simm.s32 $0x80  }
0xc: {  	s11 =	simm.s32 $0x4100;
	s4 =	smax.u32 s8, $0x1;
	s31 =	sor.u32 $0x80, s6  }
0xd: {  	s6 =	sshrl.u32 s6, $0x3;
	s5 =	sadd.s32 $0x53400, s5;
	s8 =	sshrl.u32 s31, $0x3  }
0xe: {  	s6 =	sadd.s32 s6, s7;
	s7 =	sadd.s32 s8, s7;
	s8 =	simm.s32 $0x5  }
.LBB2_1:
0xf: {  	s17 =	sadd.s32 $0x0, s6  }
0x10: {  	[tilespmem:s2], [sflag:$0x5] =	stream.linear.gather [hbm4b:s17+s2], $0x80, $0x38;
	[tilespmem:$0x8100] =	vst v63  }
0x11: {  	_ =	swait.ge [sflag:s8], $0x80  }
0x12: {  	[sflag:s8] =	ssyncset.done $0x0  }
0x13: {  	[sflag:s8] =	ssyncadd.s32 $0xFFFFFF80  }
0x14: {  	[tilespmem:s10], [sflag:$0x1] =	stream.indirect.gather [hbm4b:s3+s9], $0x80, s2, s9, $0xb8;
	[tilespmem:$0x8100] =	vst v63  }
0x15: {  	s30 =	sadd.s32 $0x0, s7  }
0x16: {  	[tilespmem:s9], [sflag:$0x5] =	stream.linear.gather [hbm4b:s30+s2], $0x80, $0x38;
	[tilespmem:$0x8100] =	vst v63  }
0x17: {  	_ =	swait.ge [sflag:s8], $0x80  }
0x18: {  	[sflag:s8] =	ssyncset.done $0x0  }
0x19: {  	[sflag:s8] =	ssyncadd.s32 $0xFFFFFF80  }
0x1a: {  	[tilespmem:s11], [sflag:$0x2] =	stream.indirect.gather [hbm4b:s3+s9], $0x80, s9, s9, $0xb8;
	[tilespmem:$0x8100] =	vst v63  }
0x1b: {  	_ =	swait.ge [sflag:s12], $0x4000  }
0x1c: {  	[sflag:s12] =	ssyncset.done $0x0  }
0x1d: {  	[sflag:s12] =	ssyncadd.s32 $0xFFFFC000  }
0x1e: {  	[hbm4b:s5+s2] =	stream.linear.scatter [tilespmem:s10], [sflag:$0x3], $0x4000, $0x38;
	[tilespmem:$0x8100] =	vst v63  }
0x1f: {  	_ =	swait.ge [sflag:s13], $0x4000  }
0x20: {  	[sflag:s13] =	ssyncset.done $0x0  }
0x21: {  	s31 =	sadd.s32 $0x800, s5;
	[sflag:s13] =	ssyncadd.s32 $0xFFFFC000  }
0x22: {  	[hbm4b:s31+s2] =	stream.linear.scatter [tilespmem:s11], [sflag:$0x4], $0x4000, $0x38;
	[tilespmem:$0x8100] =	vst v63  }
0x23: {  	_ =	swait.ge [sflag:s14], $0x4000  }
0x24: {  	[sflag:s14] =	ssyncset.done $0x0  }
0x25: {  	[sflag:s14] =	ssyncadd.s32 $0xFFFFC000  }
0x26: {  	s18 =	simm.s32 $0x20;
	_ =	swait.ge [sflag:s15], $0x4000  }
0x27: {  	s19 =	simm.s32 $0x40;
	s17 =	sadd.s32 $0x1000, s5;
	[sflag:s15] =	ssyncset.done $0x0  }
.LBB2_2:
0x28: {  	s20 =	sadd.s32 s18, s6  }
0x29: {  	[sflag:s15] =	ssyncadd.s32 $0xFFFFC000;
	s21 =	smov.u32 s19;
	s22 =	sadd.s32 $0x20, s19  }
0x2a: {  	[tilespmem:s2], [sflag:$0x5] =	stream.linear.gather [hbm4b:s20+s2], $0x80, $0x38;
	[tilespmem:$0x8100] =	vst v63  }
0x2b: {  	p0 =	sne.s32 s19, $0x4E0;
	_ =	swait.ge [sflag:s8], $0x80  }
0x2c: {  	[sflag:s8] =	ssyncset.done $0x0  }
0x2d: {  	[sflag:s8] =	ssyncadd.s32 $0xFFFFFF80  }
0x2e: {  	[tilespmem:s10], [sflag:$0x1] =	stream.indirect.gather [hbm4b:s3+s9], $0x80, s2, s9, $0xb8;
	[tilespmem:$0x8100] =	vst v63  }
0x2f: {  	s19 =	sadd.s32 s18, s7;
	s18 =	smov.u32 s21  }
0x30: {  	[tilespmem:s9], [sflag:$0x5] =	stream.linear.gather [hbm4b:s19+s2], $0x80, $0x38;
	[tilespmem:$0x8100] =	vst v63  }
0x31: {  	_ =	swait.ge [sflag:s8], $0x80  }
0x32: {  	[sflag:s8] =	ssyncset.done $0x0  }
0x33: {  	[sflag:s8] =	ssyncadd.s32 $0xFFFFFF80  }
0x34: {  	[tilespmem:s11], [sflag:$0x2] =	stream.indirect.gather [hbm4b:s3+s9], $0x80, s9, s9, $0xb8;
	[tilespmem:$0x8100] =	vst v63  }
0x35: {  	_ =	swait.ge [sflag:s12], $0x4000  }
0x36: {  	[sflag:s12] =	ssyncset.done $0x0  }
0x37: {  	[sflag:s12] =	ssyncadd.s32 $0xFFFFC000  }
0x38: {  	[hbm4b:s17+s2] =	stream.linear.scatter [tilespmem:s10], [sflag:$0x3], $0x4000, $0x38;
	[tilespmem:$0x8100] =	vst v63  }
0x39: {  	_ =	swait.ge [sflag:s13], $0x4000  }
0x3a: {  	[sflag:s13] =	ssyncset.done $0x0  }
0x3b: {  	s19 =	sadd.s32 $0x800, s17;
	[sflag:s13] =	ssyncadd.s32 $0xFFFFC000  }
0x3c: {  	[hbm4b:s19+s2] =	stream.linear.scatter [tilespmem:s11], [sflag:$0x4], $0x4000, $0x38;
	[tilespmem:$0x8100] =	vst v63  }
.Ltmp0:
0x3d: {  	_ =	swait.ge [sflag:s14], $0x4000;
	(pc) =	sbr.rel @p0 .LBB2_2-.Ltmp0, $4  }
0x3e: {  	[sflag:s14] =	ssyncset.done $0x0  }
0x3f: {  	[sflag:s14] =	ssyncadd.s32 $0xFFFFC000  }
0x40: {  	_ =	swait.ge [sflag:s15], $0x4000  }
0x41: {  	s17 =	sadd.s32 $0x1000, s17;
	s19 =	smov.u32 s22;
	[sflag:s15] =	ssyncset.done $0x0  }
0x42: {  	s19 =	sadd.s32 s18, s6;
	[sflag:s15] =	ssyncadd.s32 $0xFFFFC000  }
0x43: {  	[tilespmem:s2], [sflag:$0x5] =	stream.linear.gather [hbm4b:s19+s2], $0x80, $0x38;
	[tilespmem:$0x8100] =	vst v63  }
0x44: {  	_ =	swait.ge [sflag:s8], $0x80  }
0x45: {  	[sflag:s8] =	ssyncset.done $0x0  }
0x46: {  	[sflag:s8] =	ssyncadd.s32 $0xFFFFFF80  }
0x47: {  	[tilespmem:s10], [sflag:$0x1] =	stream.indirect.gather [hbm4b:s3+s9], $0x80, s2, s9, $0xb8;
	[tilespmem:$0x8100] =	vst v63  }
0x48: {  	s30 =	sadd.s32 s18, s7  }
0x49: {  	[tilespmem:s9], [sflag:$0x5] =	stream.linear.gather [hbm4b:s30+s2], $0x80, $0x38;
	[tilespmem:$0x8100] =	vst v63  }
0x4a: {  	_ =	swait.ge [sflag:s8], $0x80  }
0x4b: {  	[sflag:s8] =	ssyncset.done $0x0  }
0x4c: {  	[sflag:s8] =	ssyncadd.s32 $0xFFFFFF80  }
0x4d: {  	[tilespmem:s11], [sflag:$0x2] =	stream.indirect.gather [hbm4b:s3+s9], $0x80, s9, s9, $0xb8;
	[tilespmem:$0x8100] =	vst v63  }
0x4e: {  	_ =	swait.ge [sflag:s12], $0x4000  }
0x4f: {  	[sflag:s12] =	ssyncset.done $0x0  }
0x50: {  	[sflag:s12] =	ssyncadd.s32 $0xFFFFC000  }
0x51: {  	[hbm4b:s17+s2] =	stream.linear.scatter [tilespmem:s10], [sflag:$0x3], $0x4000, $0x38;
	[tilespmem:$0x8100] =	vst v63  }
0x52: {  	_ =	swait.ge [sflag:s13], $0x4000  }
0x53: {  	[sflag:s13] =	ssyncset.done $0x0  }
0x54: {  	s31 =	sadd.s32 $0x800, s17;
	s16 =	sadd.s32 $0x1, s16;
	[sflag:s13] =	ssyncadd.s32 $0xFFFFC000  }
0x55: {  	[hbm4b:s31+s2] =	stream.linear.scatter [tilespmem:s11], [sflag:$0x4], $0x4000, $0x38;
	[tilespmem:$0x8100] =	vst v63  }
0x56: {  	p0 =	sne.s32 s16, s4;
	_ =	swait.ge [sflag:s14], $0x4000  }
.Ltmp1:
0x57: {  	[sflag:s14] =	ssyncset.done $0x0;
	(pc) =	sbr.rel @p0 .LBB2_1-.Ltmp1, $4  }
0x58: {  	[sflag:s14] =	ssyncadd.s32 $0xFFFFC000  }
0x59: {  	_ =	swait.ge [sflag:s15], $0x4000  }
0x5a: {  	[sflag:s15] =	ssyncset.done $0x0  }
0x5b: {  	[sflag:s15] =	ssyncadd.s32 $0xFFFFC000  }
0x5c: {  	_ =	sfence.sel $0x180000  }
0x5d: {  	[bflag:$0x0] =	sbarrier.arrive $0xFFFF  }
0x5e: {  	p0 =	sne.s32 s1, $0x0;
	_ =	strace $0x9000004A  }
0x5f: {  	s0 =	sadd.s32 @!p0 $0x100000, s0;
	[bflag:$0x2] =	sbarrier.arrive $0xFFFF  }
0x60: {  	[sflag:s0] =	ssyncadd.tile.s32 @!p0 $0x1;
	_ =	shalt  }
.Lfunc_end2:
_tile_overlayer_lowered:
.L_overlay_start_2:
0x61: {  	(tag) =	ssettag $0x2  }
0x62: {  	s0 =	rddreg [dreg:$0x0];
	s2 =	stileid.u32  }
0x63: {  	s1 =	rddreg [dreg:$0x1];
	p0 =	sne.s32 s2, $0x0  }
0x64: {  	s3 =	rddreg [dreg:$0x2];
	[bflag:$0x3] =	sbarrier.arrive $0xFFFF;
	s2 =	simm.s32 @!p0 $0x1C05  }
0x65: {  	[timem:s3], [sflag:s2] =	dma.local @!p0 [hbm:s0], s1  }
0x66: {  	s0 =	simm.s32 @!p0 $0x5  }
0x67: {  	_ =	swait.ge @!p0 [sflag:s0], s1  }
0x68: {  	s1 =	ssub.s32 @!p0 $0x0, s1;
	[sflag:s0] =	ssyncset.done @!p0 $0x0  }
0x69: {  	[sflag:s0] =	ssyncadd.s32 @!p0 s1  }
0x6a: {  	[bflag:$0x3] =	sbarrier.arrive $0xFFFF  }
0x6b: {  	_ =	shalt  }

</sc_bundles>
